<compile_context>
chip_gen: v7x
topology: tpu7x:2x2x1
jax: 0.10.2.dev20260603
libtpu: 0.0.44.dev20260713+nightly
codegen_flags: <defaults>
</compile_context>

<pallas_src>
import functools

import jax
import jax.numpy as jnp
from jax import lax
from jax.experimental import pallas as pl
from jax.experimental.pallas import tpu as pltpu
from jax.experimental.pallas import tpu_sc as plsc

_N = 10000
_E = 320000
_G = 16
_F0 = 128
_F1 = 128
_F2 = 64

_NC = 2
_NS = 16
_EPT = _E // (_NC * _NS)
_CHUNK40 = 40
_CHUNK80 = 80
_NCHUNK80 = _EPT // _CHUNK80
_NB = 5
_LA = 3
_ZROWS = 640
_NPAD = _NS * _ZROWS

_MESH = plsc.VectorSubcoreMesh(core_axis_name="c", subcore_axis_name="s")


def _sc_degree(dst2):
    zeros = jnp.zeros((_ZROWS,), jnp.float32)
    ones = jnp.ones((_CHUNK80,), jnp.float32)

    @functools.partial(
        pl.kernel,
        out_type=jax.ShapeDtypeStruct((_NC, _NPAD), jnp.float32),
        mesh=_MESH,
        scratch_types=[
            pltpu.VMEM_SHARED((_NPAD,), jnp.float32),
            pltpu.VMEM((_NCHUNK80, _CHUNK80), jnp.int32),
            pltpu.VMEM((_CHUNK80,), jnp.float32),
            pltpu.SemaphoreType.DMA,
        ],
    )
    def deg_kernel(dst_hbm, zeros_hbm, ones_hbm, out_hbm, acc, idx, ones_v,
                   sem):
        c = lax.axis_index("c")
        s = lax.axis_index("s")
        w = c * _NS + s

        pltpu.sync_copy(dst_hbm.at[w], idx)
        pltpu.sync_copy(ones_hbm, ones_v)
        pltpu.sync_copy(zeros_hbm, acc.at[pl.ds(s * _ZROWS, _ZROWS)])
        plsc.subcore_barrier()

        def fire(k, carry):
            pltpu.async_copy(ones_v, acc.at[idx.at[k]], sem, add=True)
            return carry

        lax.fori_loop(0, _NCHUNK80, fire, 0)

        def drain(k, carry):
            pltpu.make_async_copy(ones_v, acc.at[idx.at[k]], sem).wait()
            return carry

        lax.fori_loop(0, _NCHUNK80, drain, 0)
        plsc.subcore_barrier()

        pltpu.sync_copy(acc.at[pl.ds(s * _ZROWS, _ZROWS)],
                        out_hbm.at[c, pl.ds(s * _ZROWS, _ZROWS)])

    return deg_kernel(dst2, zeros, ones)


def _sc_aggregate(hs, src2, dst2, F, chunk):
    nchunk = _EPT // chunk
    zeros = jnp.zeros((_ZROWS, F), jnp.float32)

    @functools.partial(
        pl.kernel,
        out_type=jax.ShapeDtypeStruct((_NC, _NPAD, F), jnp.float32),
        mesh=_MESH,
        compiler_params=pltpu.CompilerParams(use_tc_tiling_on_sc=False),
        scratch_types=[
            pltpu.VMEM_SHARED((_NPAD, F), jnp.float32),
            pltpu.VMEM((nchunk, chunk), jnp.int32),
            pltpu.VMEM((nchunk, chunk), jnp.int32),
            pltpu.VMEM((_NB, chunk, F), jnp.float32),
            pltpu.SemaphoreType.DMA,
            pltpu.SemaphoreType.DMA,
            pltpu.SemaphoreType.DMA,
            pltpu.SemaphoreType.DMA,
            pltpu.SemaphoreType.DMA,
            pltpu.SemaphoreType.DMA,
            pltpu.SemaphoreType.DMA,
            pltpu.SemaphoreType.DMA,
            pltpu.SemaphoreType.DMA,
            pltpu.SemaphoreType.DMA,
        ],
    )
    def agg_kernel(hs_hbm, src_hbm, dst_hbm, zeros_hbm, out_hbm,
                   acc, isrc, idst, rows,
                   gs0, gs1, gs2, gs3, gs4, ss0, ss1, ss2, ss3, ss4):
        c = lax.axis_index("c")
        s = lax.axis_index("s")
        w = c * _NS + s
        gsems = (gs0, gs1, gs2, gs3, gs4)
        ssems = (ss0, ss1, ss2, ss3, ss4)

        pltpu.sync_copy(src_hbm.at[w], isrc)
        pltpu.sync_copy(dst_hbm.at[w], idst)

        def start_gather(k, b):
            pltpu.async_copy(hs_hbm.at[isrc.at[k]], rows.at[b], gsems[b])

        def wait_gather(k, b):
            pltpu.make_async_copy(hs_hbm.at[isrc.at[k]], rows.at[b],
                                  gsems[b]).wait()

        def start_scatter(k, b):
            pltpu.async_copy(rows.at[b], acc.at[idst.at[k]], ssems[b],
                             add=True)

        def wait_scatter(k, b):
            pltpu.make_async_copy(rows.at[b], acc.at[idst.at[k]],
                                  ssems[b]).wait()

        for j in range(_LA):
            start_gather(j, j)
        pltpu.sync_copy(zeros_hbm, acc.at[pl.ds(s * _ZROWS, _ZROWS)])
        plsc.subcore_barrier()

        def slot(k, b):
            @pl.when(k < nchunk)
            def _():
                wait_gather(k, b)
                start_scatter(k, b)
                kn = k + _LA
                @pl.when(kn < nchunk)
                def _():
                    bn = (b + _LA) % _NB
                    @pl.when(kn >= _NB)
                    def _():
                        wait_scatter(kn - _NB, bn)
                    start_gather(kn, bn)

        def body(i, carry):
            for b in range(_NB):
                slot(_NB * i + b, b)
            return carry

        lax.fori_loop(0, (nchunk + _NB - 1) // _NB, body, 0)
        for j in range(_NB):
            k = nchunk - _NB + j
            wait_scatter(k, k % _NB)

        plsc.subcore_barrier()

        pltpu.sync_copy(acc.at[pl.ds(s * _ZROWS, _ZROWS)],
                        out_hbm.at[c, pl.ds(s * _ZROWS, _ZROWS)])

    return agg_kernel(hs, src2, dst2, zeros)


_BN = 2000


def _tc_prescale(x, W1, cnt0, cnt1):

    def body(c0_ref, c1_ref, x_ref, w_ref, hs_ref, dv_ref):
        dv = lax.rsqrt(c0_ref[...] + c1_ref[...] + 1.0)
        dv_ref[...] = dv
        h = jnp.dot(x_ref[...], w_ref[...], preferred_element_type=jnp.float32)
        hs_ref[...] = h * dv

    return pl.pallas_call(
        body,
        grid=(_N // _BN,),
        in_specs=[
            pl.BlockSpec((_BN, 1), lambda i: (i, 0)),
            pl.BlockSpec((_BN, 1), lambda i: (i, 0)),
            pl.BlockSpec((_BN, _F0), lambda i: (i, 0)),
            pl.BlockSpec((_F0, _F1), lambda i: (0, 0)),
        ],
        out_specs=[
            pl.BlockSpec((_BN, _F1), lambda i: (i, 0)),
            pl.BlockSpec((_BN, 1), lambda i: (i, 0)),
        ],
        out_shape=[
            jax.ShapeDtypeStruct((_N, _F1), jnp.float32),
            jax.ShapeDtypeStruct((_N, 1), jnp.float32),
        ],
    )(cnt0, cnt1, x, W1)


def _tc_mid(ys1, hs1, dinv, b1, W2):

    def body(ys_ref, hs_ref, dv_ref, b1_ref, w2_ref, out_ref):
        dv = dv_ref[...]
        t = (ys_ref[0] + ys_ref[1] + hs_ref[...]) * dv + b1_ref[...]
        h1 = jnp.maximum(t, 0.0)
        out_ref[...] = jnp.dot(h1, w2_ref[...],
                               preferred_element_type=jnp.float32) * dv

    return pl.pallas_call(
        body,
        grid=(_N // _BN,),
        in_specs=[
            pl.BlockSpec((_NC, _BN, _F1), lambda i: (0, i, 0)),
            pl.BlockSpec((_BN, _F1), lambda i: (i, 0)),
            pl.BlockSpec((_BN, 1), lambda i: (i, 0)),
            pl.BlockSpec((1, _F1), lambda i: (0, 0)),
            pl.BlockSpec((_F1, _F2), lambda i: (0, 0)),
        ],
        out_specs=pl.BlockSpec((_BN, _F2), lambda i: (i, 0)),
        out_shape=jax.ShapeDtypeStruct((_N, _F2), jnp.float32),
    )(ys1, hs1, dinv, b1.reshape(1, _F1), W2)


def _tc_readout(ys2, hs2, dinv, b2, batch, Wm, bm):
    ngrid = _N // _BN

    def body(ys_ref, hs_ref, dv_ref, b2_ref, bat_ref, wmean_ref, wmax_ref,
             bm_ref, out_ref, sum_acc, max_acc, cnt_acc):
        i = pl.program_id(0)

        @pl.when(i == 0)
        def _():
            sum_acc[...] = jnp.zeros_like(sum_acc)
            max_acc[...] = jnp.full_like(max_acc, -jnp.inf)
            cnt_acc[...] = jnp.zeros_like(cnt_acc)

        h2 = (ys_ref[0] + ys_ref[1] + hs_ref[...]) * dv_ref[...] + b2_ref[...]
        bat = bat_ref[...]
        bmin = bat_ref[0, 0]
        bmax = bat_ref[_BN - 1, 0]

        for g in range(_G):
            @pl.when((bmin <= g) & (g <= bmax))
            def _():
                m = bat == g
                sum_acc[g:g + 1, :] += jnp.sum(
                    jnp.where(m, h2, 0.0), axis=0, keepdims=True)
                max_acc[g:g + 1, :] = jnp.maximum(
                    max_acc[g:g + 1, :],
                    jnp.max(jnp.where(m, h2, -jnp.inf), axis=0, keepdims=True))
                cnt_acc[g:g + 1, :] += jnp.sum(
                    m.astype(jnp.float32), axis=0, keepdims=True)

        @pl.when(i == ngrid - 1)
        def _():
            mean = sum_acc[...] / jnp.maximum(cnt_acc[...], 1.0)
            out_ref[...] = (
                jnp.dot(mean, wmean_ref[...], preferred_element_type=jnp.float32)
                + jnp.dot(max_acc[...], wmax_ref[...],
                          preferred_element_type=jnp.float32)
                + bm_ref[...])

    return pl.pallas_call(
        body,
        grid=(ngrid,),
        in_specs=[
            pl.BlockSpec((_NC, _BN, _F2), lambda i: (0, i, 0)),
            pl.BlockSpec((_BN, _F2), lambda i: (i, 0)),
            pl.BlockSpec((_BN, 1), lambda i: (i, 0)),
            pl.BlockSpec((1, _F2), lambda i: (0, 0)),
            pl.BlockSpec((_BN, 1), lambda i: (i, 0)),
            pl.BlockSpec((_F2, 2), lambda i: (0, 0)),
            pl.BlockSpec((_F2, 2), lambda i: (0, 0)),
            pl.BlockSpec((1, 2), lambda i: (0, 0)),
        ],
        out_specs=pl.BlockSpec((_G, 2), lambda i: (0, 0)),
        out_shape=jax.ShapeDtypeStruct((_G, 2), jnp.float32),
        scratch_shapes=[
            pltpu.VMEM((_G, _F2), jnp.float32),
            pltpu.VMEM((_G, _F2), jnp.float32),
            pltpu.VMEM((_G, 1), jnp.float32),
        ],
    )(ys2, hs2, dinv, b2.reshape(1, _F2), batch.reshape(_N, 1),
      Wm[:_F2], Wm[_F2:], bm.reshape(1, 2))


def kernel(x, edge_index, batch, W1, b1, W2, b2, Wm, bm):
    src40 = edge_index[0].reshape(_NC * _NS, _EPT // _CHUNK40, _CHUNK40)
    dst40 = edge_index[1].reshape(_NC * _NS, _EPT // _CHUNK40, _CHUNK40)
    src80 = edge_index[0].reshape(_NC * _NS, _NCHUNK80, _CHUNK80)
    dst80 = edge_index[1].reshape(_NC * _NS, _NCHUNK80, _CHUNK80)
    cnt = _sc_degree(dst80)
    cnt0 = cnt[0, :_N].reshape(_N, 1)
    cnt1 = cnt[1, :_N].reshape(_N, 1)
    hs1, dinv = _tc_prescale(x, W1, cnt0, cnt1)
    ys1 = _sc_aggregate(hs1, src40, dst40, _F1, _CHUNK40)
    hs2 = _tc_mid(ys1, hs1, dinv, b1, W2)
    ys2 = _sc_aggregate(hs2, src80, dst80, _F2, _CHUNK80)
    return _tc_readout(ys2, hs2, dinv, b2, batch, Wm, bm)

# --- scband reference (transcript-rebuilt; emitter-appended) ---
"""Pipeline reference for scband-gcn-9517647528031 (READ-ONLY COPY).

The authoritative reference and input builder live on the scoring server;
editing this copy changes nothing except your own understanding.
"""

import jax, jax.numpy as jnp
import numpy as np

N = 10000
E = 320000
F_IN = 128
F1 = 128
F2 = 64
G = 16


def setup_inputs(seed: int = 0) -> dict:
    key = jax.random.key(seed)
    ks = jax.random.split(key, 10)
    x = jax.random.normal(ks[0], (N, F_IN), dtype=jnp.float32)
    edge_index = jax.random.randint(ks[1], (2, E), 0, N, dtype=jnp.int32)
    batch = jnp.sort(jax.random.randint(ks[2], (N,), 0, G, dtype=jnp.int32))
    # parameters (xavier-like init)
    W1 = jax.random.normal(ks[3], (F_IN, F1), dtype=jnp.float32) * (1.0 / np.sqrt(F_IN))
    b1 = jax.random.uniform(ks[4], (F1,), dtype=jnp.float32)
    W2 = jax.random.normal(ks[5], (F1, F2), dtype=jnp.float32) * (1.0 / np.sqrt(F1))
    b2 = jax.random.uniform(ks[6], (F2,), dtype=jnp.float32)
    Wm = jax.random.normal(ks[7], (2 * F2, 2), dtype=jnp.float32) * (1.0 / np.sqrt(2 * F2))
    bm = jax.random.uniform(ks[8], (2,), dtype=jnp.float32)
    return {"x": x, "edge_index": edge_index, "batch": batch,
            "W1": W1, "b1": b1, "W2": W2, "b2": b2, "Wm": Wm, "bm": bm}


def gcn_conv(x, edge_index, W, b):
    # PyG GCNConv: x' = D^{-1/2} (A + I) D^{-1/2} (x W) + b
    h = x @ W
    loop = jnp.arange(N, dtype=edge_index.dtype)
    src = jnp.concatenate([edge_index[0], loop])
    dst = jnp.concatenate([edge_index[1], loop])
    deg = jnp.zeros((N,), dtype=h.dtype).at[dst].add(1.0)
    dinv = jnp.where(deg > 0, jax.lax.rsqrt(deg), 0.0)
    norm = dinv[src] * dinv[dst]
    msg = h[src] * norm[:, None]
    out = jax.ops.segment_sum(msg, dst, num_segments=N)
    return out + b


def graph_readout(x, batch):
    # 'meanmax' readout: concat(global_mean_pool, global_max_pool)
    counts = jax.ops.segment_sum(jnp.ones((N,), dtype=x.dtype), batch, num_segments=G)
    mean = jax.ops.segment_sum(x, batch, num_segments=G) / jnp.maximum(counts, 1.0)[:, None]
    mx = jax.ops.segment_max(x, batch, num_segments=G)
    return jnp.concatenate([mean, mx], axis=1)


def reference(x, edge_index, batch, W1, b1, W2, b2, Wm, bm):
    h = gcn_conv(x, edge_index, W1, b1)
    h = jax.nn.relu(h)
    # dropout is identity in eval mode
    h = gcn_conv(h, edge_index, W2, b2)
    r = graph_readout(h, batch)
    out = r @ Wm + bm
    return out

if __name__ == "__main__":
    import jax
    _d = setup_inputs()
    print(jax.jit(kernel)(*tuple(_d.values())))

</pallas_src>

<mosaic_0001>
#map = affine_map<(d0, d1) -> (0, 0)>
#map1 = affine_map<(d0, d1) -> (0, 0, 0)>
module attributes {stable_mosaic.version = 14 : i64} {
  func.func @agg_kernel(%arg0: i32, %arg1: i32, %arg2: memref<10000x128xf32, #tpu.memory_space<hbm>>, %arg3: memref<32x250x40xi32, #tpu.memory_space<hbm>>, %arg4: memref<32x250x40xi32, #tpu.memory_space<hbm>>, %arg5: memref<640x128xf32, #tpu.memory_space<hbm>>, %arg6: memref<2x10240x128xf32, #tpu.memory_space<hbm>>, %arg7: memref<10240x128xf32, #tpu.memory_space<vmem_shared>>, %arg8: memref<250x40xi32, #tpu.memory_space<vmem>>, %arg9: memref<250x40xi32, #tpu.memory_space<vmem>>, %arg10: memref<5x40x128xf32, #tpu.memory_space<vmem>>, %arg11: memref<!tpu.dma_semaphore, #tpu.memory_space<semaphore_mem>>, %arg12: memref<!tpu.dma_semaphore, #tpu.memory_space<semaphore_mem>>, %arg13: memref<!tpu.dma_semaphore, #tpu.memory_space<semaphore_mem>>, %arg14: memref<!tpu.dma_semaphore, #tpu.memory_space<semaphore_mem>>, %arg15: memref<!tpu.dma_semaphore, #tpu.memory_space<semaphore_mem>>, %arg16: memref<!tpu.dma_semaphore, #tpu.memory_space<semaphore_mem>>, %arg17: memref<!tpu.dma_semaphore, #tpu.memory_space<semaphore_mem>>, %arg18: memref<!tpu.dma_semaphore, #tpu.memory_space<semaphore_mem>>, %arg19: memref<!tpu.dma_semaphore, #tpu.memory_space<semaphore_mem>>, %arg20: memref<!tpu.dma_semaphore, #tpu.memory_space<semaphore_mem>>) attributes {dimension_semantics = [#tpu.dimension_semantics<core_parallel>, #tpu.dimension_semantics<subcore_parallel>], iteration_bounds = array<i64: 2, 16>, scalar_prefetch = 0 : i64, scratch_operands = 14 : i64, tpu.core_type = #tpu.core_type<sc_vector_subcore>, window_params = [{transform_indices = #map}, {transform_indices = #map1}, {transform_indices = #map1}, {transform_indices = #map}, {transform_indices = #map1}]} {
    %mul3A = arith.constant 16 : i32
    %mul3A_0 = arith.muli %arg0, %mul3A : i32
    %add3A = arith.addi %mul3A_0, %arg1 : i32
    "tpu.region"() ({
      %run_scoped3A = tpu.sem_alloc : memref<!tpu.dma_semaphore, #tpu.memory_space<semaphore_mem>>
      %dma_start3A_107 = arith.constant 0 : i32
      %dma_start3A_108 = arith.constant 0 : i32
      %dma_start3A_109 = tpu.memref_slice %arg3[%add3A, %dma_start3A_107, %dma_start3A_108] : memref<32x250x40xi32, #tpu.memory_space<hbm>> -> memref<1x250x40xi32, #tpu.memory_space<hbm>>
      %dma_start3A_110 = tpu.memref_squeeze %dma_start3A_109 : memref<1x250x40xi32, #tpu.memory_space<hbm>> -> memref<250x40xi32, #tpu.memory_space<hbm>>
      %dma_start3A_111 = arith.constant 0 : i32
      %dma_start3A_112 = arith.constant 0 : i32
      %dma_start3A_113 = tpu.memref_slice %arg3[%add3A, %dma_start3A_111, %dma_start3A_112] : memref<32x250x40xi32, #tpu.memory_space<hbm>> -> memref<1x250x40xi32, #tpu.memory_space<hbm>>
      %dma_start3A_114 = tpu.memref_squeeze %dma_start3A_113 : memref<1x250x40xi32, #tpu.memory_space<hbm>> -> memref<250x40xi32, #tpu.memory_space<hbm>>
      tpu.enqueue_dma source(%dma_start3A_114 : memref<250x40xi32, #tpu.memory_space<hbm>>) target(%arg8 : memref<250x40xi32, #tpu.memory_space<vmem>>) target_semaphore(%run_scoped3A : memref<!tpu.dma_semaphore, #tpu.memory_space<semaphore_mem>>)
      %dma_wait3A_115 = arith.constant 0 : i32
      %dma_wait3A_116 = arith.constant 0 : i32
      %dma_wait3A_117 = tpu.memref_slice %arg3[%add3A, %dma_wait3A_115, %dma_wait3A_116] : memref<32x250x40xi32, #tpu.memory_space<hbm>> -> memref<1x250x40xi32, #tpu.memory_space<hbm>>
      %dma_wait3A_118 = tpu.memref_squeeze %dma_wait3A_117 : memref<1x250x40xi32, #tpu.memory_space<hbm>> -> memref<250x40xi32, #tpu.memory_space<hbm>>
      %dma_wait3A_119 = arith.constant 0 : i32
      %dma_wait3A_120 = arith.constant 0 : i32
      %dma_wait3A_121 = tpu.memref_slice %arg3[%add3A, %dma_wait3A_119, %dma_wait3A_120] : memref<32x250x40xi32, #tpu.memory_space<hbm>> -> memref<1x250x40xi32, #tpu.memory_space<hbm>>
      %dma_wait3A_122 = tpu.memref_squeeze %dma_wait3A_121 : memref<1x250x40xi32, #tpu.memory_space<hbm>> -> memref<250x40xi32, #tpu.memory_space<hbm>>
      tpu.wait_dma2 semaphore(%run_scoped3A : memref<!tpu.dma_semaphore, #tpu.memory_space<semaphore_mem>>) src(%dma_wait3A_122 : memref<250x40xi32, #tpu.memory_space<hbm>>) dst(%arg8 : memref<250x40xi32, #tpu.memory_space<vmem>>)
      tpu.yield
    }) : () -> ()
    "tpu.region"() ({
      %run_scoped3A = tpu.sem_alloc : memref<!tpu.dma_semaphore, #tpu.memory_space<semaphore_mem>>
      %dma_start3A_107 = arith.constant 0 : i32
      %dma_start3A_108 = arith.constant 0 : i32
      %dma_start3A_109 = tpu.memref_slice %arg4[%add3A, %dma_start3A_107, %dma_start3A_108] : memref<32x250x40xi32, #tpu.memory_space<hbm>> -> memref<1x250x40xi32, #tpu.memory_space<hbm>>
      %dma_start3A_110 = tpu.memref_squeeze %dma_start3A_109 : memref<1x250x40xi32, #tpu.memory_space<hbm>> -> memref<250x40xi32, #tpu.memory_space<hbm>>
      %dma_start3A_111 = arith.constant 0 : i32
      %dma_start3A_112 = arith.constant 0 : i32
      %dma_start3A_113 = tpu.memref_slice %arg4[%add3A, %dma_start3A_111, %dma_start3A_112] : memref<32x250x40xi32, #tpu.memory_space<hbm>> -> memref<1x250x40xi32, #tpu.memory_space<hbm>>
      %dma_start3A_114 = tpu.memref_squeeze %dma_start3A_113 : memref<1x250x40xi32, #tpu.memory_space<hbm>> -> memref<250x40xi32, #tpu.memory_space<hbm>>
      tpu.enqueue_dma source(%dma_start3A_114 : memref<250x40xi32, #tpu.memory_space<hbm>>) target(%arg9 : memref<250x40xi32, #tpu.memory_space<vmem>>) target_semaphore(%run_scoped3A : memref<!tpu.dma_semaphore, #tpu.memory_space<semaphore_mem>>)
      %dma_wait3A_115 = arith.constant 0 : i32
      %dma_wait3A_116 = arith.constant 0 : i32
      %dma_wait3A_117 = tpu.memref_slice %arg4[%add3A, %dma_wait3A_115, %dma_wait3A_116] : memref<32x250x40xi32, #tpu.memory_space<hbm>> -> memref<1x250x40xi32, #tpu.memory_space<hbm>>
      %dma_wait3A_118 = tpu.memref_squeeze %dma_wait3A_117 : memref<1x250x40xi32, #tpu.memory_space<hbm>> -> memref<250x40xi32, #tpu.memory_space<hbm>>
      %dma_wait3A_119 = arith.constant 0 : i32
      %dma_wait3A_120 = arith.constant 0 : i32
      %dma_wait3A_121 = tpu.memref_slice %arg4[%add3A, %dma_wait3A_119, %dma_wait3A_120] : memref<32x250x40xi32, #tpu.memory_space<hbm>> -> memref<1x250x40xi32, #tpu.memory_space<hbm>>
      %dma_wait3A_122 = tpu.memref_squeeze %dma_wait3A_121 : memref<1x250x40xi32, #tpu.memory_space<hbm>> -> memref<250x40xi32, #tpu.memory_space<hbm>>
      tpu.wait_dma2 semaphore(%run_scoped3A : memref<!tpu.dma_semaphore, #tpu.memory_space<semaphore_mem>>) src(%dma_wait3A_122 : memref<250x40xi32, #tpu.memory_space<hbm>>) dst(%arg9 : memref<250x40xi32, #tpu.memory_space<vmem>>)
      tpu.yield
    }) : () -> ()
    %dma_start3A = arith.constant 0 : i32
    %dma_start3A_1 = arith.constant 0 : i32
    %dma_start3A_2 = arith.constant 0 : i32
    %dma_start3A_3 = arith.constant 0 : i32
    %dma_start3A_4 = tpu.memref_slice %arg10[%dma_start3A_1, %dma_start3A_2, %dma_start3A_3] : memref<5x40x128xf32, #tpu.memory_space<vmem>> -> memref<1x40x128xf32, #tpu.memory_space<vmem>>
    %dma_start3A_5 = tpu.memref_squeeze %dma_start3A_4 : memref<1x40x128xf32, #tpu.memory_space<vmem>> -> memref<40x128xf32, #tpu.memory_space<vmem>>
    %dma_start3A_6 = arith.constant 0 : i32
    %dma_start3A_7 = tpu.memref_slice %arg8[%dma_start3A, %dma_start3A_6] : memref<250x40xi32, #tpu.memory_space<vmem>> -> memref<1x40xi32, #tpu.memory_space<vmem>>
    %dma_start3A_8 = tpu.memref_squeeze %dma_start3A_7 : memref<1x40xi32, #tpu.memory_space<vmem>> -> memref<40xi32, #tpu.memory_space<vmem>>
    %dma_start3A_9 = arith.constant 0 : i32
    %dma_start3A_10 = arith.constant 0 : i32
    %dma_start3A_11 = tpu.memref_slice %arg2[%dma_start3A_9, %dma_start3A_10] : memref<10000x128xf32, #tpu.memory_space<hbm>> -> memref<10000x128xf32, #tpu.memory_space<hbm>>
    tpu.enqueue_indirect_dma source(%dma_start3A_11 : memref<10000x128xf32, #tpu.memory_space<hbm>>) target(%dma_start3A_5 : memref<40x128xf32, #tpu.memory_space<vmem>>) offsets(%dma_start3A_8 : memref<40xi32, #tpu.memory_space<vmem>>) semaphore(%arg11 : memref<!tpu.dma_semaphore, #tpu.memory_space<semaphore_mem>>)
    %dma_start3A_12 = arith.constant 1 : i32
    %dma_start3A_13 = arith.constant 1 : i32
    %dma_start3A_14 = arith.constant 0 : i32
    %dma_start3A_15 = arith.constant 0 : i32
    %dma_start3A_16 = tpu.memref_slice %arg10[%dma_start3A_13, %dma_start3A_14, %dma_start3A_15] : memref<5x40x128xf32, #tpu.memory_space<vmem>> -> memref<1x40x128xf32, #tpu.memory_space<vmem>>
    %dma_start3A_17 = tpu.memref_squeeze %dma_start3A_16 : memref<1x40x128xf32, #tpu.memory_space<vmem>> -> memref<40x128xf32, #tpu.memory_space<vmem>>
    %dma_start3A_18 = arith.constant 0 : i32
    %dma_start3A_19 = tpu.memref_slice %arg8[%dma_start3A_12, %dma_start3A_18] : memref<250x40xi32, #tpu.memory_space<vmem>> -> memref<1x40xi32, #tpu.memory_space<vmem>>
    %dma_start3A_20 = tpu.memref_squeeze %dma_start3A_19 : memref<1x40xi32, #tpu.memory_space<vmem>> -> memref<40xi32, #tpu.memory_space<vmem>>
    %dma_start3A_21 = arith.constant 0 : i32
    %dma_start3A_22 = arith.constant 0 : i32
    %dma_start3A_23 = tpu.memref_slice %arg2[%dma_start3A_21, %dma_start3A_22] : memref<10000x128xf32, #tpu.memory_space<hbm>> -> memref<10000x128xf32, #tpu.memory_space<hbm>>
    tpu.enqueue_indirect_dma source(%dma_start3A_23 : memref<10000x128xf32, #tpu.memory_space<hbm>>) target(%dma_start3A_17 : memref<40x128xf32, #tpu.memory_space<vmem>>) offsets(%dma_start3A_20 : memref<40xi32, #tpu.memory_space<vmem>>) semaphore(%arg12 : memref<!tpu.dma_semaphore, #tpu.memory_space<semaphore_mem>>)
    %dma_start3A_24 = arith.constant 2 : i32
    %dma_start3A_25 = arith.constant 2 : i32
    %dma_start3A_26 = arith.constant 0 : i32
    %dma_start3A_27 = arith.constant 0 : i32
    %dma_start3A_28 = tpu.memref_slice %arg10[%dma_start3A_25, %dma_start3A_26, %dma_start3A_27] : memref<5x40x128xf32, #tpu.memory_space<vmem>> -> memref<1x40x128xf32, #tpu.memory_space<vmem>>
    %dma_start3A_29 = tpu.memref_squeeze %dma_start3A_28 : memref<1x40x128xf32, #tpu.memory_space<vmem>> -> memref<40x128xf32, #tpu.memory_space<vmem>>
    %dma_start3A_30 = arith.constant 0 : i32
    %dma_start3A_31 = tpu.memref_slice %arg8[%dma_start3A_24, %dma_start3A_30] : memref<250x40xi32, #tpu.memory_space<vmem>> -> memref<1x40xi32, #tpu.memory_space<vmem>>
    %dma_start3A_32 = tpu.memref_squeeze %dma_start3A_31 : memref<1x40xi32, #tpu.memory_space<vmem>> -> memref<40xi32, #tpu.memory_space<vmem>>
    %dma_start3A_33 = arith.constant 0 : i32
    %dma_start3A_34 = arith.constant 0 : i32
    %dma_start3A_35 = tpu.memref_slice %arg2[%dma_start3A_33, %dma_start3A_34] : memref<10000x128xf32, #tpu.memory_space<hbm>> -> memref<10000x128xf32, #tpu.memory_space<hbm>>
    tpu.enqueue_indirect_dma source(%dma_start3A_35 : memref<10000x128xf32, #tpu.memory_space<hbm>>) target(%dma_start3A_29 : memref<40x128xf32, #tpu.memory_space<vmem>>) offsets(%dma_start3A_32 : memref<40xi32, #tpu.memory_space<vmem>>) semaphore(%arg13 : memref<!tpu.dma_semaphore, #tpu.memory_space<semaphore_mem>>)
    %mul3A_36 = arith.constant 640 : i32
    %mul3A_37 = arith.muli %arg1, %mul3A_36 : i32
    "tpu.region"() ({
      %run_scoped3A = tpu.sem_alloc : memref<!tpu.dma_semaphore, #tpu.memory_space<semaphore_mem>>
      %dma_start3A_107 = arith.constant 0 : i32
      %dma_start3A_108 = tpu.memref_slice %arg7[%mul3A_37, %dma_start3A_107] : memref<10240x128xf32, #tpu.memory_space<vmem_shared>> -> memref<640x128xf32, #tpu.memory_space<vmem_shared>>
      tpu.enqueue_dma source(%arg5 : memref<640x128xf32, #tpu.memory_space<hbm>>) target(%dma_start3A_108 : memref<640x128xf32, #tpu.memory_space<vmem_shared>>) target_semaphore(%run_scoped3A : memref<!tpu.dma_semaphore, #tpu.memory_space<semaphore_mem>>)
      %dma_wait3A_109 = arith.constant 0 : i32
      %dma_wait3A_110 = tpu.memref_slice %arg7[%mul3A_37, %dma_wait3A_109] : memref<10240x128xf32, #tpu.memory_space<vmem_shared>> -> memref<640x128xf32, #tpu.memory_space<vmem_shared>>
      tpu.wait_dma2 semaphore(%run_scoped3A : memref<!tpu.dma_semaphore, #tpu.memory_space<semaphore_mem>>) src(%arg5 : memref<640x128xf32, #tpu.memory_space<hbm>>) dst(%dma_wait3A_110 : memref<640x128xf32, #tpu.memory_space<vmem_shared>>)
      tpu.yield
    }) : () -> ()
    %barrier3A = arith.constant 0 : index
    tpu.barrier barrier_id(%barrier3A)
    %scan3A = arith.constant 0 : i32
    %scan3A_38 = arith.constant 0 : i32
    %scan3A_39 = arith.constant 50 : i32
    %scan3A_40 = arith.addi %scan3A_38, %scan3A_39 : i32
    %scan3A_41 = arith.constant 1 : i32
    scf.for %scan3A_107 = %scan3A_38 to %scan3A_40 step %scan3A_41  : i32 {
      %mul3A_108 = arith.constant 5 : i32
      %mul3A_109 = arith.muli %mul3A_108, %scan3A_107 : i32
      %add3A_110 = arith.constant 0 : i32
      %add3A_111 = arith.addi %mul3A_109, %add3A_110 : i32
      %lt3A = arith.constant 250 : i32
      %lt3A_112 = arith.cmpi slt, %add3A_111, %lt3A : i32
      %convert_element_type3A = arith.extui %lt3A_112 : i1 to i32
      %cond3A = arith.constant 0 : i32
      %cond3A_113 = arith.cmpi ne, %convert_element_type3A, %cond3A : i32
      scf.if %cond3A_113 {
        %dma_wait3A_150 = arith.constant 0 : i32
        %dma_wait3A_151 = arith.constant 0 : i32
        %dma_wait3A_152 = arith.constant 0 : i32
        %dma_wait3A_153 = tpu.memref_slice %arg10[%dma_wait3A_150, %dma_wait3A_151, %dma_wait3A_152] : memref<5x40x128xf32, #tpu.memory_space<vmem>> -> memref<1x40x128xf32, #tpu.memory_space<vmem>>
        %dma_wait3A_154 = tpu.memref_squeeze %dma_wait3A_153 : memref<1x40x128xf32, #tpu.memory_space<vmem>> -> memref<40x128xf32, #tpu.memory_space<vmem>>
        %dma_wait3A_155 = arith.constant 0 : i32
        %dma_wait3A_156 = tpu.memref_slice %arg8[%add3A_111, %dma_wait3A_155] : memref<250x40xi32, #tpu.memory_space<vmem>> -> memref<1x40xi32, #tpu.memory_space<vmem>>
        %dma_wait3A_157 = tpu.memref_squeeze %dma_wait3A_156 : memref<1x40xi32, #tpu.memory_space<vmem>> -> memref<40xi32, #tpu.memory_space<vmem>>
        %dma_wait3A_158 = arith.constant 0 : i32
        %dma_wait3A_159 = arith.constant 0 : i32
        %dma_wait3A_160 = tpu.memref_slice %arg2[%dma_wait3A_158, %dma_wait3A_159] : memref<10000x128xf32, #tpu.memory_space<hbm>> -> memref<10000x128xf32, #tpu.memory_space<hbm>>
        tpu.wait_indirect_dma semaphore(%arg11 : memref<!tpu.dma_semaphore, #tpu.memory_space<semaphore_mem>>) src(%dma_wait3A_160 : memref<10000x128xf32, #tpu.memory_space<hbm>>) dst(%dma_wait3A_154 : memref<40x128xf32, #tpu.memory_space<vmem>>)
        %dma_start3A_161 = arith.constant 0 : i32
        %dma_start3A_162 = arith.constant 0 : i32
        %dma_start3A_163 = arith.constant 0 : i32
        %dma_start3A_164 = tpu.memref_slice %arg10[%dma_start3A_161, %dma_start3A_162, %dma_start3A_163] : memref<5x40x128xf32, #tpu.memory_space<vmem>> -> memref<1x40x128xf32, #tpu.memory_space<vmem>>
        %dma_start3A_165 = tpu.memref_squeeze %dma_start3A_164 : memref<1x40x128xf32, #tpu.memory_space<vmem>> -> memref<40x128xf32, #tpu.memory_space<vmem>>
        %dma_start3A_166 = arith.constant 0 : i32
        %dma_start3A_167 = tpu.memref_slice %arg9[%add3A_111, %dma_start3A_166] : memref<250x40xi32, #tpu.memory_space<vmem>> -> memref<1x40xi32, #tpu.memory_space<vmem>>
        %dma_start3A_168 = tpu.memref_squeeze %dma_start3A_167 : memref<1x40xi32, #tpu.memory_space<vmem>> -> memref<40xi32, #tpu.memory_space<vmem>>
        %dma_start3A_169 = arith.constant 0 : i32
        %dma_start3A_170 = arith.constant 0 : i32
        %dma_start3A_171 = tpu.memref_slice %arg7[%dma_start3A_169, %dma_start3A_170] : memref<10240x128xf32, #tpu.memory_space<vmem_shared>> -> memref<10240x128xf32, #tpu.memory_space<vmem_shared>>
        tpu.enqueue_indirect_dma source(%dma_start3A_165 : memref<40x128xf32, #tpu.memory_space<vmem>>) target(%dma_start3A_171 : memref<10240x128xf32, #tpu.memory_space<vmem_shared>>) offsets(%dma_start3A_168 : memref<40xi32, #tpu.memory_space<vmem>>) semaphore(%arg16 : memref<!tpu.dma_semaphore, #tpu.memory_space<semaphore_mem>>) {add = true}
        %add3A_172 = arith.constant 3 : i32
        %add3A_173 = arith.addi %add3A_111, %add3A_172 : i32
        %lt3A_174 = arith.constant 250 : i32
        %lt3A_175 = arith.cmpi slt, %add3A_173, %lt3A_174 : i32
        %convert_element_type3A_176 = arith.extui %lt3A_175 : i1 to i32
        %cond3A_177 = arith.constant 0 : i32
        %cond3A_178 = arith.cmpi ne, %convert_element_type3A_176, %cond3A_177 : i32
        scf.if %cond3A_178 {
          %ge3A = arith.constant 5 : i32
          %ge3A_179 = arith.cmpi sge, %add3A_173, %ge3A : i32
          %convert_element_type3A_180 = arith.extui %ge3A_179 : i1 to i32
          %cond3A_181 = arith.constant 0 : i32
          %cond3A_182 = arith.cmpi ne, %convert_element_type3A_180, %cond3A_181 : i32
          scf.if %cond3A_182 {
            %sub3A = arith.constant 5 : i32
            %sub3A_194 = arith.subi %add3A_173, %sub3A : i32
            %dma_wait3A_195 = arith.constant 3 : i32
            %dma_wait3A_196 = arith.constant 0 : i32
            %dma_wait3A_197 = arith.constant 0 : i32
            %dma_wait3A_198 = tpu.memref_slice %arg10[%dma_wait3A_195, %dma_wait3A_196, %dma_wait3A_197] : memref<5x40x128xf32, #tpu.memory_space<vmem>> -> memref<1x40x128xf32, #tpu.memory_space<vmem>>
            %dma_wait3A_199 = tpu.memref_squeeze %dma_wait3A_198 : memref<1x40x128xf32, #tpu.memory_space<vmem>> -> memref<40x128xf32, #tpu.memory_space<vmem>>
            %dma_wait3A_200 = arith.constant 0 : i32
            %dma_wait3A_201 = tpu.memref_slice %arg9[%sub3A_194, %dma_wait3A_200] : memref<250x40xi32, #tpu.memory_space<vmem>> -> memref<1x40xi32, #tpu.memory_space<vmem>>
            %dma_wait3A_202 = tpu.memref_squeeze %dma_wait3A_201 : memref<1x40xi32, #tpu.memory_space<vmem>> -> memref<40xi32, #tpu.memory_space<vmem>>
            %dma_wait3A_203 = arith.constant 0 : i32
            %dma_wait3A_204 = arith.constant 0 : i32
            %dma_wait3A_205 = tpu.memref_slice %arg7[%dma_wait3A_203, %dma_wait3A_204] : memref<10240x128xf32, #tpu.memory_space<vmem_shared>> -> memref<10240x128xf32, #tpu.memory_space<vmem_shared>>
            tpu.wait_indirect_dma semaphore(%arg19 : memref<!tpu.dma_semaphore, #tpu.memory_space<semaphore_mem>>) src(%dma_wait3A_199 : memref<40x128xf32, #tpu.memory_space<vmem>>) dst(%dma_wait3A_205 : memref<10240x128xf32, #tpu.memory_space<vmem_shared>>)
          } else {
          }
          %dma_start3A_183 = arith.constant 3 : i32
          %dma_start3A_184 = arith.constant 0 : i32
          %dma_start3A_185 = arith.constant 0 : i32
          %dma_start3A_186 = tpu.memref_slice %arg10[%dma_start3A_183, %dma_start3A_184, %dma_start3A_185] : memref<5x40x128xf32, #tpu.memory_space<vmem>> -> memref<1x40x128xf32, #tpu.memory_space<vmem>>
          %dma_start3A_187 = tpu.memref_squeeze %dma_start3A_186 : memref<1x40x128xf32, #tpu.memory_space<vmem>> -> memref<40x128xf32, #tpu.memory_space<vmem>>
          %dma_start3A_188 = arith.constant 0 : i32
          %dma_start3A_189 = tpu.memref_slice %arg8[%add3A_173, %dma_start3A_188] : memref<250x40xi32, #tpu.memory_space<vmem>> -> memref<1x40xi32, #tpu.memory_space<vmem>>
          %dma_start3A_190 = tpu.memref_squeeze %dma_start3A_189 : memref<1x40xi32, #tpu.memory_space<vmem>> -> memref<40xi32, #tpu.memory_space<vmem>>
          %dma_start3A_191 = arith.constant 0 : i32
          %dma_start3A_192 = arith.constant 0 : i32
          %dma_start3A_193 = tpu.memref_slice %arg2[%dma_start3A_191, %dma_start3A_192] : memref<10000x128xf32, #tpu.memory_space<hbm>> -> memref<10000x128xf32, #tpu.memory_space<hbm>>
          tpu.enqueue_indirect_dma source(%dma_start3A_193 : memref<10000x128xf32, #tpu.memory_space<hbm>>) target(%dma_start3A_187 : memref<40x128xf32, #tpu.memory_space<vmem>>) offsets(%dma_start3A_190 : memref<40xi32, #tpu.memory_space<vmem>>) semaphore(%arg14 : memref<!tpu.dma_semaphore, #tpu.memory_space<semaphore_mem>>)
        } else {
        }
      } else {
      }
      %mul3A_114 = arith.constant 5 : i32
      %mul3A_115 = arith.muli %mul3A_114, %scan3A_107 : i32
      %add3A_116 = arith.constant 1 : i32
      %add3A_117 = arith.addi %mul3A_115, %add3A_116 : i32
      %lt3A_118 = arith.constant 250 : i32
      %lt3A_119 = arith.cmpi slt, %add3A_117, %lt3A_118 : i32
      %convert_element_type3A_120 = arith.extui %lt3A_119 : i1 to i32
      %cond3A_121 = arith.constant 0 : i32
      %cond3A_122 = arith.cmpi ne, %convert_element_type3A_120, %cond3A_121 : i32
      scf.if %cond3A_122 {
        %dma_wait3A_150 = arith.constant 1 : i32
        %dma_wait3A_151 = arith.constant 0 : i32
        %dma_wait3A_152 = arith.constant 0 : i32
        %dma_wait3A_153 = tpu.memref_slice %arg10[%dma_wait3A_150, %dma_wait3A_151, %dma_wait3A_152] : memref<5x40x128xf32, #tpu.memory_space<vmem>> -> memref<1x40x128xf32, #tpu.memory_space<vmem>>
        %dma_wait3A_154 = tpu.memref_squeeze %dma_wait3A_153 : memref<1x40x128xf32, #tpu.memory_space<vmem>> -> memref<40x128xf32, #tpu.memory_space<vmem>>
        %dma_wait3A_155 = arith.constant 0 : i32
        %dma_wait3A_156 = tpu.memref_slice %arg8[%add3A_117, %dma_wait3A_155] : memref<250x40xi32, #tpu.memory_space<vmem>> -> memref<1x40xi32, #tpu.memory_space<vmem>>
        %dma_wait3A_157 = tpu.memref_squeeze %dma_wait3A_156 : memref<1x40xi32, #tpu.memory_space<vmem>> -> memref<40xi32, #tpu.memory_space<vmem>>
        %dma_wait3A_158 = arith.constant 0 : i32
        %dma_wait3A_159 = arith.constant 0 : i32
        %dma_wait3A_160 = tpu.memref_slice %arg2[%dma_wait3A_158, %dma_wait3A_159] : memref<10000x128xf32, #tpu.memory_space<hbm>> -> memref<10000x128xf32, #tpu.memory_space<hbm>>
        tpu.wait_indirect_dma semaphore(%arg12 : memref<!tpu.dma_semaphore, #tpu.memory_space<semaphore_mem>>) src(%dma_wait3A_160 : memref<10000x128xf32, #tpu.memory_space<hbm>>) dst(%dma_wait3A_154 : memref<40x128xf32, #tpu.memory_space<vmem>>)
        %dma_start3A_161 = arith.constant 1 : i32
        %dma_start3A_162 = arith.constant 0 : i32
        %dma_start3A_163 = arith.constant 0 : i32
        %dma_start3A_164 = tpu.memref_slice %arg10[%dma_start3A_161, %dma_start3A_162, %dma_start3A_163] : memref<5x40x128xf32, #tpu.memory_space<vmem>> -> memref<1x40x128xf32, #tpu.memory_space<vmem>>
        %dma_start3A_165 = tpu.memref_squeeze %dma_start3A_164 : memref<1x40x128xf32, #tpu.memory_space<vmem>> -> memref<40x128xf32, #tpu.memory_space<vmem>>
        %dma_start3A_166 = arith.constant 0 : i32
        %dma_start3A_167 = tpu.memref_slice %arg9[%add3A_117, %dma_start3A_166] : memref<250x40xi32, #tpu.memory_space<vmem>> -> memref<1x40xi32, #tpu.memory_space<vmem>>
        %dma_start3A_168 = tpu.memref_squeeze %dma_start3A_167 : memref<1x40xi32, #tpu.memory_space<vmem>> -> memref<40xi32, #tpu.memory_space<vmem>>
        %dma_start3A_169 = arith.constant 0 : i32
        %dma_start3A_170 = arith.constant 0 : i32
        %dma_start3A_171 = tpu.memref_slice %arg7[%dma_start3A_169, %dma_start3A_170] : memref<10240x128xf32, #tpu.memory_space<vmem_shared>> -> memref<10240x128xf32, #tpu.memory_space<vmem_shared>>
        tpu.enqueue_indirect_dma source(%dma_start3A_165 : memref<40x128xf32, #tpu.memory_space<vmem>>) target(%dma_start3A_171 : memref<10240x128xf32, #tpu.memory_space<vmem_shared>>) offsets(%dma_start3A_168 : memref<40xi32, #tpu.memory_space<vmem>>) semaphore(%arg17 : memref<!tpu.dma_semaphore, #tpu.memory_space<semaphore_mem>>) {add = true}
        %add3A_172 = arith.constant 3 : i32
        %add3A_173 = arith.addi %add3A_117, %add3A_172 : i32
        %lt3A_174 = arith.constant 250 : i32
        %lt3A_175 = arith.cmpi slt, %add3A_173, %lt3A_174 : i32
        %convert_element_type3A_176 = arith.extui %lt3A_175 : i1 to i32
        %cond3A_177 = arith.constant 0 : i32
        %cond3A_178 = arith.cmpi ne, %convert_element_type3A_176, %cond3A_177 : i32
        scf.if %cond3A_178 {
          %ge3A = arith.constant 5 : i32
          %ge3A_179 = arith.cmpi sge, %add3A_173, %ge3A : i32
          %convert_element_type3A_180 = arith.extui %ge3A_179 : i1 to i32
          %cond3A_181 = arith.constant 0 : i32
          %cond3A_182 = arith.cmpi ne, %convert_element_type3A_180, %cond3A_181 : i32
          scf.if %cond3A_182 {
            %sub3A = arith.constant 5 : i32
            %sub3A_194 = arith.subi %add3A_173, %sub3A : i32
            %dma_wait3A_195 = arith.constant 4 : i32
            %dma_wait3A_196 = arith.constant 0 : i32
            %dma_wait3A_197 = arith.constant 0 : i32
            %dma_wait3A_198 = tpu.memref_slice %arg10[%dma_wait3A_195, %dma_wait3A_196, %dma_wait3A_197] : memref<5x40x128xf32, #tpu.memory_space<vmem>> -> memref<1x40x128xf32, #tpu.memory_space<vmem>>
            %dma_wait3A_199 = tpu.memref_squeeze %dma_wait3A_198 : memref<1x40x128xf32, #tpu.memory_space<vmem>> -> memref<40x128xf32, #tpu.memory_space<vmem>>
            %dma_wait3A_200 = arith.constant 0 : i32
            %dma_wait3A_201 = tpu.memref_slice %arg9[%sub3A_194, %dma_wait3A_200] : memref<250x40xi32, #tpu.memory_space<vmem>> -> memref<1x40xi32, #tpu.memory_space<vmem>>
            %dma_wait3A_202 = tpu.memref_squeeze %dma_wait3A_201 : memref<1x40xi32, #tpu.memory_space<vmem>> -> memref<40xi32, #tpu.memory_space<vmem>>
            %dma_wait3A_203 = arith.constant 0 : i32
            %dma_wait3A_204 = arith.constant 0 : i32
            %dma_wait3A_205 = tpu.memref_slice %arg7[%dma_wait3A_203, %dma_wait3A_204] : memref<10240x128xf32, #tpu.memory_space<vmem_shared>> -> memref<10240x128xf32, #tpu.memory_space<vmem_shared>>
            tpu.wait_indirect_dma semaphore(%arg20 : memref<!tpu.dma_semaphore, #tpu.memory_space<semaphore_mem>>) src(%dma_wait3A_199 : memref<40x128xf32, #tpu.memory_space<vmem>>) dst(%dma_wait3A_205 : memref<10240x128xf32, #tpu.memory_space<vmem_shared>>)
          } else {
          }
          %dma_start3A_183 = arith.constant 4 : i32
          %dma_start3A_184 = arith.constant 0 : i32
          %dma_start3A_185 = arith.constant 0 : i32
          %dma_start3A_186 = tpu.memref_slice %arg10[%dma_start3A_183, %dma_start3A_184, %dma_start3A_185] : memref<5x40x128xf32, #tpu.memory_space<vmem>> -> memref<1x40x128xf32, #tpu.memory_space<vmem>>
          %dma_start3A_187 = tpu.memref_squeeze %dma_start3A_186 : memref<1x40x128xf32, #tpu.memory_space<vmem>> -> memref<40x128xf32, #tpu.memory_space<vmem>>
          %dma_start3A_188 = arith.constant 0 : i32
          %dma_start3A_189 = tpu.memref_slice %arg8[%add3A_173, %dma_start3A_188] : memref<250x40xi32, #tpu.memory_space<vmem>> -> memref<1x40xi32, #tpu.memory_space<vmem>>
          %dma_start3A_190 = tpu.memref_squeeze %dma_start3A_189 : memref<1x40xi32, #tpu.memory_space<vmem>> -> memref<40xi32, #tpu.memory_space<vmem>>
          %dma_start3A_191 = arith.constant 0 : i32
          %dma_start3A_192 = arith.constant 0 : i32
          %dma_start3A_193 = tpu.memref_slice %arg2[%dma_start3A_191, %dma_start3A_192] : memref<10000x128xf32, #tpu.memory_space<hbm>> -> memref<10000x128xf32, #tpu.memory_space<hbm>>
          tpu.enqueue_indirect_dma source(%dma_start3A_193 : memref<10000x128xf32, #tpu.memory_space<hbm>>) target(%dma_start3A_187 : memref<40x128xf32, #tpu.memory_space<vmem>>) offsets(%dma_start3A_190 : memref<40xi32, #tpu.memory_space<vmem>>) semaphore(%arg15 : memref<!tpu.dma_semaphore, #tpu.memory_space<semaphore_mem>>)
        } else {
        }
      } else {
      }
      %mul3A_123 = arith.constant 5 : i32
      %mul3A_124 = arith.muli %mul3A_123, %scan3A_107 : i32
      %add3A_125 = arith.constant 2 : i32
      %add3A_126 = arith.addi %mul3A_124, %add3A_125 : i32
      %lt3A_127 = arith.constant 250 : i32
      %lt3A_128 = arith.cmpi slt, %add3A_126, %lt3A_127 : i32
      %convert_element_type3A_129 = arith.extui %lt3A_128 : i1 to i32
      %cond3A_130 = arith.constant 0 : i32
      %cond3A_131 = arith.cmpi ne, %convert_element_type3A_129, %cond3A_130 : i32
      scf.if %cond3A_131 {
        %dma_wait3A_150 = arith.constant 2 : i32
        %dma_wait3A_151 = arith.constant 0 : i32
        %dma_wait3A_152 = arith.constant 0 : i32
        %dma_wait3A_153 = tpu.memref_slice %arg10[%dma_wait3A_150, %dma_wait3A_151, %dma_wait3A_152] : memref<5x40x128xf32, #tpu.memory_space<vmem>> -> memref<1x40x128xf32, #tpu.memory_space<vmem>>
        %dma_wait3A_154 = tpu.memref_squeeze %dma_wait3A_153 : memref<1x40x128xf32, #tpu.memory_space<vmem>> -> memref<40x128xf32, #tpu.memory_space<vmem>>
        %dma_wait3A_155 = arith.constant 0 : i32
        %dma_wait3A_156 = tpu.memref_slice %arg8[%add3A_126, %dma_wait3A_155] : memref<250x40xi32, #tpu.memory_space<vmem>> -> memref<1x40xi32, #tpu.memory_space<vmem>>
        %dma_wait3A_157 = tpu.memref_squeeze %dma_wait3A_156 : memref<1x40xi32, #tpu.memory_space<vmem>> -> memref<40xi32, #tpu.memory_space<vmem>>
        %dma_wait3A_158 = arith.constant 0 : i32
        %dma_wait3A_159 = arith.constant 0 : i32
        %dma_wait3A_160 = tpu.memref_slice %arg2[%dma_wait3A_158, %dma_wait3A_159] : memref<10000x128xf32, #tpu.memory_space<hbm>> -> memref<10000x128xf32, #tpu.memory_space<hbm>>
        tpu.wait_indirect_dma semaphore(%arg13 : memref<!tpu.dma_semaphore, #tpu.memory_space<semaphore_mem>>) src(%dma_wait3A_160 : memref<10000x128xf32, #tpu.memory_space<hbm>>) dst(%dma_wait3A_154 : memref<40x128xf32, #tpu.memory_space<vmem>>)
        %dma_start3A_161 = arith.constant 2 : i32
        %dma_start3A_162 = arith.constant 0 : i32
        %dma_start3A_163 = arith.constant 0 : i32
        %dma_start3A_164 = tpu.memref_slice %arg10[%dma_start3A_161, %dma_start3A_162, %dma_start3A_163] : memref<5x40x128xf32, #tpu.memory_space<vmem>> -> memref<1x40x128xf32, #tpu.memory_space<vmem>>
        %dma_start3A_165 = tpu.memref_squeeze %dma_start3A_164 : memref<1x40x128xf32, #tpu.memory_space<vmem>> -> memref<40x128xf32, #tpu.memory_space<vmem>>
        %dma_start3A_166 = arith.constant 0 : i32
        %dma_start3A_167 = tpu.memref_slice %arg9[%add3A_126, %dma_start3A_166] : memref<250x40xi32, #tpu.memory_space<vmem>> -> memref<1x40xi32, #tpu.memory_space<vmem>>
        %dma_start3A_168 = tpu.memref_squeeze %dma_start3A_167 : memref<1x40xi32, #tpu.memory_space<vmem>> -> memref<40xi32, #tpu.memory_space<vmem>>
        %dma_start3A_169 = arith.constant 0 : i32
        %dma_start3A_170 = arith.constant 0 : i32
        %dma_start3A_171 = tpu.memref_slice %arg7[%dma_start3A_169, %dma_start3A_170] : memref<10240x128xf32, #tpu.memory_space<vmem_shared>> -> memref<10240x128xf32, #tpu.memory_space<vmem_shared>>
        tpu.enqueue_indirect_dma source(%dma_start3A_165 : memref<40x128xf32, #tpu.memory_space<vmem>>) target(%dma_start3A_171 : memref<10240x128xf32, #tpu.memory_space<vmem_shared>>) offsets(%dma_start3A_168 : memref<40xi32, #tpu.memory_space<vmem>>) semaphore(%arg18 : memref<!tpu.dma_semaphore, #tpu.memory_space<semaphore_mem>>) {add = true}
        %add3A_172 = arith.constant 3 : i32
        %add3A_173 = arith.addi %add3A_126, %add3A_172 : i32
        %lt3A_174 = arith.constant 250 : i32
        %lt3A_175 = arith.cmpi slt, %add3A_173, %lt3A_174 : i32
        %convert_element_type3A_176 = arith.extui %lt3A_175 : i1 to i32
        %cond3A_177 = arith.constant 0 : i32
        %cond3A_178 = arith.cmpi ne, %convert_element_type3A_176, %cond3A_177 : i32
        scf.if %cond3A_178 {
          %ge3A = arith.constant 5 : i32
          %ge3A_179 = arith.cmpi sge, %add3A_173, %ge3A : i32
          %convert_element_type3A_180 = arith.extui %ge3A_179 : i1 to i32
          %cond3A_181 = arith.constant 0 : i32
          %cond3A_182 = arith.cmpi ne, %convert_element_type3A_180, %cond3A_181 : i32
          scf.if %cond3A_182 {
            %sub3A = arith.constant 5 : i32
            %sub3A_194 = arith.subi %add3A_173, %sub3A : i32
            %dma_wait3A_195 = arith.constant 0 : i32
            %dma_wait3A_196 = arith.constant 0 : i32
            %dma_wait3A_197 = arith.constant 0 : i32
            %dma_wait3A_198 = tpu.memref_slice %arg10[%dma_wait3A_195, %dma_wait3A_196, %dma_wait3A_197] : memref<5x40x128xf32, #tpu.memory_space<vmem>> -> memref<1x40x128xf32, #tpu.memory_space<vmem>>
            %dma_wait3A_199 = tpu.memref_squeeze %dma_wait3A_198 : memref<1x40x128xf32, #tpu.memory_space<vmem>> -> memref<40x128xf32, #tpu.memory_space<vmem>>
            %dma_wait3A_200 = arith.constant 0 : i32
            %dma_wait3A_201 = tpu.memref_slice %arg9[%sub3A_194, %dma_wait3A_200] : memref<250x40xi32, #tpu.memory_space<vmem>> -> memref<1x40xi32, #tpu.memory_space<vmem>>
            %dma_wait3A_202 = tpu.memref_squeeze %dma_wait3A_201 : memref<1x40xi32, #tpu.memory_space<vmem>> -> memref<40xi32, #tpu.memory_space<vmem>>
            %dma_wait3A_203 = arith.constant 0 : i32
            %dma_wait3A_204 = arith.constant 0 : i32
            %dma_wait3A_205 = tpu.memref_slice %arg7[%dma_wait3A_203, %dma_wait3A_204] : memref<10240x128xf32, #tpu.memory_space<vmem_shared>> -> memref<10240x128xf32, #tpu.memory_space<vmem_shared>>
            tpu.wait_indirect_dma semaphore(%arg16 : memref<!tpu.dma_semaphore, #tpu.memory_space<semaphore_mem>>) src(%dma_wait3A_199 : memref<40x128xf32, #tpu.memory_space<vmem>>) dst(%dma_wait3A_205 : memref<10240x128xf32, #tpu.memory_space<vmem_shared>>)
          } else {
          }
          %dma_start3A_183 = arith.constant 0 : i32
          %dma_start3A_184 = arith.constant 0 : i32
          %dma_start3A_185 = arith.constant 0 : i32
          %dma_start3A_186 = tpu.memref_slice %arg10[%dma_start3A_183, %dma_start3A_184, %dma_start3A_185] : memref<5x40x128xf32, #tpu.memory_space<vmem>> -> memref<1x40x128xf32, #tpu.memory_space<vmem>>
          %dma_start3A_187 = tpu.memref_squeeze %dma_start3A_186 : memref<1x40x128xf32, #tpu.memory_space<vmem>> -> memref<40x128xf32, #tpu.memory_space<vmem>>
          %dma_start3A_188 = arith.constant 0 : i32
          %dma_start3A_189 = tpu.memref_slice %arg8[%add3A_173, %dma_start3A_188] : memref<250x40xi32, #tpu.memory_space<vmem>> -> memref<1x40xi32, #tpu.memory_space<vmem>>
          %dma_start3A_190 = tpu.memref_squeeze %dma_start3A_189 : memref<1x40xi32, #tpu.memory_space<vmem>> -> memref<40xi32, #tpu.memory_space<vmem>>
          %dma_start3A_191 = arith.constant 0 : i32
          %dma_start3A_192 = arith.constant 0 : i32
          %dma_start3A_193 = tpu.memref_slice %arg2[%dma_start3A_191, %dma_start3A_192] : memref<10000x128xf32, #tpu.memory_space<hbm>> -> memref<10000x128xf32, #tpu.memory_space<hbm>>
          tpu.enqueue_indirect_dma source(%dma_start3A_193 : memref<10000x128xf32, #tpu.memory_space<hbm>>) target(%dma_start3A_187 : memref<40x128xf32, #tpu.memory_space<vmem>>) offsets(%dma_start3A_190 : memref<40xi32, #tpu.memory_space<vmem>>) semaphore(%arg11 : memref<!tpu.dma_semaphore, #tpu.memory_space<semaphore_mem>>)
        } else {
        }
      } else {
      }
      %mul3A_132 = arith.constant 5 : i32
      %mul3A_133 = arith.muli %mul3A_132, %scan3A_107 : i32
      %add3A_134 = arith.constant 3 : i32
      %add3A_135 = arith.addi %mul3A_133, %add3A_134 : i32
      %lt3A_136 = arith.constant 250 : i32
      %lt3A_137 = arith.cmpi slt, %add3A_135, %lt3A_136 : i32
      %convert_element_type3A_138 = arith.extui %lt3A_137 : i1 to i32
      %cond3A_139 = arith.constant 0 : i32
      %cond3A_140 = arith.cmpi ne, %convert_element_type3A_138, %cond3A_139 : i32
      scf.if %cond3A_140 {
        %dma_wait3A_150 = arith.constant 3 : i32
        %dma_wait3A_151 = arith.constant 0 : i32
        %dma_wait3A_152 = arith.constant 0 : i32
        %dma_wait3A_153 = tpu.memref_slice %arg10[%dma_wait3A_150, %dma_wait3A_151, %dma_wait3A_152] : memref<5x40x128xf32, #tpu.memory_space<vmem>> -> memref<1x40x128xf32, #tpu.memory_space<vmem>>
        %dma_wait3A_154 = tpu.memref_squeeze %dma_wait3A_153 : memref<1x40x128xf32, #tpu.memory_space<vmem>> -> memref<40x128xf32, #tpu.memory_space<vmem>>
        %dma_wait3A_155 = arith.constant 0 : i32
        %dma_wait3A_156 = tpu.memref_slice %arg8[%add3A_135, %dma_wait3A_155] : memref<250x40xi32, #tpu.memory_space<vmem>> -> memref<1x40xi32, #tpu.memory_space<vmem>>
        %dma_wait3A_157 = tpu.memref_squeeze %dma_wait3A_156 : memref<1x40xi32, #tpu.memory_space<vmem>> -> memref<40xi32, #tpu.memory_space<vmem>>
        %dma_wait3A_158 = arith.constant 0 : i32
        %dma_wait3A_159 = arith.constant 0 : i32
        %dma_wait3A_160 = tpu.memref_slice %arg2[%dma_wait3A_158, %dma_wait3A_159] : memref<10000x128xf32, #tpu.memory_space<hbm>> -> memref<10000x128xf32, #tpu.memory_space<hbm>>
        tpu.wait_indirect_dma semaphore(%arg14 : memref<!tpu.dma_semaphore, #tpu.memory_space<semaphore_mem>>) src(%dma_wait3A_160 : memref<10000x128xf32, #tpu.memory_space<hbm>>) dst(%dma_wait3A_154 : memref<40x128xf32, #tpu.memory_space<vmem>>)
        %dma_start3A_161 = arith.constant 3 : i32
        %dma_start3A_162 = arith.constant 0 : i32
        %dma_start3A_163 = arith.constant 0 : i32
        %dma_start3A_164 = tpu.memref_slice %arg10[%dma_start3A_161, %dma_start3A_162, %dma_start3A_163] : memref<5x40x128xf32, #tpu.memory_space<vmem>> -> memref<1x40x128xf32, #tpu.memory_space<vmem>>
        %dma_start3A_165 = tpu.memref_squeeze %dma_start3A_164 : memref<1x40x128xf32, #tpu.memory_space<vmem>> -> memref<40x128xf32, #tpu.memory_space<vmem>>
        %dma_start3A_166 = arith.constant 0 : i32
        %dma_start3A_167 = tpu.memref_slice %arg9[%add3A_135, %dma_start3A_166] : memref<250x40xi32, #tpu.memory_space<vmem>> -> memref<1x40xi32, #tpu.memory_space<vmem>>
        %dma_start3A_168 = tpu.memref_squeeze %dma_start3A_167 : memref<1x40xi32, #tpu.memory_space<vmem>> -> memref<40xi32, #tpu.memory_space<vmem>>
        %dma_start3A_169 = arith.constant 0 : i32
        %dma_start3A_170 = arith.constant 0 : i32
        %dma_start3A_171 = tpu.memref_slice %arg7[%dma_start3A_169, %dma_start3A_170] : memref<10240x128xf32, #tpu.memory_space<vmem_shared>> -> memref<10240x128xf32, #tpu.memory_space<vmem_shared>>
        tpu.enqueue_indirect_dma source(%dma_start3A_165 : memref<40x128xf32, #tpu.memory_space<vmem>>) target(%dma_start3A_171 : memref<10240x128xf32, #tpu.memory_space<vmem_shared>>) offsets(%dma_start3A_168 : memref<40xi32, #tpu.memory_space<vmem>>) semaphore(%arg19 : memref<!tpu.dma_semaphore, #tpu.memory_space<semaphore_mem>>) {add = true}
        %add3A_172 = arith.constant 3 : i32
        %add3A_173 = arith.addi %add3A_135, %add3A_172 : i32
        %lt3A_174 = arith.constant 250 : i32
        %lt3A_175 = arith.cmpi slt, %add3A_173, %lt3A_174 : i32
        %convert_element_type3A_176 = arith.extui %lt3A_175 : i1 to i32
        %cond3A_177 = arith.constant 0 : i32
        %cond3A_178 = arith.cmpi ne, %convert_element_type3A_176, %cond3A_177 : i32
        scf.if %cond3A_178 {
          %ge3A = arith.constant 5 : i32
          %ge3A_179 = arith.cmpi sge, %add3A_173, %ge3A : i32
          %convert_element_type3A_180 = arith.extui %ge3A_179 : i1 to i32
          %cond3A_181 = arith.constant 0 : i32
          %cond3A_182 = arith.cmpi ne, %convert_element_type3A_180, %cond3A_181 : i32
          scf.if %cond3A_182 {
            %sub3A = arith.constant 5 : i32
            %sub3A_194 = arith.subi %add3A_173, %sub3A : i32
            %dma_wait3A_195 = arith.constant 1 : i32
            %dma_wait3A_196 = arith.constant 0 : i32
            %dma_wait3A_197 = arith.constant 0 : i32
            %dma_wait3A_198 = tpu.memref_slice %arg10[%dma_wait3A_195, %dma_wait3A_196, %dma_wait3A_197] : memref<5x40x128xf32, #tpu.memory_space<vmem>> -> memref<1x40x128xf32, #tpu.memory_space<vmem>>
            %dma_wait3A_199 = tpu.memref_squeeze %dma_wait3A_198 : memref<1x40x128xf32, #tpu.memory_space<vmem>> -> memref<40x128xf32, #tpu.memory_space<vmem>>
            %dma_wait3A_200 = arith.constant 0 : i32
            %dma_wait3A_201 = tpu.memref_slice %arg9[%sub3A_194, %dma_wait3A_200] : memref<250x40xi32, #tpu.memory_space<vmem>> -> memref<1x40xi32, #tpu.memory_space<vmem>>
            %dma_wait3A_202 = tpu.memref_squeeze %dma_wait3A_201 : memref<1x40xi32, #tpu.memory_space<vmem>> -> memref<40xi32, #tpu.memory_space<vmem>>
            %dma_wait3A_203 = arith.constant 0 : i32
            %dma_wait3A_204 = arith.constant 0 : i32
            %dma_wait3A_205 = tpu.memref_slice %arg7[%dma_wait3A_203, %dma_wait3A_204] : memref<10240x128xf32, #tpu.memory_space<vmem_shared>> -> memref<10240x128xf32, #tpu.memory_space<vmem_shared>>
            tpu.wait_indirect_dma semaphore(%arg17 : memref<!tpu.dma_semaphore, #tpu.memory_space<semaphore_mem>>) src(%dma_wait3A_199 : memref<40x128xf32, #tpu.memory_space<vmem>>) dst(%dma_wait3A_205 : memref<10240x128xf32, #tpu.memory_space<vmem_shared>>)
          } else {
          }
          %dma_start3A_183 = arith.constant 1 : i32
          %dma_start3A_184 = arith.constant 0 : i32
          %dma_start3A_185 = arith.constant 0 : i32
          %dma_start3A_186 = tpu.memref_slice %arg10[%dma_start3A_183, %dma_start3A_184, %dma_start3A_185] : memref<5x40x128xf32, #tpu.memory_space<vmem>> -> memref<1x40x128xf32, #tpu.memory_space<vmem>>
          %dma_start3A_187 = tpu.memref_squeeze %dma_start3A_186 : memref<1x40x128xf32, #tpu.memory_space<vmem>> -> memref<40x128xf32, #tpu.memory_space<vmem>>
          %dma_start3A_188 = arith.constant 0 : i32
          %dma_start3A_189 = tpu.memref_slice %arg8[%add3A_173, %dma_start3A_188] : memref<250x40xi32, #tpu.memory_space<vmem>> -> memref<1x40xi32, #tpu.memory_space<vmem>>
          %dma_start3A_190 = tpu.memref_squeeze %dma_start3A_189 : memref<1x40xi32, #tpu.memory_space<vmem>> -> memref<40xi32, #tpu.memory_space<vmem>>
          %dma_start3A_191 = arith.constant 0 : i32
          %dma_start3A_192 = arith.constant 0 : i32
          %dma_start3A_193 = tpu.memref_slice %arg2[%dma_start3A_191, %dma_start3A_192] : memref<10000x128xf32, #tpu.memory_space<hbm>> -> memref<10000x128xf32, #tpu.memory_space<hbm>>
          tpu.enqueue_indirect_dma source(%dma_start3A_193 : memref<10000x128xf32, #tpu.memory_space<hbm>>) target(%dma_start3A_187 : memref<40x128xf32, #tpu.memory_space<vmem>>) offsets(%dma_start3A_190 : memref<40xi32, #tpu.memory_space<vmem>>) semaphore(%arg12 : memref<!tpu.dma_semaphore, #tpu.memory_space<semaphore_mem>>)
        } else {
        }
      } else {
      }
      %mul3A_141 = arith.constant 5 : i32
      %mul3A_142 = arith.muli %mul3A_141, %scan3A_107 : i32
      %add3A_143 = arith.constant 4 : i32
      %add3A_144 = arith.addi %mul3A_142, %add3A_143 : i32
      %lt3A_145 = arith.constant 250 : i32
      %lt3A_146 = arith.cmpi slt, %add3A_144, %lt3A_145 : i32
      %convert_element_type3A_147 = arith.extui %lt3A_146 : i1 to i32
      %cond3A_148 = arith.constant 0 : i32
      %cond3A_149 = arith.cmpi ne, %convert_element_type3A_147, %cond3A_148 : i32
      scf.if %cond3A_149 {
        %dma_wait3A_150 = arith.constant 4 : i32
        %dma_wait3A_151 = arith.constant 0 : i32
        %dma_wait3A_152 = arith.constant 0 : i32
        %dma_wait3A_153 = tpu.memref_slice %arg10[%dma_wait3A_150, %dma_wait3A_151, %dma_wait3A_152] : memref<5x40x128xf32, #tpu.memory_space<vmem>> -> memref<1x40x128xf32, #tpu.memory_space<vmem>>
        %dma_wait3A_154 = tpu.memref_squeeze %dma_wait3A_153 : memref<1x40x128xf32, #tpu.memory_space<vmem>> -> memref<40x128xf32, #tpu.memory_space<vmem>>
        %dma_wait3A_155 = arith.constant 0 : i32
        %dma_wait3A_156 = tpu.memref_slice %arg8[%add3A_144, %dma_wait3A_155] : memref<250x40xi32, #tpu.memory_space<vmem>> -> memref<1x40xi32, #tpu.memory_space<vmem>>
        %dma_wait3A_157 = tpu.memref_squeeze %dma_wait3A_156 : memref<1x40xi32, #tpu.memory_space<vmem>> -> memref<40xi32, #tpu.memory_space<vmem>>
        %dma_wait3A_158 = arith.constant 0 : i32
        %dma_wait3A_159 = arith.constant 0 : i32
        %dma_wait3A_160 = tpu.memref_slice %arg2[%dma_wait3A_158, %dma_wait3A_159] : memref<10000x128xf32, #tpu.memory_space<hbm>> -> memref<10000x128xf32, #tpu.memory_space<hbm>>
        tpu.wait_indirect_dma semaphore(%arg15 : memref<!tpu.dma_semaphore, #tpu.memory_space<semaphore_mem>>) src(%dma_wait3A_160 : memref<10000x128xf32, #tpu.memory_space<hbm>>) dst(%dma_wait3A_154 : memref<40x128xf32, #tpu.memory_space<vmem>>)
        %dma_start3A_161 = arith.constant 4 : i32
        %dma_start3A_162 = arith.constant 0 : i32
        %dma_start3A_163 = arith.constant 0 : i32
        %dma_start3A_164 = tpu.memref_slice %arg10[%dma_start3A_161, %dma_start3A_162, %dma_start3A_163] : memref<5x40x128xf32, #tpu.memory_space<vmem>> -> memref<1x40x128xf32, #tpu.memory_space<vmem>>
        %dma_start3A_165 = tpu.memref_squeeze %dma_start3A_164 : memref<1x40x128xf32, #tpu.memory_space<vmem>> -> memref<40x128xf32, #tpu.memory_space<vmem>>
        %dma_start3A_166 = arith.constant 0 : i32
        %dma_start3A_167 = tpu.memref_slice %arg9[%add3A_144, %dma_start3A_166] : memref<250x40xi32, #tpu.memory_space<vmem>> -> memref<1x40xi32, #tpu.memory_space<vmem>>
        %dma_start3A_168 = tpu.memref_squeeze %dma_start3A_167 : memref<1x40xi32, #tpu.memory_space<vmem>> -> memref<40xi32, #tpu.memory_space<vmem>>
        %dma_start3A_169 = arith.constant 0 : i32
        %dma_start3A_170 = arith.constant 0 : i32
        %dma_start3A_171 = tpu.memref_slice %arg7[%dma_start3A_169, %dma_start3A_170] : memref<10240x128xf32, #tpu.memory_space<vmem_shared>> -> memref<10240x128xf32, #tpu.memory_space<vmem_shared>>
        tpu.enqueue_indirect_dma source(%dma_start3A_165 : memref<40x128xf32, #tpu.memory_space<vmem>>) target(%dma_start3A_171 : memref<10240x128xf32, #tpu.memory_space<vmem_shared>>) offsets(%dma_start3A_168 : memref<40xi32, #tpu.memory_space<vmem>>) semaphore(%arg20 : memref<!tpu.dma_semaphore, #tpu.memory_space<semaphore_mem>>) {add = true}
        %add3A_172 = arith.constant 3 : i32
        %add3A_173 = arith.addi %add3A_144, %add3A_172 : i32
        %lt3A_174 = arith.constant 250 : i32
        %lt3A_175 = arith.cmpi slt, %add3A_173, %lt3A_174 : i32
        %convert_element_type3A_176 = arith.extui %lt3A_175 : i1 to i32
        %cond3A_177 = arith.constant 0 : i32
        %cond3A_178 = arith.cmpi ne, %convert_element_type3A_176, %cond3A_177 : i32
        scf.if %cond3A_178 {
          %ge3A = arith.constant 5 : i32
          %ge3A_179 = arith.cmpi sge, %add3A_173, %ge3A : i32
          %convert_element_type3A_180 = arith.extui %ge3A_179 : i1 to i32
          %cond3A_181 = arith.constant 0 : i32
          %cond3A_182 = arith.cmpi ne, %convert_element_type3A_180, %cond3A_181 : i32
          scf.if %cond3A_182 {
            %sub3A = arith.constant 5 : i32
            %sub3A_194 = arith.subi %add3A_173, %sub3A : i32
            %dma_wait3A_195 = arith.constant 2 : i32
            %dma_wait3A_196 = arith.constant 0 : i32
            %dma_wait3A_197 = arith.constant 0 : i32
            %dma_wait3A_198 = tpu.memref_slice %arg10[%dma_wait3A_195, %dma_wait3A_196, %dma_wait3A_197] : memref<5x40x128xf32, #tpu.memory_space<vmem>> -> memref<1x40x128xf32, #tpu.memory_space<vmem>>
            %dma_wait3A_199 = tpu.memref_squeeze %dma_wait3A_198 : memref<1x40x128xf32, #tpu.memory_space<vmem>> -> memref<40x128xf32, #tpu.memory_space<vmem>>
            %dma_wait3A_200 = arith.constant 0 : i32
            %dma_wait3A_201 = tpu.memref_slice %arg9[%sub3A_194, %dma_wait3A_200] : memref<250x40xi32, #tpu.memory_space<vmem>> -> memref<1x40xi32, #tpu.memory_space<vmem>>
            %dma_wait3A_202 = tpu.memref_squeeze %dma_wait3A_201 : memref<1x40xi32, #tpu.memory_space<vmem>> -> memref<40xi32, #tpu.memory_space<vmem>>
            %dma_wait3A_203 = arith.constant 0 : i32
            %dma_wait3A_204 = arith.constant 0 : i32
            %dma_wait3A_205 = tpu.memref_slice %arg7[%dma_wait3A_203, %dma_wait3A_204] : memref<10240x128xf32, #tpu.memory_space<vmem_shared>> -> memref<10240x128xf32, #tpu.memory_space<vmem_shared>>
            tpu.wait_indirect_dma semaphore(%arg18 : memref<!tpu.dma_semaphore, #tpu.memory_space<semaphore_mem>>) src(%dma_wait3A_199 : memref<40x128xf32, #tpu.memory_space<vmem>>) dst(%dma_wait3A_205 : memref<10240x128xf32, #tpu.memory_space<vmem_shared>>)
          } else {
          }
          %dma_start3A_183 = arith.constant 2 : i32
          %dma_start3A_184 = arith.constant 0 : i32
          %dma_start3A_185 = arith.constant 0 : i32
          %dma_start3A_186 = tpu.memref_slice %arg10[%dma_start3A_183, %dma_start3A_184, %dma_start3A_185] : memref<5x40x128xf32, #tpu.memory_space<vmem>> -> memref<1x40x128xf32, #tpu.memory_space<vmem>>
          %dma_start3A_187 = tpu.memref_squeeze %dma_start3A_186 : memref<1x40x128xf32, #tpu.memory_space<vmem>> -> memref<40x128xf32, #tpu.memory_space<vmem>>
          %dma_start3A_188 = arith.constant 0 : i32
          %dma_start3A_189 = tpu.memref_slice %arg8[%add3A_173, %dma_start3A_188] : memref<250x40xi32, #tpu.memory_space<vmem>> -> memref<1x40xi32, #tpu.memory_space<vmem>>
          %dma_start3A_190 = tpu.memref_squeeze %dma_start3A_189 : memref<1x40xi32, #tpu.memory_space<vmem>> -> memref<40xi32, #tpu.memory_space<vmem>>
          %dma_start3A_191 = arith.constant 0 : i32
          %dma_start3A_192 = arith.constant 0 : i32
          %dma_start3A_193 = tpu.memref_slice %arg2[%dma_start3A_191, %dma_start3A_192] : memref<10000x128xf32, #tpu.memory_space<hbm>> -> memref<10000x128xf32, #tpu.memory_space<hbm>>
          tpu.enqueue_indirect_dma source(%dma_start3A_193 : memref<10000x128xf32, #tpu.memory_space<hbm>>) target(%dma_start3A_187 : memref<40x128xf32, #tpu.memory_space<vmem>>) offsets(%dma_start3A_190 : memref<40xi32, #tpu.memory_space<vmem>>) semaphore(%arg13 : memref<!tpu.dma_semaphore, #tpu.memory_space<semaphore_mem>>)
        } else {
        }
      } else {
      }
    }
    %scan3A_42 = arith.constant 50 : i32
    %dma_wait3A = arith.constant 0 : i32
    %dma_wait3A_43 = arith.constant 245 : i32
    %dma_wait3A_44 = arith.constant 0 : i32
    %dma_wait3A_45 = arith.constant 0 : i32
    %dma_wait3A_46 = tpu.memref_slice %arg10[%dma_wait3A, %dma_wait3A_44, %dma_wait3A_45] : memref<5x40x128xf32, #tpu.memory_space<vmem>> -> memref<1x40x128xf32, #tpu.memory_space<vmem>>
    %dma_wait3A_47 = tpu.memref_squeeze %dma_wait3A_46 : memref<1x40x128xf32, #tpu.memory_space<vmem>> -> memref<40x128xf32, #tpu.memory_space<vmem>>
    %dma_wait3A_48 = arith.constant 0 : i32
    %dma_wait3A_49 = tpu.memref_slice %arg9[%dma_wait3A_43, %dma_wait3A_48] : memref<250x40xi32, #tpu.memory_space<vmem>> -> memref<1x40xi32, #tpu.memory_space<vmem>>
    %dma_wait3A_50 = tpu.memref_squeeze %dma_wait3A_49 : memref<1x40xi32, #tpu.memory_space<vmem>> -> memref<40xi32, #tpu.memory_space<vmem>>
    %dma_wait3A_51 = arith.constant 0 : i32
    %dma_wait3A_52 = arith.constant 0 : i32
    %dma_wait3A_53 = tpu.memref_slice %arg7[%dma_wait3A_51, %dma_wait3A_52] : memref<10240x128xf32, #tpu.memory_space<vmem_shared>> -> memref<10240x128xf32, #tpu.memory_space<vmem_shared>>
    tpu.wait_indirect_dma semaphore(%arg16 : memref<!tpu.dma_semaphore, #tpu.memory_space<semaphore_mem>>) src(%dma_wait3A_47 : memref<40x128xf32, #tpu.memory_space<vmem>>) dst(%dma_wait3A_53 : memref<10240x128xf32, #tpu.memory_space<vmem_shared>>)
    %dma_wait3A_54 = arith.constant 1 : i32
    %dma_wait3A_55 = arith.constant 246 : i32
    %dma_wait3A_56 = arith.constant 0 : i32
    %dma_wait3A_57 = arith.constant 0 : i32
    %dma_wait3A_58 = tpu.memref_slice %arg10[%dma_wait3A_54, %dma_wait3A_56, %dma_wait3A_57] : memref<5x40x128xf32, #tpu.memory_space<vmem>> -> memref<1x40x128xf32, #tpu.memory_space<vmem>>
    %dma_wait3A_59 = tpu.memref_squeeze %dma_wait3A_58 : memref<1x40x128xf32, #tpu.memory_space<vmem>> -> memref<40x128xf32, #tpu.memory_space<vmem>>
    %dma_wait3A_60 = arith.constant 0 : i32
    %dma_wait3A_61 = tpu.memref_slice %arg9[%dma_wait3A_55, %dma_wait3A_60] : memref<250x40xi32, #tpu.memory_space<vmem>> -> memref<1x40xi32, #tpu.memory_space<vmem>>
    %dma_wait3A_62 = tpu.memref_squeeze %dma_wait3A_61 : memref<1x40xi32, #tpu.memory_space<vmem>> -> memref<40xi32, #tpu.memory_space<vmem>>
    %dma_wait3A_63 = arith.constant 0 : i32
    %dma_wait3A_64 = arith.constant 0 : i32
    %dma_wait3A_65 = tpu.memref_slice %arg7[%dma_wait3A_63, %dma_wait3A_64] : memref<10240x128xf32, #tpu.memory_space<vmem_shared>> -> memref<10240x128xf32, #tpu.memory_space<vmem_shared>>
    tpu.wait_indirect_dma semaphore(%arg17 : memref<!tpu.dma_semaphore, #tpu.memory_space<semaphore_mem>>) src(%dma_wait3A_59 : memref<40x128xf32, #tpu.memory_space<vmem>>) dst(%dma_wait3A_65 : memref<10240x128xf32, #tpu.memory_space<vmem_shared>>)
    %dma_wait3A_66 = arith.constant 2 : i32
    %dma_wait3A_67 = arith.constant 247 : i32
    %dma_wait3A_68 = arith.constant 0 : i32
    %dma_wait3A_69 = arith.constant 0 : i32
    %dma_wait3A_70 = tpu.memref_slice %arg10[%dma_wait3A_66, %dma_wait3A_68, %dma_wait3A_69] : memref<5x40x128xf32, #tpu.memory_space<vmem>> -> memref<1x40x128xf32, #tpu.memory_space<vmem>>
    %dma_wait3A_71 = tpu.memref_squeeze %dma_wait3A_70 : memref<1x40x128xf32, #tpu.memory_space<vmem>> -> memref<40x128xf32, #tpu.memory_space<vmem>>
    %dma_wait3A_72 = arith.constant 0 : i32
    %dma_wait3A_73 = tpu.memref_slice %arg9[%dma_wait3A_67, %dma_wait3A_72] : memref<250x40xi32, #tpu.memory_space<vmem>> -> memref<1x40xi32, #tpu.memory_space<vmem>>
    %dma_wait3A_74 = tpu.memref_squeeze %dma_wait3A_73 : memref<1x40xi32, #tpu.memory_space<vmem>> -> memref<40xi32, #tpu.memory_space<vmem>>
    %dma_wait3A_75 = arith.constant 0 : i32
    %dma_wait3A_76 = arith.constant 0 : i32
    %dma_wait3A_77 = tpu.memref_slice %arg7[%dma_wait3A_75, %dma_wait3A_76] : memref<10240x128xf32, #tpu.memory_space<vmem_shared>> -> memref<10240x128xf32, #tpu.memory_space<vmem_shared>>
    tpu.wait_indirect_dma semaphore(%arg18 : memref<!tpu.dma_semaphore, #tpu.memory_space<semaphore_mem>>) src(%dma_wait3A_71 : memref<40x128xf32, #tpu.memory_space<vmem>>) dst(%dma_wait3A_77 : memref<10240x128xf32, #tpu.memory_space<vmem_shared>>)
    %dma_wait3A_78 = arith.constant 3 : i32
    %dma_wait3A_79 = arith.constant 248 : i32
    %dma_wait3A_80 = arith.constant 0 : i32
    %dma_wait3A_81 = arith.constant 0 : i32
    %dma_wait3A_82 = tpu.memref_slice %arg10[%dma_wait3A_78, %dma_wait3A_80, %dma_wait3A_81] : memref<5x40x128xf32, #tpu.memory_space<vmem>> -> memref<1x40x128xf32, #tpu.memory_space<vmem>>
    %dma_wait3A_83 = tpu.memref_squeeze %dma_wait3A_82 : memref<1x40x128xf32, #tpu.memory_space<vmem>> -> memref<40x128xf32, #tpu.memory_space<vmem>>
    %dma_wait3A_84 = arith.constant 0 : i32
    %dma_wait3A_85 = tpu.memref_slice %arg9[%dma_wait3A_79, %dma_wait3A_84] : memref<250x40xi32, #tpu.memory_space<vmem>> -> memref<1x40xi32, #tpu.memory_space<vmem>>
    %dma_wait3A_86 = tpu.memref_squeeze %dma_wait3A_85 : memref<1x40xi32, #tpu.memory_space<vmem>> -> memref<40xi32, #tpu.memory_space<vmem>>
    %dma_wait3A_87 = arith.constant 0 : i32
    %dma_wait3A_88 = arith.constant 0 : i32
    %dma_wait3A_89 = tpu.memref_slice %arg7[%dma_wait3A_87, %dma_wait3A_88] : memref<10240x128xf32, #tpu.memory_space<vmem_shared>> -> memref<10240x128xf32, #tpu.memory_space<vmem_shared>>
    tpu.wait_indirect_dma semaphore(%arg19 : memref<!tpu.dma_semaphore, #tpu.memory_space<semaphore_mem>>) src(%dma_wait3A_83 : memref<40x128xf32, #tpu.memory_space<vmem>>) dst(%dma_wait3A_89 : memref<10240x128xf32, #tpu.memory_space<vmem_shared>>)
    %dma_wait3A_90 = arith.constant 4 : i32
    %dma_wait3A_91 = arith.constant 249 : i32
    %dma_wait3A_92 = arith.constant 0 : i32
    %dma_wait3A_93 = arith.constant 0 : i32
    %dma_wait3A_94 = tpu.memref_slice %arg10[%dma_wait3A_90, %dma_wait3A_92, %dma_wait3A_93] : memref<5x40x128xf32, #tpu.memory_space<vmem>> -> memref<1x40x128xf32, #tpu.memory_space<vmem>>
    %dma_wait3A_95 = tpu.memref_squeeze %dma_wait3A_94 : memref<1x40x128xf32, #tpu.memory_space<vmem>> -> memref<40x128xf32, #tpu.memory_space<vmem>>
    %dma_wait3A_96 = arith.constant 0 : i32
    %dma_wait3A_97 = tpu.memref_slice %arg9[%dma_wait3A_91, %dma_wait3A_96] : memref<250x40xi32, #tpu.memory_space<vmem>> -> memref<1x40xi32, #tpu.memory_space<vmem>>
    %dma_wait3A_98 = tpu.memref_squeeze %dma_wait3A_97 : memref<1x40xi32, #tpu.memory_space<vmem>> -> memref<40xi32, #tpu.memory_space<vmem>>
    %dma_wait3A_99 = arith.constant 0 : i32
    %dma_wait3A_100 = arith.constant 0 : i32
    %dma_wait3A_101 = tpu.memref_slice %arg7[%dma_wait3A_99, %dma_wait3A_100] : memref<10240x128xf32, #tpu.memory_space<vmem_shared>> -> memref<10240x128xf32, #tpu.memory_space<vmem_shared>>
    tpu.wait_indirect_dma semaphore(%arg20 : memref<!tpu.dma_semaphore, #tpu.memory_space<semaphore_mem>>) src(%dma_wait3A_95 : memref<40x128xf32, #tpu.memory_space<vmem>>) dst(%dma_wait3A_101 : memref<10240x128xf32, #tpu.memory_space<vmem_shared>>)
    %barrier3A_102 = arith.constant 0 : index
    tpu.barrier barrier_id(%barrier3A_102)
    %mul3A_103 = arith.constant 640 : i32
    %mul3A_104 = arith.muli %arg1, %mul3A_103 : i32
    %mul3A_105 = arith.constant 640 : i32
    %mul3A_106 = arith.muli %arg1, %mul3A_105 : i32
    "tpu.region"() ({
      %run_scoped3A = tpu.sem_alloc : memref<!tpu.dma_semaphore, #tpu.memory_space<semaphore_mem>>
      %dma_start3A_107 = arith.constant 0 : i32
      %dma_start3A_108 = tpu.memref_slice %arg6[%arg0, %mul3A_106, %dma_start3A_107] : memref<2x10240x128xf32, #tpu.memory_space<hbm>> -> memref<1x640x128xf32, #tpu.memory_space<hbm>>
      %dma_start3A_109 = tpu.memref_squeeze %dma_start3A_108 : memref<1x640x128xf32, #tpu.memory_space<hbm>> -> memref<640x128xf32, #tpu.memory_space<hbm>>
      %dma_start3A_110 = arith.constant 0 : i32
      %dma_start3A_111 = tpu.memref_slice %arg7[%mul3A_104, %dma_start3A_110] : memref<10240x128xf32, #tpu.memory_space<vmem_shared>> -> memref<640x128xf32, #tpu.memory_space<vmem_shared>>
      tpu.enqueue_dma source(%dma_start3A_111 : memref<640x128xf32, #tpu.memory_space<vmem_shared>>) target(%dma_start3A_109 : memref<640x128xf32, #tpu.memory_space<hbm>>) target_semaphore(%run_scoped3A : memref<!tpu.dma_semaphore, #tpu.memory_space<semaphore_mem>>)
      %dma_wait3A_112 = arith.constant 0 : i32
      %dma_wait3A_113 = tpu.memref_slice %arg6[%arg0, %mul3A_106, %dma_wait3A_112] : memref<2x10240x128xf32, #tpu.memory_space<hbm>> -> memref<1x640x128xf32, #tpu.memory_space<hbm>>
      %dma_wait3A_114 = tpu.memref_squeeze %dma_wait3A_113 : memref<1x640x128xf32, #tpu.memory_space<hbm>> -> memref<640x128xf32, #tpu.memory_space<hbm>>
      %dma_wait3A_115 = arith.constant 0 : i32
      %dma_wait3A_116 = tpu.memref_slice %arg7[%mul3A_104, %dma_wait3A_115] : memref<10240x128xf32, #tpu.memory_space<vmem_shared>> -> memref<640x128xf32, #tpu.memory_space<vmem_shared>>
      tpu.wait_dma2 semaphore(%run_scoped3A : memref<!tpu.dma_semaphore, #tpu.memory_space<semaphore_mem>>) src(%dma_wait3A_116 : memref<640x128xf32, #tpu.memory_space<vmem_shared>>) dst(%dma_wait3A_114 : memref<640x128xf32, #tpu.memory_space<hbm>>)
      tpu.yield
    }) : () -> ()
    return
  }
}

#map = affine_map<(d0, d1) -> (0, 0, 0)>
#map1 = affine_map<(d0, d1) -> (0)>
#map2 = affine_map<(d0, d1) -> (0, 0)>
module attributes {stable_mosaic.version = 14 : i64} {
  func.func @deg_kernel(%arg0: i32, %arg1: i32, %arg2: memref<32x125x80xi32, #tpu.memory_space<hbm>>, %arg3: memref<640xf32, #tpu.memory_space<hbm>>, %arg4: memref<80xf32, #tpu.memory_space<hbm>>, %arg5: memref<2x10240xf32, #tpu.memory_space<hbm>>, %arg6: memref<10240xf32, #tpu.memory_space<vmem_shared>>, %arg7: memref<125x80xi32, #tpu.memory_space<vmem>>, %arg8: memref<80xf32, #tpu.memory_space<vmem>>, %arg9: memref<!tpu.dma_semaphore, #tpu.memory_space<semaphore_mem>>) attributes {dimension_semantics = [#tpu.dimension_semantics<core_parallel>, #tpu.dimension_semantics<subcore_parallel>], iteration_bounds = array<i64: 2, 16>, scalar_prefetch = 0 : i64, scratch_operands = 4 : i64, tpu.core_type = #tpu.core_type<sc_vector_subcore>, window_params = [{transform_indices = #map}, {transform_indices = #map1}, {transform_indices = #map1}, {transform_indices = #map2}]} {
    %mul3A = arith.constant 16 : i32
    %mul3A_0 = arith.muli %arg0, %mul3A : i32
    %add3A = arith.addi %mul3A_0, %arg1 : i32
    "tpu.region"() ({
      %run_scoped3A = tpu.sem_alloc : memref<!tpu.dma_semaphore, #tpu.memory_space<semaphore_mem>>
      %dma_start3A = arith.constant 0 : i32
      %dma_start3A_19 = arith.constant 0 : i32
      %dma_start3A_20 = tpu.memref_slice %arg2[%add3A, %dma_start3A, %dma_start3A_19] : memref<32x125x80xi32, #tpu.memory_space<hbm>> -> memref<1x125x80xi32, #tpu.memory_space<hbm>>
      %dma_start3A_21 = tpu.memref_squeeze %dma_start3A_20 : memref<1x125x80xi32, #tpu.memory_space<hbm>> -> memref<125x80xi32, #tpu.memory_space<hbm>>
      %dma_start3A_22 = arith.constant 0 : i32
      %dma_start3A_23 = arith.constant 0 : i32
      %dma_start3A_24 = tpu.memref_slice %arg2[%add3A, %dma_start3A_22, %dma_start3A_23] : memref<32x125x80xi32, #tpu.memory_space<hbm>> -> memref<1x125x80xi32, #tpu.memory_space<hbm>>
      %dma_start3A_25 = tpu.memref_squeeze %dma_start3A_24 : memref<1x125x80xi32, #tpu.memory_space<hbm>> -> memref<125x80xi32, #tpu.memory_space<hbm>>
      tpu.enqueue_dma source(%dma_start3A_25 : memref<125x80xi32, #tpu.memory_space<hbm>>) target(%arg7 : memref<125x80xi32, #tpu.memory_space<vmem>>) target_semaphore(%run_scoped3A : memref<!tpu.dma_semaphore, #tpu.memory_space<semaphore_mem>>)
      %dma_wait3A = arith.constant 0 : i32
      %dma_wait3A_26 = arith.constant 0 : i32
      %dma_wait3A_27 = tpu.memref_slice %arg2[%add3A, %dma_wait3A, %dma_wait3A_26] : memref<32x125x80xi32, #tpu.memory_space<hbm>> -> memref<1x125x80xi32, #tpu.memory_space<hbm>>
      %dma_wait3A_28 = tpu.memref_squeeze %dma_wait3A_27 : memref<1x125x80xi32, #tpu.memory_space<hbm>> -> memref<125x80xi32, #tpu.memory_space<hbm>>
      %dma_wait3A_29 = arith.constant 0 : i32
      %dma_wait3A_30 = arith.constant 0 : i32
      %dma_wait3A_31 = tpu.memref_slice %arg2[%add3A, %dma_wait3A_29, %dma_wait3A_30] : memref<32x125x80xi32, #tpu.memory_space<hbm>> -> memref<1x125x80xi32, #tpu.memory_space<hbm>>
      %dma_wait3A_32 = tpu.memref_squeeze %dma_wait3A_31 : memref<1x125x80xi32, #tpu.memory_space<hbm>> -> memref<125x80xi32, #tpu.memory_space<hbm>>
      tpu.wait_dma2 semaphore(%run_scoped3A : memref<!tpu.dma_semaphore, #tpu.memory_space<semaphore_mem>>) src(%dma_wait3A_32 : memref<125x80xi32, #tpu.memory_space<hbm>>) dst(%arg7 : memref<125x80xi32, #tpu.memory_space<vmem>>)
      tpu.yield
    }) : () -> ()
    "tpu.region"() ({
      %run_scoped3A = tpu.sem_alloc : memref<!tpu.dma_semaphore, #tpu.memory_space<semaphore_mem>>
      tpu.enqueue_dma source(%arg4 : memref<80xf32, #tpu.memory_space<hbm>>) target(%arg8 : memref<80xf32, #tpu.memory_space<vmem>>) target_semaphore(%run_scoped3A : memref<!tpu.dma_semaphore, #tpu.memory_space<semaphore_mem>>)
      tpu.wait_dma2 semaphore(%run_scoped3A : memref<!tpu.dma_semaphore, #tpu.memory_space<semaphore_mem>>) src(%arg4 : memref<80xf32, #tpu.memory_space<hbm>>) dst(%arg8 : memref<80xf32, #tpu.memory_space<vmem>>)
      tpu.yield
    }) : () -> ()
    %mul3A_1 = arith.constant 640 : i32
    %mul3A_2 = arith.muli %arg1, %mul3A_1 : i32
    "tpu.region"() ({
      %run_scoped3A = tpu.sem_alloc : memref<!tpu.dma_semaphore, #tpu.memory_space<semaphore_mem>>
      %dma_start3A = tpu.memref_slice %arg6[%mul3A_2] : memref<10240xf32, #tpu.memory_space<vmem_shared>> -> memref<640xf32, #tpu.memory_space<vmem_shared>>
      tpu.enqueue_dma source(%arg3 : memref<640xf32, #tpu.memory_space<hbm>>) target(%dma_start3A : memref<640xf32, #tpu.memory_space<vmem_shared>>) target_semaphore(%run_scoped3A : memref<!tpu.dma_semaphore, #tpu.memory_space<semaphore_mem>>)
      %dma_wait3A = tpu.memref_slice %arg6[%mul3A_2] : memref<10240xf32, #tpu.memory_space<vmem_shared>> -> memref<640xf32, #tpu.memory_space<vmem_shared>>
      tpu.wait_dma2 semaphore(%run_scoped3A : memref<!tpu.dma_semaphore, #tpu.memory_space<semaphore_mem>>) src(%arg3 : memref<640xf32, #tpu.memory_space<hbm>>) dst(%dma_wait3A : memref<640xf32, #tpu.memory_space<vmem_shared>>)
      tpu.yield
    }) : () -> ()
    %barrier3A = arith.constant 0 : index
    tpu.barrier barrier_id(%barrier3A)
    %scan3A = arith.constant 0 : i32
    %scan3A_3 = arith.constant 0 : i32
    %scan3A_4 = arith.constant 125 : i32
    %scan3A_5 = arith.addi %scan3A_3, %scan3A_4 : i32
    %scan3A_6 = arith.constant 1 : i32
    scf.for %scan3A_19 = %scan3A_3 to %scan3A_5 step %scan3A_6  : i32 {
      %dma_start3A = arith.constant 0 : i32
      %dma_start3A_20 = tpu.memref_slice %arg7[%scan3A_19, %dma_start3A] : memref<125x80xi32, #tpu.memory_space<vmem>> -> memref<1x80xi32, #tpu.memory_space<vmem>>
      %dma_start3A_21 = tpu.memref_squeeze %dma_start3A_20 : memref<1x80xi32, #tpu.memory_space<vmem>> -> memref<80xi32, #tpu.memory_space<vmem>>
      %dma_start3A_22 = arith.constant 0 : i32
      %dma_start3A_23 = tpu.memref_slice %arg6[%dma_start3A_22] : memref<10240xf32, #tpu.memory_space<vmem_shared>> -> memref<10240xf32, #tpu.memory_space<vmem_shared>>
      tpu.enqueue_indirect_dma source(%arg8 : memref<80xf32, #tpu.memory_space<vmem>>) target(%dma_start3A_23 : memref<10240xf32, #tpu.memory_space<vmem_shared>>) offsets(%dma_start3A_21 : memref<80xi32, #tpu.memory_space<vmem>>) semaphore(%arg9 : memref<!tpu.dma_semaphore, #tpu.memory_space<semaphore_mem>>) {add = true}
    }
    %scan3A_7 = arith.constant 125 : i32
    %scan3A_8 = arith.constant 0 : i32
    %scan3A_9 = arith.constant 0 : i32
    %scan3A_10 = arith.constant 125 : i32
    %scan3A_11 = arith.addi %scan3A_9, %scan3A_10 : i32
    %scan3A_12 = arith.constant 1 : i32
    scf.for %scan3A_19 = %scan3A_9 to %scan3A_11 step %scan3A_12  : i32 {
      %dma_wait3A = arith.constant 0 : i32
      %dma_wait3A_20 = tpu.memref_slice %arg7[%scan3A_19, %dma_wait3A] : memref<125x80xi32, #tpu.memory_space<vmem>> -> memref<1x80xi32, #tpu.memory_space<vmem>>
      %dma_wait3A_21 = tpu.memref_squeeze %dma_wait3A_20 : memref<1x80xi32, #tpu.memory_space<vmem>> -> memref<80xi32, #tpu.memory_space<vmem>>
      %dma_wait3A_22 = arith.constant 0 : i32
      %dma_wait3A_23 = tpu.memref_slice %arg6[%dma_wait3A_22] : memref<10240xf32, #tpu.memory_space<vmem_shared>> -> memref<10240xf32, #tpu.memory_space<vmem_shared>>
      tpu.wait_indirect_dma semaphore(%arg9 : memref<!tpu.dma_semaphore, #tpu.memory_space<semaphore_mem>>) src(%arg8 : memref<80xf32, #tpu.memory_space<vmem>>) dst(%dma_wait3A_23 : memref<10240xf32, #tpu.memory_space<vmem_shared>>)
    }
    %scan3A_13 = arith.constant 125 : i32
    %barrier3A_14 = arith.constant 0 : index
    tpu.barrier barrier_id(%barrier3A_14)
    %mul3A_15 = arith.constant 640 : i32
    %mul3A_16 = arith.muli %arg1, %mul3A_15 : i32
    %mul3A_17 = arith.constant 640 : i32
    %mul3A_18 = arith.muli %arg1, %mul3A_17 : i32
    "tpu.region"() ({
      %run_scoped3A = tpu.sem_alloc : memref<!tpu.dma_semaphore, #tpu.memory_space<semaphore_mem>>
      %dma_start3A = tpu.memref_slice %arg5[%arg0, %mul3A_18] : memref<2x10240xf32, #tpu.memory_space<hbm>> -> memref<1x640xf32, #tpu.memory_space<hbm>>
      %dma_start3A_19 = tpu.memref_squeeze %dma_start3A : memref<1x640xf32, #tpu.memory_space<hbm>> -> memref<640xf32, #tpu.memory_space<hbm>>
      %dma_start3A_20 = tpu.memref_slice %arg6[%mul3A_16] : memref<10240xf32, #tpu.memory_space<vmem_shared>> -> memref<640xf32, #tpu.memory_space<vmem_shared>>
      tpu.enqueue_dma source(%dma_start3A_20 : memref<640xf32, #tpu.memory_space<vmem_shared>>) target(%dma_start3A_19 : memref<640xf32, #tpu.memory_space<hbm>>) target_semaphore(%run_scoped3A : memref<!tpu.dma_semaphore, #tpu.memory_space<semaphore_mem>>)
      %dma_wait3A = tpu.memref_slice %arg5[%arg0, %mul3A_18] : memref<2x10240xf32, #tpu.memory_space<hbm>> -> memref<1x640xf32, #tpu.memory_space<hbm>>
      %dma_wait3A_21 = tpu.memref_squeeze %dma_wait3A : memref<1x640xf32, #tpu.memory_space<hbm>> -> memref<640xf32, #tpu.memory_space<hbm>>
      %dma_wait3A_22 = tpu.memref_slice %arg6[%mul3A_16] : memref<10240xf32, #tpu.memory_space<vmem_shared>> -> memref<640xf32, #tpu.memory_space<vmem_shared>>
      tpu.wait_dma2 semaphore(%run_scoped3A : memref<!tpu.dma_semaphore, #tpu.memory_space<semaphore_mem>>) src(%dma_wait3A_22 : memref<640xf32, #tpu.memory_space<vmem_shared>>) dst(%dma_wait3A_21 : memref<640xf32, #tpu.memory_space<hbm>>)
      tpu.yield
    }) : () -> ()
    return
  }
}

#map = affine_map<(d0, d1) -> (0, 0)>
#map1 = affine_map<(d0, d1) -> (0, 0, 0)>
module attributes {stable_mosaic.version = 14 : i64} {
  func.func @agg_kernel(%arg0: i32, %arg1: i32, %arg2: memref<10000x64xf32, #tpu.memory_space<hbm>>, %arg3: memref<32x125x80xi32, #tpu.memory_space<hbm>>, %arg4: memref<32x125x80xi32, #tpu.memory_space<hbm>>, %arg5: memref<640x64xf32, #tpu.memory_space<hbm>>, %arg6: memref<2x10240x64xf32, #tpu.memory_space<hbm>>, %arg7: memref<10240x64xf32, #tpu.memory_space<vmem_shared>>, %arg8: memref<125x80xi32, #tpu.memory_space<vmem>>, %arg9: memref<125x80xi32, #tpu.memory_space<vmem>>, %arg10: memref<5x80x64xf32, #tpu.memory_space<vmem>>, %arg11: memref<!tpu.dma_semaphore, #tpu.memory_space<semaphore_mem>>, %arg12: memref<!tpu.dma_semaphore, #tpu.memory_space<semaphore_mem>>, %arg13: memref<!tpu.dma_semaphore, #tpu.memory_space<semaphore_mem>>, %arg14: memref<!tpu.dma_semaphore, #tpu.memory_space<semaphore_mem>>, %arg15: memref<!tpu.dma_semaphore, #tpu.memory_space<semaphore_mem>>, %arg16: memref<!tpu.dma_semaphore, #tpu.memory_space<semaphore_mem>>, %arg17: memref<!tpu.dma_semaphore, #tpu.memory_space<semaphore_mem>>, %arg18: memref<!tpu.dma_semaphore, #tpu.memory_space<semaphore_mem>>, %arg19: memref<!tpu.dma_semaphore, #tpu.memory_space<semaphore_mem>>, %arg20: memref<!tpu.dma_semaphore, #tpu.memory_space<semaphore_mem>>) attributes {dimension_semantics = [#tpu.dimension_semantics<core_parallel>, #tpu.dimension_semantics<subcore_parallel>], iteration_bounds = array<i64: 2, 16>, scalar_prefetch = 0 : i64, scratch_operands = 14 : i64, tpu.core_type = #tpu.core_type<sc_vector_subcore>, window_params = [{transform_indices = #map}, {transform_indices = #map1}, {transform_indices = #map1}, {transform_indices = #map}, {transform_indices = #map1}]} {
    %mul3A = arith.constant 16 : i32
    %mul3A_0 = arith.muli %arg0, %mul3A : i32
    %add3A = arith.addi %mul3A_0, %arg1 : i32
    "tpu.region"() ({
      %run_scoped3A = tpu.sem_alloc : memref<!tpu.dma_semaphore, #tpu.memory_space<semaphore_mem>>
      %dma_start3A_107 = arith.constant 0 : i32
      %dma_start3A_108 = arith.constant 0 : i32
      %dma_start3A_109 = tpu.memref_slice %arg3[%add3A, %dma_start3A_107, %dma_start3A_108] : memref<32x125x80xi32, #tpu.memory_space<hbm>> -> memref<1x125x80xi32, #tpu.memory_space<hbm>>
      %dma_start3A_110 = tpu.memref_squeeze %dma_start3A_109 : memref<1x125x80xi32, #tpu.memory_space<hbm>> -> memref<125x80xi32, #tpu.memory_space<hbm>>
      %dma_start3A_111 = arith.constant 0 : i32
      %dma_start3A_112 = arith.constant 0 : i32
      %dma_start3A_113 = tpu.memref_slice %arg3[%add3A, %dma_start3A_111, %dma_start3A_112] : memref<32x125x80xi32, #tpu.memory_space<hbm>> -> memref<1x125x80xi32, #tpu.memory_space<hbm>>
      %dma_start3A_114 = tpu.memref_squeeze %dma_start3A_113 : memref<1x125x80xi32, #tpu.memory_space<hbm>> -> memref<125x80xi32, #tpu.memory_space<hbm>>
      tpu.enqueue_dma source(%dma_start3A_114 : memref<125x80xi32, #tpu.memory_space<hbm>>) target(%arg8 : memref<125x80xi32, #tpu.memory_space<vmem>>) target_semaphore(%run_scoped3A : memref<!tpu.dma_semaphore, #tpu.memory_space<semaphore_mem>>)
      %dma_wait3A_115 = arith.constant 0 : i32
      %dma_wait3A_116 = arith.constant 0 : i32
      %dma_wait3A_117 = tpu.memref_slice %arg3[%add3A, %dma_wait3A_115, %dma_wait3A_116] : memref<32x125x80xi32, #tpu.memory_space<hbm>> -> memref<1x125x80xi32, #tpu.memory_space<hbm>>
      %dma_wait3A_118 = tpu.memref_squeeze %dma_wait3A_117 : memref<1x125x80xi32, #tpu.memory_space<hbm>> -> memref<125x80xi32, #tpu.memory_space<hbm>>
      %dma_wait3A_119 = arith.constant 0 : i32
      %dma_wait3A_120 = arith.constant 0 : i32
      %dma_wait3A_121 = tpu.memref_slice %arg3[%add3A, %dma_wait3A_119, %dma_wait3A_120] : memref<32x125x80xi32, #tpu.memory_space<hbm>> -> memref<1x125x80xi32, #tpu.memory_space<hbm>>
      %dma_wait3A_122 = tpu.memref_squeeze %dma_wait3A_121 : memref<1x125x80xi32, #tpu.memory_space<hbm>> -> memref<125x80xi32, #tpu.memory_space<hbm>>
      tpu.wait_dma2 semaphore(%run_scoped3A : memref<!tpu.dma_semaphore, #tpu.memory_space<semaphore_mem>>) src(%dma_wait3A_122 : memref<125x80xi32, #tpu.memory_space<hbm>>) dst(%arg8 : memref<125x80xi32, #tpu.memory_space<vmem>>)
      tpu.yield
    }) : () -> ()
    "tpu.region"() ({
      %run_scoped3A = tpu.sem_alloc : memref<!tpu.dma_semaphore, #tpu.memory_space<semaphore_mem>>
      %dma_start3A_107 = arith.constant 0 : i32
      %dma_start3A_108 = arith.constant 0 : i32
      %dma_start3A_109 = tpu.memref_slice %arg4[%add3A, %dma_start3A_107, %dma_start3A_108] : memref<32x125x80xi32, #tpu.memory_space<hbm>> -> memref<1x125x80xi32, #tpu.memory_space<hbm>>
      %dma_start3A_110 = tpu.memref_squeeze %dma_start3A_109 : memref<1x125x80xi32, #tpu.memory_space<hbm>> -> memref<125x80xi32, #tpu.memory_space<hbm>>
      %dma_start3A_111 = arith.constant 0 : i32
      %dma_start3A_112 = arith.constant 0 : i32
      %dma_start3A_113 = tpu.memref_slice %arg4[%add3A, %dma_start3A_111, %dma_start3A_112] : memref<32x125x80xi32, #tpu.memory_space<hbm>> -> memref<1x125x80xi32, #tpu.memory_space<hbm>>
      %dma_start3A_114 = tpu.memref_squeeze %dma_start3A_113 : memref<1x125x80xi32, #tpu.memory_space<hbm>> -> memref<125x80xi32, #tpu.memory_space<hbm>>
      tpu.enqueue_dma source(%dma_start3A_114 : memref<125x80xi32, #tpu.memory_space<hbm>>) target(%arg9 : memref<125x80xi32, #tpu.memory_space<vmem>>) target_semaphore(%run_scoped3A : memref<!tpu.dma_semaphore, #tpu.memory_space<semaphore_mem>>)
      %dma_wait3A_115 = arith.constant 0 : i32
      %dma_wait3A_116 = arith.constant 0 : i32
      %dma_wait3A_117 = tpu.memref_slice %arg4[%add3A, %dma_wait3A_115, %dma_wait3A_116] : memref<32x125x80xi32, #tpu.memory_space<hbm>> -> memref<1x125x80xi32, #tpu.memory_space<hbm>>
      %dma_wait3A_118 = tpu.memref_squeeze %dma_wait3A_117 : memref<1x125x80xi32, #tpu.memory_space<hbm>> -> memref<125x80xi32, #tpu.memory_space<hbm>>
      %dma_wait3A_119 = arith.constant 0 : i32
      %dma_wait3A_120 = arith.constant 0 : i32
      %dma_wait3A_121 = tpu.memref_slice %arg4[%add3A, %dma_wait3A_119, %dma_wait3A_120] : memref<32x125x80xi32, #tpu.memory_space<hbm>> -> memref<1x125x80xi32, #tpu.memory_space<hbm>>
      %dma_wait3A_122 = tpu.memref_squeeze %dma_wait3A_121 : memref<1x125x80xi32, #tpu.memory_space<hbm>> -> memref<125x80xi32, #tpu.memory_space<hbm>>
      tpu.wait_dma2 semaphore(%run_scoped3A : memref<!tpu.dma_semaphore, #tpu.memory_space<semaphore_mem>>) src(%dma_wait3A_122 : memref<125x80xi32, #tpu.memory_space<hbm>>) dst(%arg9 : memref<125x80xi32, #tpu.memory_space<vmem>>)
      tpu.yield
    }) : () -> ()
    %dma_start3A = arith.constant 0 : i32
    %dma_start3A_1 = arith.constant 0 : i32
    %dma_start3A_2 = arith.constant 0 : i32
    %dma_start3A_3 = arith.constant 0 : i32
    %dma_start3A_4 = tpu.memref_slice %arg10[%dma_start3A_1, %dma_start3A_2, %dma_start3A_3] : memref<5x80x64xf32, #tpu.memory_space<vmem>> -> memref<1x80x64xf32, #tpu.memory_space<vmem>>
    %dma_start3A_5 = tpu.memref_squeeze %dma_start3A_4 : memref<1x80x64xf32, #tpu.memory_space<vmem>> -> memref<80x64xf32, #tpu.memory_space<vmem>>
    %dma_start3A_6 = arith.constant 0 : i32
    %dma_start3A_7 = tpu.memref_slice %arg8[%dma_start3A, %dma_start3A_6] : memref<125x80xi32, #tpu.memory_space<vmem>> -> memref<1x80xi32, #tpu.memory_space<vmem>>
    %dma_start3A_8 = tpu.memref_squeeze %dma_start3A_7 : memref<1x80xi32, #tpu.memory_space<vmem>> -> memref<80xi32, #tpu.memory_space<vmem>>
    %dma_start3A_9 = arith.constant 0 : i32
    %dma_start3A_10 = arith.constant 0 : i32
    %dma_start3A_11 = tpu.memref_slice %arg2[%dma_start3A_9, %dma_start3A_10] : memref<10000x64xf32, #tpu.memory_space<hbm>> -> memref<10000x64xf32, #tpu.memory_space<hbm>>
    tpu.enqueue_indirect_dma source(%dma_start3A_11 : memref<10000x64xf32, #tpu.memory_space<hbm>>) target(%dma_start3A_5 : memref<80x64xf32, #tpu.memory_space<vmem>>) offsets(%dma_start3A_8 : memref<80xi32, #tpu.memory_space<vmem>>) semaphore(%arg11 : memref<!tpu.dma_semaphore, #tpu.memory_space<semaphore_mem>>)
    %dma_start3A_12 = arith.constant 1 : i32
    %dma_start3A_13 = arith.constant 1 : i32
    %dma_start3A_14 = arith.constant 0 : i32
    %dma_start3A_15 = arith.constant 0 : i32
    %dma_start3A_16 = tpu.memref_slice %arg10[%dma_start3A_13, %dma_start3A_14, %dma_start3A_15] : memref<5x80x64xf32, #tpu.memory_space<vmem>> -> memref<1x80x64xf32, #tpu.memory_space<vmem>>
    %dma_start3A_17 = tpu.memref_squeeze %dma_start3A_16 : memref<1x80x64xf32, #tpu.memory_space<vmem>> -> memref<80x64xf32, #tpu.memory_space<vmem>>
    %dma_start3A_18 = arith.constant 0 : i32
    %dma_start3A_19 = tpu.memref_slice %arg8[%dma_start3A_12, %dma_start3A_18] : memref<125x80xi32, #tpu.memory_space<vmem>> -> memref<1x80xi32, #tpu.memory_space<vmem>>
    %dma_start3A_20 = tpu.memref_squeeze %dma_start3A_19 : memref<1x80xi32, #tpu.memory_space<vmem>> -> memref<80xi32, #tpu.memory_space<vmem>>
    %dma_start3A_21 = arith.constant 0 : i32
    %dma_start3A_22 = arith.constant 0 : i32
    %dma_start3A_23 = tpu.memref_slice %arg2[%dma_start3A_21, %dma_start3A_22] : memref<10000x64xf32, #tpu.memory_space<hbm>> -> memref<10000x64xf32, #tpu.memory_space<hbm>>
    tpu.enqueue_indirect_dma source(%dma_start3A_23 : memref<10000x64xf32, #tpu.memory_space<hbm>>) target(%dma_start3A_17 : memref<80x64xf32, #tpu.memory_space<vmem>>) offsets(%dma_start3A_20 : memref<80xi32, #tpu.memory_space<vmem>>) semaphore(%arg12 : memref<!tpu.dma_semaphore, #tpu.memory_space<semaphore_mem>>)
    %dma_start3A_24 = arith.constant 2 : i32
    %dma_start3A_25 = arith.constant 2 : i32
    %dma_start3A_26 = arith.constant 0 : i32
    %dma_start3A_27 = arith.constant 0 : i32
    %dma_start3A_28 = tpu.memref_slice %arg10[%dma_start3A_25, %dma_start3A_26, %dma_start3A_27] : memref<5x80x64xf32, #tpu.memory_space<vmem>> -> memref<1x80x64xf32, #tpu.memory_space<vmem>>
    %dma_start3A_29 = tpu.memref_squeeze %dma_start3A_28 : memref<1x80x64xf32, #tpu.memory_space<vmem>> -> memref<80x64xf32, #tpu.memory_space<vmem>>
    %dma_start3A_30 = arith.constant 0 : i32
    %dma_start3A_31 = tpu.memref_slice %arg8[%dma_start3A_24, %dma_start3A_30] : memref<125x80xi32, #tpu.memory_space<vmem>> -> memref<1x80xi32, #tpu.memory_space<vmem>>
    %dma_start3A_32 = tpu.memref_squeeze %dma_start3A_31 : memref<1x80xi32, #tpu.memory_space<vmem>> -> memref<80xi32, #tpu.memory_space<vmem>>
    %dma_start3A_33 = arith.constant 0 : i32
    %dma_start3A_34 = arith.constant 0 : i32
    %dma_start3A_35 = tpu.memref_slice %arg2[%dma_start3A_33, %dma_start3A_34] : memref<10000x64xf32, #tpu.memory_space<hbm>> -> memref<10000x64xf32, #tpu.memory_space<hbm>>
    tpu.enqueue_indirect_dma source(%dma_start3A_35 : memref<10000x64xf32, #tpu.memory_space<hbm>>) target(%dma_start3A_29 : memref<80x64xf32, #tpu.memory_space<vmem>>) offsets(%dma_start3A_32 : memref<80xi32, #tpu.memory_space<vmem>>) semaphore(%arg13 : memref<!tpu.dma_semaphore, #tpu.memory_space<semaphore_mem>>)
    %mul3A_36 = arith.constant 640 : i32
    %mul3A_37 = arith.muli %arg1, %mul3A_36 : i32
    "tpu.region"() ({
      %run_scoped3A = tpu.sem_alloc : memref<!tpu.dma_semaphore, #tpu.memory_space<semaphore_mem>>
      %dma_start3A_107 = arith.constant 0 : i32
      %dma_start3A_108 = tpu.memref_slice %arg7[%mul3A_37, %dma_start3A_107] : memref<10240x64xf32, #tpu.memory_space<vmem_shared>> -> memref<640x64xf32, #tpu.memory_space<vmem_shared>>
      tpu.enqueue_dma source(%arg5 : memref<640x64xf32, #tpu.memory_space<hbm>>) target(%dma_start3A_108 : memref<640x64xf32, #tpu.memory_space<vmem_shared>>) target_semaphore(%run_scoped3A : memref<!tpu.dma_semaphore, #tpu.memory_space<semaphore_mem>>)
      %dma_wait3A_109 = arith.constant 0 : i32
      %dma_wait3A_110 = tpu.memref_slice %arg7[%mul3A_37, %dma_wait3A_109] : memref<10240x64xf32, #tpu.memory_space<vmem_shared>> -> memref<640x64xf32, #tpu.memory_space<vmem_shared>>
      tpu.wait_dma2 semaphore(%run_scoped3A : memref<!tpu.dma_semaphore, #tpu.memory_space<semaphore_mem>>) src(%arg5 : memref<640x64xf32, #tpu.memory_space<hbm>>) dst(%dma_wait3A_110 : memref<640x64xf32, #tpu.memory_space<vmem_shared>>)
      tpu.yield
    }) : () -> ()
    %barrier3A = arith.constant 0 : index
    tpu.barrier barrier_id(%barrier3A)
    %scan3A = arith.constant 0 : i32
    %scan3A_38 = arith.constant 0 : i32
    %scan3A_39 = arith.constant 25 : i32
    %scan3A_40 = arith.addi %scan3A_38, %scan3A_39 : i32
    %scan3A_41 = arith.constant 1 : i32
    scf.for %scan3A_107 = %scan3A_38 to %scan3A_40 step %scan3A_41  : i32 {
      %mul3A_108 = arith.constant 5 : i32
      %mul3A_109 = arith.muli %mul3A_108, %scan3A_107 : i32
      %add3A_110 = arith.constant 0 : i32
      %add3A_111 = arith.addi %mul3A_109, %add3A_110 : i32
      %lt3A = arith.constant 125 : i32
      %lt3A_112 = arith.cmpi slt, %add3A_111, %lt3A : i32
      %convert_element_type3A = arith.extui %lt3A_112 : i1 to i32
      %cond3A = arith.constant 0 : i32
      %cond3A_113 = arith.cmpi ne, %convert_element_type3A, %cond3A : i32
      scf.if %cond3A_113 {
        %dma_wait3A_150 = arith.constant 0 : i32
        %dma_wait3A_151 = arith.constant 0 : i32
        %dma_wait3A_152 = arith.constant 0 : i32
        %dma_wait3A_153 = tpu.memref_slice %arg10[%dma_wait3A_150, %dma_wait3A_151, %dma_wait3A_152] : memref<5x80x64xf32, #tpu.memory_space<vmem>> -> memref<1x80x64xf32, #tpu.memory_space<vmem>>
        %dma_wait3A_154 = tpu.memref_squeeze %dma_wait3A_153 : memref<1x80x64xf32, #tpu.memory_space<vmem>> -> memref<80x64xf32, #tpu.memory_space<vmem>>
        %dma_wait3A_155 = arith.constant 0 : i32
        %dma_wait3A_156 = tpu.memref_slice %arg8[%add3A_111, %dma_wait3A_155] : memref<125x80xi32, #tpu.memory_space<vmem>> -> memref<1x80xi32, #tpu.memory_space<vmem>>
        %dma_wait3A_157 = tpu.memref_squeeze %dma_wait3A_156 : memref<1x80xi32, #tpu.memory_space<vmem>> -> memref<80xi32, #tpu.memory_space<vmem>>
        %dma_wait3A_158 = arith.constant 0 : i32
        %dma_wait3A_159 = arith.constant 0 : i32
        %dma_wait3A_160 = tpu.memref_slice %arg2[%dma_wait3A_158, %dma_wait3A_159] : memref<10000x64xf32, #tpu.memory_space<hbm>> -> memref<10000x64xf32, #tpu.memory_space<hbm>>
        tpu.wait_indirect_dma semaphore(%arg11 : memref<!tpu.dma_semaphore, #tpu.memory_space<semaphore_mem>>) src(%dma_wait3A_160 : memref<10000x64xf32, #tpu.memory_space<hbm>>) dst(%dma_wait3A_154 : memref<80x64xf32, #tpu.memory_space<vmem>>)
        %dma_start3A_161 = arith.constant 0 : i32
        %dma_start3A_162 = arith.constant 0 : i32
        %dma_start3A_163 = arith.constant 0 : i32
        %dma_start3A_164 = tpu.memref_slice %arg10[%dma_start3A_161, %dma_start3A_162, %dma_start3A_163] : memref<5x80x64xf32, #tpu.memory_space<vmem>> -> memref<1x80x64xf32, #tpu.memory_space<vmem>>
        %dma_start3A_165 = tpu.memref_squeeze %dma_start3A_164 : memref<1x80x64xf32, #tpu.memory_space<vmem>> -> memref<80x64xf32, #tpu.memory_space<vmem>>
        %dma_start3A_166 = arith.constant 0 : i32
        %dma_start3A_167 = tpu.memref_slice %arg9[%add3A_111, %dma_start3A_166] : memref<125x80xi32, #tpu.memory_space<vmem>> -> memref<1x80xi32, #tpu.memory_space<vmem>>
        %dma_start3A_168 = tpu.memref_squeeze %dma_start3A_167 : memref<1x80xi32, #tpu.memory_space<vmem>> -> memref<80xi32, #tpu.memory_space<vmem>>
        %dma_start3A_169 = arith.constant 0 : i32
        %dma_start3A_170 = arith.constant 0 : i32
        %dma_start3A_171 = tpu.memref_slice %arg7[%dma_start3A_169, %dma_start3A_170] : memref<10240x64xf32, #tpu.memory_space<vmem_shared>> -> memref<10240x64xf32, #tpu.memory_space<vmem_shared>>
        tpu.enqueue_indirect_dma source(%dma_start3A_165 : memref<80x64xf32, #tpu.memory_space<vmem>>) target(%dma_start3A_171 : memref<10240x64xf32, #tpu.memory_space<vmem_shared>>) offsets(%dma_start3A_168 : memref<80xi32, #tpu.memory_space<vmem>>) semaphore(%arg16 : memref<!tpu.dma_semaphore, #tpu.memory_space<semaphore_mem>>) {add = true}
        %add3A_172 = arith.constant 3 : i32
        %add3A_173 = arith.addi %add3A_111, %add3A_172 : i32
        %lt3A_174 = arith.constant 125 : i32
        %lt3A_175 = arith.cmpi slt, %add3A_173, %lt3A_174 : i32
        %convert_element_type3A_176 = arith.extui %lt3A_175 : i1 to i32
        %cond3A_177 = arith.constant 0 : i32
        %cond3A_178 = arith.cmpi ne, %convert_element_type3A_176, %cond3A_177 : i32
        scf.if %cond3A_178 {
          %ge3A = arith.constant 5 : i32
          %ge3A_179 = arith.cmpi sge, %add3A_173, %ge3A : i32
          %convert_element_type3A_180 = arith.extui %ge3A_179 : i1 to i32
          %cond3A_181 = arith.constant 0 : i32
          %cond3A_182 = arith.cmpi ne, %convert_element_type3A_180, %cond3A_181 : i32
          scf.if %cond3A_182 {
            %sub3A = arith.constant 5 : i32
            %sub3A_194 = arith.subi %add3A_173, %sub3A : i32
            %dma_wait3A_195 = arith.constant 3 : i32
            %dma_wait3A_196 = arith.constant 0 : i32
            %dma_wait3A_197 = arith.constant 0 : i32
            %dma_wait3A_198 = tpu.memref_slice %arg10[%dma_wait3A_195, %dma_wait3A_196, %dma_wait3A_197] : memref<5x80x64xf32, #tpu.memory_space<vmem>> -> memref<1x80x64xf32, #tpu.memory_space<vmem>>
            %dma_wait3A_199 = tpu.memref_squeeze %dma_wait3A_198 : memref<1x80x64xf32, #tpu.memory_space<vmem>> -> memref<80x64xf32, #tpu.memory_space<vmem>>
            %dma_wait3A_200 = arith.constant 0 : i32
            %dma_wait3A_201 = tpu.memref_slice %arg9[%sub3A_194, %dma_wait3A_200] : memref<125x80xi32, #tpu.memory_space<vmem>> -> memref<1x80xi32, #tpu.memory_space<vmem>>
            %dma_wait3A_202 = tpu.memref_squeeze %dma_wait3A_201 : memref<1x80xi32, #tpu.memory_space<vmem>> -> memref<80xi32, #tpu.memory_space<vmem>>
            %dma_wait3A_203 = arith.constant 0 : i32
            %dma_wait3A_204 = arith.constant 0 : i32
            %dma_wait3A_205 = tpu.memref_slice %arg7[%dma_wait3A_203, %dma_wait3A_204] : memref<10240x64xf32, #tpu.memory_space<vmem_shared>> -> memref<10240x64xf32, #tpu.memory_space<vmem_shared>>
            tpu.wait_indirect_dma semaphore(%arg19 : memref<!tpu.dma_semaphore, #tpu.memory_space<semaphore_mem>>) src(%dma_wait3A_199 : memref<80x64xf32, #tpu.memory_space<vmem>>) dst(%dma_wait3A_205 : memref<10240x64xf32, #tpu.memory_space<vmem_shared>>)
          } else {
          }
          %dma_start3A_183 = arith.constant 3 : i32
          %dma_start3A_184 = arith.constant 0 : i32
          %dma_start3A_185 = arith.constant 0 : i32
          %dma_start3A_186 = tpu.memref_slice %arg10[%dma_start3A_183, %dma_start3A_184, %dma_start3A_185] : memref<5x80x64xf32, #tpu.memory_space<vmem>> -> memref<1x80x64xf32, #tpu.memory_space<vmem>>
          %dma_start3A_187 = tpu.memref_squeeze %dma_start3A_186 : memref<1x80x64xf32, #tpu.memory_space<vmem>> -> memref<80x64xf32, #tpu.memory_space<vmem>>
          %dma_start3A_188 = arith.constant 0 : i32
          %dma_start3A_189 = tpu.memref_slice %arg8[%add3A_173, %dma_start3A_188] : memref<125x80xi32, #tpu.memory_space<vmem>> -> memref<1x80xi32, #tpu.memory_space<vmem>>
          %dma_start3A_190 = tpu.memref_squeeze %dma_start3A_189 : memref<1x80xi32, #tpu.memory_space<vmem>> -> memref<80xi32, #tpu.memory_space<vmem>>
          %dma_start3A_191 = arith.constant 0 : i32
          %dma_start3A_192 = arith.constant 0 : i32
          %dma_start3A_193 = tpu.memref_slice %arg2[%dma_start3A_191, %dma_start3A_192] : memref<10000x64xf32, #tpu.memory_space<hbm>> -> memref<10000x64xf32, #tpu.memory_space<hbm>>
          tpu.enqueue_indirect_dma source(%dma_start3A_193 : memref<10000x64xf32, #tpu.memory_space<hbm>>) target(%dma_start3A_187 : memref<80x64xf32, #tpu.memory_space<vmem>>) offsets(%dma_start3A_190 : memref<80xi32, #tpu.memory_space<vmem>>) semaphore(%arg14 : memref<!tpu.dma_semaphore, #tpu.memory_space<semaphore_mem>>)
        } else {
        }
      } else {
      }
      %mul3A_114 = arith.constant 5 : i32
      %mul3A_115 = arith.muli %mul3A_114, %scan3A_107 : i32
      %add3A_116 = arith.constant 1 : i32
      %add3A_117 = arith.addi %mul3A_115, %add3A_116 : i32
      %lt3A_118 = arith.constant 125 : i32
      %lt3A_119 = arith.cmpi slt, %add3A_117, %lt3A_118 : i32
      %convert_element_type3A_120 = arith.extui %lt3A_119 : i1 to i32
      %cond3A_121 = arith.constant 0 : i32
      %cond3A_122 = arith.cmpi ne, %convert_element_type3A_120, %cond3A_121 : i32
      scf.if %cond3A_122 {
        %dma_wait3A_150 = arith.constant 1 : i32
        %dma_wait3A_151 = arith.constant 0 : i32
        %dma_wait3A_152 = arith.constant 0 : i32
        %dma_wait3A_153 = tpu.memref_slice %arg10[%dma_wait3A_150, %dma_wait3A_151, %dma_wait3A_152] : memref<5x80x64xf32, #tpu.memory_space<vmem>> -> memref<1x80x64xf32, #tpu.memory_space<vmem>>
        %dma_wait3A_154 = tpu.memref_squeeze %dma_wait3A_153 : memref<1x80x64xf32, #tpu.memory_space<vmem>> -> memref<80x64xf32, #tpu.memory_space<vmem>>
        %dma_wait3A_155 = arith.constant 0 : i32
        %dma_wait3A_156 = tpu.memref_slice %arg8[%add3A_117, %dma_wait3A_155] : memref<125x80xi32, #tpu.memory_space<vmem>> -> memref<1x80xi32, #tpu.memory_space<vmem>>
        %dma_wait3A_157 = tpu.memref_squeeze %dma_wait3A_156 : memref<1x80xi32, #tpu.memory_space<vmem>> -> memref<80xi32, #tpu.memory_space<vmem>>
        %dma_wait3A_158 = arith.constant 0 : i32
        %dma_wait3A_159 = arith.constant 0 : i32
        %dma_wait3A_160 = tpu.memref_slice %arg2[%dma_wait3A_158, %dma_wait3A_159] : memref<10000x64xf32, #tpu.memory_space<hbm>> -> memref<10000x64xf32, #tpu.memory_space<hbm>>
        tpu.wait_indirect_dma semaphore(%arg12 : memref<!tpu.dma_semaphore, #tpu.memory_space<semaphore_mem>>) src(%dma_wait3A_160 : memref<10000x64xf32, #tpu.memory_space<hbm>>) dst(%dma_wait3A_154 : memref<80x64xf32, #tpu.memory_space<vmem>>)
        %dma_start3A_161 = arith.constant 1 : i32
        %dma_start3A_162 = arith.constant 0 : i32
        %dma_start3A_163 = arith.constant 0 : i32
        %dma_start3A_164 = tpu.memref_slice %arg10[%dma_start3A_161, %dma_start3A_162, %dma_start3A_163] : memref<5x80x64xf32, #tpu.memory_space<vmem>> -> memref<1x80x64xf32, #tpu.memory_space<vmem>>
        %dma_start3A_165 = tpu.memref_squeeze %dma_start3A_164 : memref<1x80x64xf32, #tpu.memory_space<vmem>> -> memref<80x64xf32, #tpu.memory_space<vmem>>
        %dma_start3A_166 = arith.constant 0 : i32
        %dma_start3A_167 = tpu.memref_slice %arg9[%add3A_117, %dma_start3A_166] : memref<125x80xi32, #tpu.memory_space<vmem>> -> memref<1x80xi32, #tpu.memory_space<vmem>>
        %dma_start3A_168 = tpu.memref_squeeze %dma_start3A_167 : memref<1x80xi32, #tpu.memory_space<vmem>> -> memref<80xi32, #tpu.memory_space<vmem>>
        %dma_start3A_169 = arith.constant 0 : i32
        %dma_start3A_170 = arith.constant 0 : i32
        %dma_start3A_171 = tpu.memref_slice %arg7[%dma_start3A_169, %dma_start3A_170] : memref<10240x64xf32, #tpu.memory_space<vmem_shared>> -> memref<10240x64xf32, #tpu.memory_space<vmem_shared>>
        tpu.enqueue_indirect_dma source(%dma_start3A_165 : memref<80x64xf32, #tpu.memory_space<vmem>>) target(%dma_start3A_171 : memref<10240x64xf32, #tpu.memory_space<vmem_shared>>) offsets(%dma_start3A_168 : memref<80xi32, #tpu.memory_space<vmem>>) semaphore(%arg17 : memref<!tpu.dma_semaphore, #tpu.memory_space<semaphore_mem>>) {add = true}
        %add3A_172 = arith.constant 3 : i32
        %add3A_173 = arith.addi %add3A_117, %add3A_172 : i32
        %lt3A_174 = arith.constant 125 : i32
        %lt3A_175 = arith.cmpi slt, %add3A_173, %lt3A_174 : i32
        %convert_element_type3A_176 = arith.extui %lt3A_175 : i1 to i32
        %cond3A_177 = arith.constant 0 : i32
        %cond3A_178 = arith.cmpi ne, %convert_element_type3A_176, %cond3A_177 : i32
        scf.if %cond3A_178 {
          %ge3A = arith.constant 5 : i32
          %ge3A_179 = arith.cmpi sge, %add3A_173, %ge3A : i32
          %convert_element_type3A_180 = arith.extui %ge3A_179 : i1 to i32
          %cond3A_181 = arith.constant 0 : i32
          %cond3A_182 = arith.cmpi ne, %convert_element_type3A_180, %cond3A_181 : i32
          scf.if %cond3A_182 {
            %sub3A = arith.constant 5 : i32
            %sub3A_194 = arith.subi %add3A_173, %sub3A : i32
            %dma_wait3A_195 = arith.constant 4 : i32
            %dma_wait3A_196 = arith.constant 0 : i32
            %dma_wait3A_197 = arith.constant 0 : i32
            %dma_wait3A_198 = tpu.memref_slice %arg10[%dma_wait3A_195, %dma_wait3A_196, %dma_wait3A_197] : memref<5x80x64xf32, #tpu.memory_space<vmem>> -> memref<1x80x64xf32, #tpu.memory_space<vmem>>
            %dma_wait3A_199 = tpu.memref_squeeze %dma_wait3A_198 : memref<1x80x64xf32, #tpu.memory_space<vmem>> -> memref<80x64xf32, #tpu.memory_space<vmem>>
            %dma_wait3A_200 = arith.constant 0 : i32
            %dma_wait3A_201 = tpu.memref_slice %arg9[%sub3A_194, %dma_wait3A_200] : memref<125x80xi32, #tpu.memory_space<vmem>> -> memref<1x80xi32, #tpu.memory_space<vmem>>
            %dma_wait3A_202 = tpu.memref_squeeze %dma_wait3A_201 : memref<1x80xi32, #tpu.memory_space<vmem>> -> memref<80xi32, #tpu.memory_space<vmem>>
            %dma_wait3A_203 = arith.constant 0 : i32
            %dma_wait3A_204 = arith.constant 0 : i32
            %dma_wait3A_205 = tpu.memref_slice %arg7[%dma_wait3A_203, %dma_wait3A_204] : memref<10240x64xf32, #tpu.memory_space<vmem_shared>> -> memref<10240x64xf32, #tpu.memory_space<vmem_shared>>
            tpu.wait_indirect_dma semaphore(%arg20 : memref<!tpu.dma_semaphore, #tpu.memory_space<semaphore_mem>>) src(%dma_wait3A_199 : memref<80x64xf32, #tpu.memory_space<vmem>>) dst(%dma_wait3A_205 : memref<10240x64xf32, #tpu.memory_space<vmem_shared>>)
          } else {
          }
          %dma_start3A_183 = arith.constant 4 : i32
          %dma_start3A_184 = arith.constant 0 : i32
          %dma_start3A_185 = arith.constant 0 : i32
          %dma_start3A_186 = tpu.memref_slice %arg10[%dma_start3A_183, %dma_start3A_184, %dma_start3A_185] : memref<5x80x64xf32, #tpu.memory_space<vmem>> -> memref<1x80x64xf32, #tpu.memory_space<vmem>>
          %dma_start3A_187 = tpu.memref_squeeze %dma_start3A_186 : memref<1x80x64xf32, #tpu.memory_space<vmem>> -> memref<80x64xf32, #tpu.memory_space<vmem>>
          %dma_start3A_188 = arith.constant 0 : i32
          %dma_start3A_189 = tpu.memref_slice %arg8[%add3A_173, %dma_start3A_188] : memref<125x80xi32, #tpu.memory_space<vmem>> -> memref<1x80xi32, #tpu.memory_space<vmem>>
          %dma_start3A_190 = tpu.memref_squeeze %dma_start3A_189 : memref<1x80xi32, #tpu.memory_space<vmem>> -> memref<80xi32, #tpu.memory_space<vmem>>
          %dma_start3A_191 = arith.constant 0 : i32
          %dma_start3A_192 = arith.constant 0 : i32
          %dma_start3A_193 = tpu.memref_slice %arg2[%dma_start3A_191, %dma_start3A_192] : memref<10000x64xf32, #tpu.memory_space<hbm>> -> memref<10000x64xf32, #tpu.memory_space<hbm>>
          tpu.enqueue_indirect_dma source(%dma_start3A_193 : memref<10000x64xf32, #tpu.memory_space<hbm>>) target(%dma_start3A_187 : memref<80x64xf32, #tpu.memory_space<vmem>>) offsets(%dma_start3A_190 : memref<80xi32, #tpu.memory_space<vmem>>) semaphore(%arg15 : memref<!tpu.dma_semaphore, #tpu.memory_space<semaphore_mem>>)
        } else {
        }
      } else {
      }
      %mul3A_123 = arith.constant 5 : i32
      %mul3A_124 = arith.muli %mul3A_123, %scan3A_107 : i32
      %add3A_125 = arith.constant 2 : i32
      %add3A_126 = arith.addi %mul3A_124, %add3A_125 : i32
      %lt3A_127 = arith.constant 125 : i32
      %lt3A_128 = arith.cmpi slt, %add3A_126, %lt3A_127 : i32
      %convert_element_type3A_129 = arith.extui %lt3A_128 : i1 to i32
      %cond3A_130 = arith.constant 0 : i32
      %cond3A_131 = arith.cmpi ne, %convert_element_type3A_129, %cond3A_130 : i32
      scf.if %cond3A_131 {
        %dma_wait3A_150 = arith.constant 2 : i32
        %dma_wait3A_151 = arith.constant 0 : i32
        %dma_wait3A_152 = arith.constant 0 : i32
        %dma_wait3A_153 = tpu.memref_slice %arg10[%dma_wait3A_150, %dma_wait3A_151, %dma_wait3A_152] : memref<5x80x64xf32, #tpu.memory_space<vmem>> -> memref<1x80x64xf32, #tpu.memory_space<vmem>>
        %dma_wait3A_154 = tpu.memref_squeeze %dma_wait3A_153 : memref<1x80x64xf32, #tpu.memory_space<vmem>> -> memref<80x64xf32, #tpu.memory_space<vmem>>
        %dma_wait3A_155 = arith.constant 0 : i32
        %dma_wait3A_156 = tpu.memref_slice %arg8[%add3A_126, %dma_wait3A_155] : memref<125x80xi32, #tpu.memory_space<vmem>> -> memref<1x80xi32, #tpu.memory_space<vmem>>
        %dma_wait3A_157 = tpu.memref_squeeze %dma_wait3A_156 : memref<1x80xi32, #tpu.memory_space<vmem>> -> memref<80xi32, #tpu.memory_space<vmem>>
        %dma_wait3A_158 = arith.constant 0 : i32
        %dma_wait3A_159 = arith.constant 0 : i32
        %dma_wait3A_160 = tpu.memref_slice %arg2[%dma_wait3A_158, %dma_wait3A_159] : memref<10000x64xf32, #tpu.memory_space<hbm>> -> memref<10000x64xf32, #tpu.memory_space<hbm>>
        tpu.wait_indirect_dma semaphore(%arg13 : memref<!tpu.dma_semaphore, #tpu.memory_space<semaphore_mem>>) src(%dma_wait3A_160 : memref<10000x64xf32, #tpu.memory_space<hbm>>) dst(%dma_wait3A_154 : memref<80x64xf32, #tpu.memory_space<vmem>>)
        %dma_start3A_161 = arith.constant 2 : i32
        %dma_start3A_162 = arith.constant 0 : i32
        %dma_start3A_163 = arith.constant 0 : i32
        %dma_start3A_164 = tpu.memref_slice %arg10[%dma_start3A_161, %dma_start3A_162, %dma_start3A_163] : memref<5x80x64xf32, #tpu.memory_space<vmem>> -> memref<1x80x64xf32, #tpu.memory_space<vmem>>
        %dma_start3A_165 = tpu.memref_squeeze %dma_start3A_164 : memref<1x80x64xf32, #tpu.memory_space<vmem>> -> memref<80x64xf32, #tpu.memory_space<vmem>>
        %dma_start3A_166 = arith.constant 0 : i32
        %dma_start3A_167 = tpu.memref_slice %arg9[%add3A_126, %dma_start3A_166] : memref<125x80xi32, #tpu.memory_space<vmem>> -> memref<1x80xi32, #tpu.memory_space<vmem>>
        %dma_start3A_168 = tpu.memref_squeeze %dma_start3A_167 : memref<1x80xi32, #tpu.memory_space<vmem>> -> memref<80xi32, #tpu.memory_space<vmem>>
        %dma_start3A_169 = arith.constant 0 : i32
        %dma_start3A_170 = arith.constant 0 : i32
        %dma_start3A_171 = tpu.memref_slice %arg7[%dma_start3A_169, %dma_start3A_170] : memref<10240x64xf32, #tpu.memory_space<vmem_shared>> -> memref<10240x64xf32, #tpu.memory_space<vmem_shared>>
        tpu.enqueue_indirect_dma source(%dma_start3A_165 : memref<80x64xf32, #tpu.memory_space<vmem>>) target(%dma_start3A_171 : memref<10240x64xf32, #tpu.memory_space<vmem_shared>>) offsets(%dma_start3A_168 : memref<80xi32, #tpu.memory_space<vmem>>) semaphore(%arg18 : memref<!tpu.dma_semaphore, #tpu.memory_space<semaphore_mem>>) {add = true}
        %add3A_172 = arith.constant 3 : i32
        %add3A_173 = arith.addi %add3A_126, %add3A_172 : i32
        %lt3A_174 = arith.constant 125 : i32
        %lt3A_175 = arith.cmpi slt, %add3A_173, %lt3A_174 : i32
        %convert_element_type3A_176 = arith.extui %lt3A_175 : i1 to i32
        %cond3A_177 = arith.constant 0 : i32
        %cond3A_178 = arith.cmpi ne, %convert_element_type3A_176, %cond3A_177 : i32
        scf.if %cond3A_178 {
          %ge3A = arith.constant 5 : i32
          %ge3A_179 = arith.cmpi sge, %add3A_173, %ge3A : i32
          %convert_element_type3A_180 = arith.extui %ge3A_179 : i1 to i32
          %cond3A_181 = arith.constant 0 : i32
          %cond3A_182 = arith.cmpi ne, %convert_element_type3A_180, %cond3A_181 : i32
          scf.if %cond3A_182 {
            %sub3A = arith.constant 5 : i32
            %sub3A_194 = arith.subi %add3A_173, %sub3A : i32
            %dma_wait3A_195 = arith.constant 0 : i32
            %dma_wait3A_196 = arith.constant 0 : i32
            %dma_wait3A_197 = arith.constant 0 : i32
            %dma_wait3A_198 = tpu.memref_slice %arg10[%dma_wait3A_195, %dma_wait3A_196, %dma_wait3A_197] : memref<5x80x64xf32, #tpu.memory_space<vmem>> -> memref<1x80x64xf32, #tpu.memory_space<vmem>>
            %dma_wait3A_199 = tpu.memref_squeeze %dma_wait3A_198 : memref<1x80x64xf32, #tpu.memory_space<vmem>> -> memref<80x64xf32, #tpu.memory_space<vmem>>
            %dma_wait3A_200 = arith.constant 0 : i32
            %dma_wait3A_201 = tpu.memref_slice %arg9[%sub3A_194, %dma_wait3A_200] : memref<125x80xi32, #tpu.memory_space<vmem>> -> memref<1x80xi32, #tpu.memory_space<vmem>>
            %dma_wait3A_202 = tpu.memref_squeeze %dma_wait3A_201 : memref<1x80xi32, #tpu.memory_space<vmem>> -> memref<80xi32, #tpu.memory_space<vmem>>
            %dma_wait3A_203 = arith.constant 0 : i32
            %dma_wait3A_204 = arith.constant 0 : i32
            %dma_wait3A_205 = tpu.memref_slice %arg7[%dma_wait3A_203, %dma_wait3A_204] : memref<10240x64xf32, #tpu.memory_space<vmem_shared>> -> memref<10240x64xf32, #tpu.memory_space<vmem_shared>>
            tpu.wait_indirect_dma semaphore(%arg16 : memref<!tpu.dma_semaphore, #tpu.memory_space<semaphore_mem>>) src(%dma_wait3A_199 : memref<80x64xf32, #tpu.memory_space<vmem>>) dst(%dma_wait3A_205 : memref<10240x64xf32, #tpu.memory_space<vmem_shared>>)
          } else {
          }
          %dma_start3A_183 = arith.constant 0 : i32
          %dma_start3A_184 = arith.constant 0 : i32
          %dma_start3A_185 = arith.constant 0 : i32
          %dma_start3A_186 = tpu.memref_slice %arg10[%dma_start3A_183, %dma_start3A_184, %dma_start3A_185] : memref<5x80x64xf32, #tpu.memory_space<vmem>> -> memref<1x80x64xf32, #tpu.memory_space<vmem>>
          %dma_start3A_187 = tpu.memref_squeeze %dma_start3A_186 : memref<1x80x64xf32, #tpu.memory_space<vmem>> -> memref<80x64xf32, #tpu.memory_space<vmem>>
          %dma_start3A_188 = arith.constant 0 : i32
          %dma_start3A_189 = tpu.memref_slice %arg8[%add3A_173, %dma_start3A_188] : memref<125x80xi32, #tpu.memory_space<vmem>> -> memref<1x80xi32, #tpu.memory_space<vmem>>
          %dma_start3A_190 = tpu.memref_squeeze %dma_start3A_189 : memref<1x80xi32, #tpu.memory_space<vmem>> -> memref<80xi32, #tpu.memory_space<vmem>>
          %dma_start3A_191 = arith.constant 0 : i32
          %dma_start3A_192 = arith.constant 0 : i32
          %dma_start3A_193 = tpu.memref_slice %arg2[%dma_start3A_191, %dma_start3A_192] : memref<10000x64xf32, #tpu.memory_space<hbm>> -> memref<10000x64xf32, #tpu.memory_space<hbm>>
          tpu.enqueue_indirect_dma source(%dma_start3A_193 : memref<10000x64xf32, #tpu.memory_space<hbm>>) target(%dma_start3A_187 : memref<80x64xf32, #tpu.memory_space<vmem>>) offsets(%dma_start3A_190 : memref<80xi32, #tpu.memory_space<vmem>>) semaphore(%arg11 : memref<!tpu.dma_semaphore, #tpu.memory_space<semaphore_mem>>)
        } else {
        }
      } else {
      }
      %mul3A_132 = arith.constant 5 : i32
      %mul3A_133 = arith.muli %mul3A_132, %scan3A_107 : i32
      %add3A_134 = arith.constant 3 : i32
      %add3A_135 = arith.addi %mul3A_133, %add3A_134 : i32
      %lt3A_136 = arith.constant 125 : i32
      %lt3A_137 = arith.cmpi slt, %add3A_135, %lt3A_136 : i32
      %convert_element_type3A_138 = arith.extui %lt3A_137 : i1 to i32
      %cond3A_139 = arith.constant 0 : i32
      %cond3A_140 = arith.cmpi ne, %convert_element_type3A_138, %cond3A_139 : i32
      scf.if %cond3A_140 {
        %dma_wait3A_150 = arith.constant 3 : i32
        %dma_wait3A_151 = arith.constant 0 : i32
        %dma_wait3A_152 = arith.constant 0 : i32
        %dma_wait3A_153 = tpu.memref_slice %arg10[%dma_wait3A_150, %dma_wait3A_151, %dma_wait3A_152] : memref<5x80x64xf32, #tpu.memory_space<vmem>> -> memref<1x80x64xf32, #tpu.memory_space<vmem>>
        %dma_wait3A_154 = tpu.memref_squeeze %dma_wait3A_153 : memref<1x80x64xf32, #tpu.memory_space<vmem>> -> memref<80x64xf32, #tpu.memory_space<vmem>>
        %dma_wait3A_155 = arith.constant 0 : i32
        %dma_wait3A_156 = tpu.memref_slice %arg8[%add3A_135, %dma_wait3A_155] : memref<125x80xi32, #tpu.memory_space<vmem>> -> memref<1x80xi32, #tpu.memory_space<vmem>>
        %dma_wait3A_157 = tpu.memref_squeeze %dma_wait3A_156 : memref<1x80xi32, #tpu.memory_space<vmem>> -> memref<80xi32, #tpu.memory_space<vmem>>
        %dma_wait3A_158 = arith.constant 0 : i32
        %dma_wait3A_159 = arith.constant 0 : i32
        %dma_wait3A_160 = tpu.memref_slice %arg2[%dma_wait3A_158, %dma_wait3A_159] : memref<10000x64xf32, #tpu.memory_space<hbm>> -> memref<10000x64xf32, #tpu.memory_space<hbm>>
        tpu.wait_indirect_dma semaphore(%arg14 : memref<!tpu.dma_semaphore, #tpu.memory_space<semaphore_mem>>) src(%dma_wait3A_160 : memref<10000x64xf32, #tpu.memory_space<hbm>>) dst(%dma_wait3A_154 : memref<80x64xf32, #tpu.memory_space<vmem>>)
        %dma_start3A_161 = arith.constant 3 : i32
        %dma_start3A_162 = arith.constant 0 : i32
        %dma_start3A_163 = arith.constant 0 : i32
        %dma_start3A_164 = tpu.memref_slice %arg10[%dma_start3A_161, %dma_start3A_162, %dma_start3A_163] : memref<5x80x64xf32, #tpu.memory_space<vmem>> -> memref<1x80x64xf32, #tpu.memory_space<vmem>>
        %dma_start3A_165 = tpu.memref_squeeze %dma_start3A_164 : memref<1x80x64xf32, #tpu.memory_space<vmem>> -> memref<80x64xf32, #tpu.memory_space<vmem>>
        %dma_start3A_166 = arith.constant 0 : i32
        %dma_start3A_167 = tpu.memref_slice %arg9[%add3A_135, %dma_start3A_166] : memref<125x80xi32, #tpu.memory_space<vmem>> -> memref<1x80xi32, #tpu.memory_space<vmem>>
        %dma_start3A_168 = tpu.memref_squeeze %dma_start3A_167 : memref<1x80xi32, #tpu.memory_space<vmem>> -> memref<80xi32, #tpu.memory_space<vmem>>
        %dma_start3A_169 = arith.constant 0 : i32
        %dma_start3A_170 = arith.constant 0 : i32
        %dma_start3A_171 = tpu.memref_slice %arg7[%dma_start3A_169, %dma_start3A_170] : memref<10240x64xf32, #tpu.memory_space<vmem_shared>> -> memref<10240x64xf32, #tpu.memory_space<vmem_shared>>
        tpu.enqueue_indirect_dma source(%dma_start3A_165 : memref<80x64xf32, #tpu.memory_space<vmem>>) target(%dma_start3A_171 : memref<10240x64xf32, #tpu.memory_space<vmem_shared>>) offsets(%dma_start3A_168 : memref<80xi32, #tpu.memory_space<vmem>>) semaphore(%arg19 : memref<!tpu.dma_semaphore, #tpu.memory_space<semaphore_mem>>) {add = true}
        %add3A_172 = arith.constant 3 : i32
        %add3A_173 = arith.addi %add3A_135, %add3A_172 : i32
        %lt3A_174 = arith.constant 125 : i32
        %lt3A_175 = arith.cmpi slt, %add3A_173, %lt3A_174 : i32
        %convert_element_type3A_176 = arith.extui %lt3A_175 : i1 to i32
        %cond3A_177 = arith.constant 0 : i32
        %cond3A_178 = arith.cmpi ne, %convert_element_type3A_176, %cond3A_177 : i32
        scf.if %cond3A_178 {
          %ge3A = arith.constant 5 : i32
          %ge3A_179 = arith.cmpi sge, %add3A_173, %ge3A : i32
          %convert_element_type3A_180 = arith.extui %ge3A_179 : i1 to i32
          %cond3A_181 = arith.constant 0 : i32
          %cond3A_182 = arith.cmpi ne, %convert_element_type3A_180, %cond3A_181 : i32
          scf.if %cond3A_182 {
            %sub3A = arith.constant 5 : i32
            %sub3A_194 = arith.subi %add3A_173, %sub3A : i32
            %dma_wait3A_195 = arith.constant 1 : i32
            %dma_wait3A_196 = arith.constant 0 : i32
            %dma_wait3A_197 = arith.constant 0 : i32
            %dma_wait3A_198 = tpu.memref_slice %arg10[%dma_wait3A_195, %dma_wait3A_196, %dma_wait3A_197] : memref<5x80x64xf32, #tpu.memory_space<vmem>> -> memref<1x80x64xf32, #tpu.memory_space<vmem>>
            %dma_wait3A_199 = tpu.memref_squeeze %dma_wait3A_198 : memref<1x80x64xf32, #tpu.memory_space<vmem>> -> memref<80x64xf32, #tpu.memory_space<vmem>>
            %dma_wait3A_200 = arith.constant 0 : i32
            %dma_wait3A_201 = tpu.memref_slice %arg9[%sub3A_194, %dma_wait3A_200] : memref<125x80xi32, #tpu.memory_space<vmem>> -> memref<1x80xi32, #tpu.memory_space<vmem>>
            %dma_wait3A_202 = tpu.memref_squeeze %dma_wait3A_201 : memref<1x80xi32, #tpu.memory_space<vmem>> -> memref<80xi32, #tpu.memory_space<vmem>>
            %dma_wait3A_203 = arith.constant 0 : i32
            %dma_wait3A_204 = arith.constant 0 : i32
            %dma_wait3A_205 = tpu.memref_slice %arg7[%dma_wait3A_203, %dma_wait3A_204] : memref<10240x64xf32, #tpu.memory_space<vmem_shared>> -> memref<10240x64xf32, #tpu.memory_space<vmem_shared>>
            tpu.wait_indirect_dma semaphore(%arg17 : memref<!tpu.dma_semaphore, #tpu.memory_space<semaphore_mem>>) src(%dma_wait3A_199 : memref<80x64xf32, #tpu.memory_space<vmem>>) dst(%dma_wait3A_205 : memref<10240x64xf32, #tpu.memory_space<vmem_shared>>)
          } else {
          }
          %dma_start3A_183 = arith.constant 1 : i32
          %dma_start3A_184 = arith.constant 0 : i32
          %dma_start3A_185 = arith.constant 0 : i32
          %dma_start3A_186 = tpu.memref_slice %arg10[%dma_start3A_183, %dma_start3A_184, %dma_start3A_185] : memref<5x80x64xf32, #tpu.memory_space<vmem>> -> memref<1x80x64xf32, #tpu.memory_space<vmem>>
          %dma_start3A_187 = tpu.memref_squeeze %dma_start3A_186 : memref<1x80x64xf32, #tpu.memory_space<vmem>> -> memref<80x64xf32, #tpu.memory_space<vmem>>
          %dma_start3A_188 = arith.constant 0 : i32
          %dma_start3A_189 = tpu.memref_slice %arg8[%add3A_173, %dma_start3A_188] : memref<125x80xi32, #tpu.memory_space<vmem>> -> memref<1x80xi32, #tpu.memory_space<vmem>>
          %dma_start3A_190 = tpu.memref_squeeze %dma_start3A_189 : memref<1x80xi32, #tpu.memory_space<vmem>> -> memref<80xi32, #tpu.memory_space<vmem>>
          %dma_start3A_191 = arith.constant 0 : i32
          %dma_start3A_192 = arith.constant 0 : i32
          %dma_start3A_193 = tpu.memref_slice %arg2[%dma_start3A_191, %dma_start3A_192] : memref<10000x64xf32, #tpu.memory_space<hbm>> -> memref<10000x64xf32, #tpu.memory_space<hbm>>
          tpu.enqueue_indirect_dma source(%dma_start3A_193 : memref<10000x64xf32, #tpu.memory_space<hbm>>) target(%dma_start3A_187 : memref<80x64xf32, #tpu.memory_space<vmem>>) offsets(%dma_start3A_190 : memref<80xi32, #tpu.memory_space<vmem>>) semaphore(%arg12 : memref<!tpu.dma_semaphore, #tpu.memory_space<semaphore_mem>>)
        } else {
        }
      } else {
      }
      %mul3A_141 = arith.constant 5 : i32
      %mul3A_142 = arith.muli %mul3A_141, %scan3A_107 : i32
      %add3A_143 = arith.constant 4 : i32
      %add3A_144 = arith.addi %mul3A_142, %add3A_143 : i32
      %lt3A_145 = arith.constant 125 : i32
      %lt3A_146 = arith.cmpi slt, %add3A_144, %lt3A_145 : i32
      %convert_element_type3A_147 = arith.extui %lt3A_146 : i1 to i32
      %cond3A_148 = arith.constant 0 : i32
      %cond3A_149 = arith.cmpi ne, %convert_element_type3A_147, %cond3A_148 : i32
      scf.if %cond3A_149 {
        %dma_wait3A_150 = arith.constant 4 : i32
        %dma_wait3A_151 = arith.constant 0 : i32
        %dma_wait3A_152 = arith.constant 0 : i32
        %dma_wait3A_153 = tpu.memref_slice %arg10[%dma_wait3A_150, %dma_wait3A_151, %dma_wait3A_152] : memref<5x80x64xf32, #tpu.memory_space<vmem>> -> memref<1x80x64xf32, #tpu.memory_space<vmem>>
        %dma_wait3A_154 = tpu.memref_squeeze %dma_wait3A_153 : memref<1x80x64xf32, #tpu.memory_space<vmem>> -> memref<80x64xf32, #tpu.memory_space<vmem>>
        %dma_wait3A_155 = arith.constant 0 : i32
        %dma_wait3A_156 = tpu.memref_slice %arg8[%add3A_144, %dma_wait3A_155] : memref<125x80xi32, #tpu.memory_space<vmem>> -> memref<1x80xi32, #tpu.memory_space<vmem>>
        %dma_wait3A_157 = tpu.memref_squeeze %dma_wait3A_156 : memref<1x80xi32, #tpu.memory_space<vmem>> -> memref<80xi32, #tpu.memory_space<vmem>>
        %dma_wait3A_158 = arith.constant 0 : i32
        %dma_wait3A_159 = arith.constant 0 : i32
        %dma_wait3A_160 = tpu.memref_slice %arg2[%dma_wait3A_158, %dma_wait3A_159] : memref<10000x64xf32, #tpu.memory_space<hbm>> -> memref<10000x64xf32, #tpu.memory_space<hbm>>
        tpu.wait_indirect_dma semaphore(%arg15 : memref<!tpu.dma_semaphore, #tpu.memory_space<semaphore_mem>>) src(%dma_wait3A_160 : memref<10000x64xf32, #tpu.memory_space<hbm>>) dst(%dma_wait3A_154 : memref<80x64xf32, #tpu.memory_space<vmem>>)
        %dma_start3A_161 = arith.constant 4 : i32
        %dma_start3A_162 = arith.constant 0 : i32
        %dma_start3A_163 = arith.constant 0 : i32
        %dma_start3A_164 = tpu.memref_slice %arg10[%dma_start3A_161, %dma_start3A_162, %dma_start3A_163] : memref<5x80x64xf32, #tpu.memory_space<vmem>> -> memref<1x80x64xf32, #tpu.memory_space<vmem>>
        %dma_start3A_165 = tpu.memref_squeeze %dma_start3A_164 : memref<1x80x64xf32, #tpu.memory_space<vmem>> -> memref<80x64xf32, #tpu.memory_space<vmem>>
        %dma_start3A_166 = arith.constant 0 : i32
        %dma_start3A_167 = tpu.memref_slice %arg9[%add3A_144, %dma_start3A_166] : memref<125x80xi32, #tpu.memory_space<vmem>> -> memref<1x80xi32, #tpu.memory_space<vmem>>
        %dma_start3A_168 = tpu.memref_squeeze %dma_start3A_167 : memref<1x80xi32, #tpu.memory_space<vmem>> -> memref<80xi32, #tpu.memory_space<vmem>>
        %dma_start3A_169 = arith.constant 0 : i32
        %dma_start3A_170 = arith.constant 0 : i32
        %dma_start3A_171 = tpu.memref_slice %arg7[%dma_start3A_169, %dma_start3A_170] : memref<10240x64xf32, #tpu.memory_space<vmem_shared>> -> memref<10240x64xf32, #tpu.memory_space<vmem_shared>>
        tpu.enqueue_indirect_dma source(%dma_start3A_165 : memref<80x64xf32, #tpu.memory_space<vmem>>) target(%dma_start3A_171 : memref<10240x64xf32, #tpu.memory_space<vmem_shared>>) offsets(%dma_start3A_168 : memref<80xi32, #tpu.memory_space<vmem>>) semaphore(%arg20 : memref<!tpu.dma_semaphore, #tpu.memory_space<semaphore_mem>>) {add = true}
        %add3A_172 = arith.constant 3 : i32
        %add3A_173 = arith.addi %add3A_144, %add3A_172 : i32
        %lt3A_174 = arith.constant 125 : i32
        %lt3A_175 = arith.cmpi slt, %add3A_173, %lt3A_174 : i32
        %convert_element_type3A_176 = arith.extui %lt3A_175 : i1 to i32
        %cond3A_177 = arith.constant 0 : i32
        %cond3A_178 = arith.cmpi ne, %convert_element_type3A_176, %cond3A_177 : i32
        scf.if %cond3A_178 {
          %ge3A = arith.constant 5 : i32
          %ge3A_179 = arith.cmpi sge, %add3A_173, %ge3A : i32
          %convert_element_type3A_180 = arith.extui %ge3A_179 : i1 to i32
          %cond3A_181 = arith.constant 0 : i32
          %cond3A_182 = arith.cmpi ne, %convert_element_type3A_180, %cond3A_181 : i32
          scf.if %cond3A_182 {
            %sub3A = arith.constant 5 : i32
            %sub3A_194 = arith.subi %add3A_173, %sub3A : i32
            %dma_wait3A_195 = arith.constant 2 : i32
            %dma_wait3A_196 = arith.constant 0 : i32
            %dma_wait3A_197 = arith.constant 0 : i32
            %dma_wait3A_198 = tpu.memref_slice %arg10[%dma_wait3A_195, %dma_wait3A_196, %dma_wait3A_197] : memref<5x80x64xf32, #tpu.memory_space<vmem>> -> memref<1x80x64xf32, #tpu.memory_space<vmem>>
            %dma_wait3A_199 = tpu.memref_squeeze %dma_wait3A_198 : memref<1x80x64xf32, #tpu.memory_space<vmem>> -> memref<80x64xf32, #tpu.memory_space<vmem>>
            %dma_wait3A_200 = arith.constant 0 : i32
            %dma_wait3A_201 = tpu.memref_slice %arg9[%sub3A_194, %dma_wait3A_200] : memref<125x80xi32, #tpu.memory_space<vmem>> -> memref<1x80xi32, #tpu.memory_space<vmem>>
            %dma_wait3A_202 = tpu.memref_squeeze %dma_wait3A_201 : memref<1x80xi32, #tpu.memory_space<vmem>> -> memref<80xi32, #tpu.memory_space<vmem>>
            %dma_wait3A_203 = arith.constant 0 : i32
            %dma_wait3A_204 = arith.constant 0 : i32
            %dma_wait3A_205 = tpu.memref_slice %arg7[%dma_wait3A_203, %dma_wait3A_204] : memref<10240x64xf32, #tpu.memory_space<vmem_shared>> -> memref<10240x64xf32, #tpu.memory_space<vmem_shared>>
            tpu.wait_indirect_dma semaphore(%arg18 : memref<!tpu.dma_semaphore, #tpu.memory_space<semaphore_mem>>) src(%dma_wait3A_199 : memref<80x64xf32, #tpu.memory_space<vmem>>) dst(%dma_wait3A_205 : memref<10240x64xf32, #tpu.memory_space<vmem_shared>>)
          } else {
          }
          %dma_start3A_183 = arith.constant 2 : i32
          %dma_start3A_184 = arith.constant 0 : i32
          %dma_start3A_185 = arith.constant 0 : i32
          %dma_start3A_186 = tpu.memref_slice %arg10[%dma_start3A_183, %dma_start3A_184, %dma_start3A_185] : memref<5x80x64xf32, #tpu.memory_space<vmem>> -> memref<1x80x64xf32, #tpu.memory_space<vmem>>
          %dma_start3A_187 = tpu.memref_squeeze %dma_start3A_186 : memref<1x80x64xf32, #tpu.memory_space<vmem>> -> memref<80x64xf32, #tpu.memory_space<vmem>>
          %dma_start3A_188 = arith.constant 0 : i32
          %dma_start3A_189 = tpu.memref_slice %arg8[%add3A_173, %dma_start3A_188] : memref<125x80xi32, #tpu.memory_space<vmem>> -> memref<1x80xi32, #tpu.memory_space<vmem>>
          %dma_start3A_190 = tpu.memref_squeeze %dma_start3A_189 : memref<1x80xi32, #tpu.memory_space<vmem>> -> memref<80xi32, #tpu.memory_space<vmem>>
          %dma_start3A_191 = arith.constant 0 : i32
          %dma_start3A_192 = arith.constant 0 : i32
          %dma_start3A_193 = tpu.memref_slice %arg2[%dma_start3A_191, %dma_start3A_192] : memref<10000x64xf32, #tpu.memory_space<hbm>> -> memref<10000x64xf32, #tpu.memory_space<hbm>>
          tpu.enqueue_indirect_dma source(%dma_start3A_193 : memref<10000x64xf32, #tpu.memory_space<hbm>>) target(%dma_start3A_187 : memref<80x64xf32, #tpu.memory_space<vmem>>) offsets(%dma_start3A_190 : memref<80xi32, #tpu.memory_space<vmem>>) semaphore(%arg13 : memref<!tpu.dma_semaphore, #tpu.memory_space<semaphore_mem>>)
        } else {
        }
      } else {
      }
    }
    %scan3A_42 = arith.constant 25 : i32
    %dma_wait3A = arith.constant 0 : i32
    %dma_wait3A_43 = arith.constant 120 : i32
    %dma_wait3A_44 = arith.constant 0 : i32
    %dma_wait3A_45 = arith.constant 0 : i32
    %dma_wait3A_46 = tpu.memref_slice %arg10[%dma_wait3A, %dma_wait3A_44, %dma_wait3A_45] : memref<5x80x64xf32, #tpu.memory_space<vmem>> -> memref<1x80x64xf32, #tpu.memory_space<vmem>>
    %dma_wait3A_47 = tpu.memref_squeeze %dma_wait3A_46 : memref<1x80x64xf32, #tpu.memory_space<vmem>> -> memref<80x64xf32, #tpu.memory_space<vmem>>
    %dma_wait3A_48 = arith.constant 0 : i32
    %dma_wait3A_49 = tpu.memref_slice %arg9[%dma_wait3A_43, %dma_wait3A_48] : memref<125x80xi32, #tpu.memory_space<vmem>> -> memref<1x80xi32, #tpu.memory_space<vmem>>
    %dma_wait3A_50 = tpu.memref_squeeze %dma_wait3A_49 : memref<1x80xi32, #tpu.memory_space<vmem>> -> memref<80xi32, #tpu.memory_space<vmem>>
    %dma_wait3A_51 = arith.constant 0 : i32
    %dma_wait3A_52 = arith.constant 0 : i32
    %dma_wait3A_53 = tpu.memref_slice %arg7[%dma_wait3A_51, %dma_wait3A_52] : memref<10240x64xf32, #tpu.memory_space<vmem_shared>> -> memref<10240x64xf32, #tpu.memory_space<vmem_shared>>
    tpu.wait_indirect_dma semaphore(%arg16 : memref<!tpu.dma_semaphore, #tpu.memory_space<semaphore_mem>>) src(%dma_wait3A_47 : memref<80x64xf32, #tpu.memory_space<vmem>>) dst(%dma_wait3A_53 : memref<10240x64xf32, #tpu.memory_space<vmem_shared>>)
    %dma_wait3A_54 = arith.constant 1 : i32
    %dma_wait3A_55 = arith.constant 121 : i32
    %dma_wait3A_56 = arith.constant 0 : i32
    %dma_wait3A_57 = arith.constant 0 : i32
    %dma_wait3A_58 = tpu.memref_slice %arg10[%dma_wait3A_54, %dma_wait3A_56, %dma_wait3A_57] : memref<5x80x64xf32, #tpu.memory_space<vmem>> -> memref<1x80x64xf32, #tpu.memory_space<vmem>>
    %dma_wait3A_59 = tpu.memref_squeeze %dma_wait3A_58 : memref<1x80x64xf32, #tpu.memory_space<vmem>> -> memref<80x64xf32, #tpu.memory_space<vmem>>
    %dma_wait3A_60 = arith.constant 0 : i32
    %dma_wait3A_61 = tpu.memref_slice %arg9[%dma_wait3A_55, %dma_wait3A_60] : memref<125x80xi32, #tpu.memory_space<vmem>> -> memref<1x80xi32, #tpu.memory_space<vmem>>
    %dma_wait3A_62 = tpu.memref_squeeze %dma_wait3A_61 : memref<1x80xi32, #tpu.memory_space<vmem>> -> memref<80xi32, #tpu.memory_space<vmem>>
    %dma_wait3A_63 = arith.constant 0 : i32
    %dma_wait3A_64 = arith.constant 0 : i32
    %dma_wait3A_65 = tpu.memref_slice %arg7[%dma_wait3A_63, %dma_wait3A_64] : memref<10240x64xf32, #tpu.memory_space<vmem_shared>> -> memref<10240x64xf32, #tpu.memory_space<vmem_shared>>
    tpu.wait_indirect_dma semaphore(%arg17 : memref<!tpu.dma_semaphore, #tpu.memory_space<semaphore_mem>>) src(%dma_wait3A_59 : memref<80x64xf32, #tpu.memory_space<vmem>>) dst(%dma_wait3A_65 : memref<10240x64xf32, #tpu.memory_space<vmem_shared>>)
    %dma_wait3A_66 = arith.constant 2 : i32
    %dma_wait3A_67 = arith.constant 122 : i32
    %dma_wait3A_68 = arith.constant 0 : i32
    %dma_wait3A_69 = arith.constant 0 : i32
    %dma_wait3A_70 = tpu.memref_slice %arg10[%dma_wait3A_66, %dma_wait3A_68, %dma_wait3A_69] : memref<5x80x64xf32, #tpu.memory_space<vmem>> -> memref<1x80x64xf32, #tpu.memory_space<vmem>>
    %dma_wait3A_71 = tpu.memref_squeeze %dma_wait3A_70 : memref<1x80x64xf32, #tpu.memory_space<vmem>> -> memref<80x64xf32, #tpu.memory_space<vmem>>
    %dma_wait3A_72 = arith.constant 0 : i32
    %dma_wait3A_73 = tpu.memref_slice %arg9[%dma_wait3A_67, %dma_wait3A_72] : memref<125x80xi32, #tpu.memory_space<vmem>> -> memref<1x80xi32, #tpu.memory_space<vmem>>
    %dma_wait3A_74 = tpu.memref_squeeze %dma_wait3A_73 : memref<1x80xi32, #tpu.memory_space<vmem>> -> memref<80xi32, #tpu.memory_space<vmem>>
    %dma_wait3A_75 = arith.constant 0 : i32
    %dma_wait3A_76 = arith.constant 0 : i32
    %dma_wait3A_77 = tpu.memref_slice %arg7[%dma_wait3A_75, %dma_wait3A_76] : memref<10240x64xf32, #tpu.memory_space<vmem_shared>> -> memref<10240x64xf32, #tpu.memory_space<vmem_shared>>
    tpu.wait_indirect_dma semaphore(%arg18 : memref<!tpu.dma_semaphore, #tpu.memory_space<semaphore_mem>>) src(%dma_wait3A_71 : memref<80x64xf32, #tpu.memory_space<vmem>>) dst(%dma_wait3A_77 : memref<10240x64xf32, #tpu.memory_space<vmem_shared>>)
    %dma_wait3A_78 = arith.constant 3 : i32
    %dma_wait3A_79 = arith.constant 123 : i32
    %dma_wait3A_80 = arith.constant 0 : i32
    %dma_wait3A_81 = arith.constant 0 : i32
    %dma_wait3A_82 = tpu.memref_slice %arg10[%dma_wait3A_78, %dma_wait3A_80, %dma_wait3A_81] : memref<5x80x64xf32, #tpu.memory_space<vmem>> -> memref<1x80x64xf32, #tpu.memory_space<vmem>>
    %dma_wait3A_83 = tpu.memref_squeeze %dma_wait3A_82 : memref<1x80x64xf32, #tpu.memory_space<vmem>> -> memref<80x64xf32, #tpu.memory_space<vmem>>
    %dma_wait3A_84 = arith.constant 0 : i32
    %dma_wait3A_85 = tpu.memref_slice %arg9[%dma_wait3A_79, %dma_wait3A_84] : memref<125x80xi32, #tpu.memory_space<vmem>> -> memref<1x80xi32, #tpu.memory_space<vmem>>
    %dma_wait3A_86 = tpu.memref_squeeze %dma_wait3A_85 : memref<1x80xi32, #tpu.memory_space<vmem>> -> memref<80xi32, #tpu.memory_space<vmem>>
    %dma_wait3A_87 = arith.constant 0 : i32
    %dma_wait3A_88 = arith.constant 0 : i32
    %dma_wait3A_89 = tpu.memref_slice %arg7[%dma_wait3A_87, %dma_wait3A_88] : memref<10240x64xf32, #tpu.memory_space<vmem_shared>> -> memref<10240x64xf32, #tpu.memory_space<vmem_shared>>
    tpu.wait_indirect_dma semaphore(%arg19 : memref<!tpu.dma_semaphore, #tpu.memory_space<semaphore_mem>>) src(%dma_wait3A_83 : memref<80x64xf32, #tpu.memory_space<vmem>>) dst(%dma_wait3A_89 : memref<10240x64xf32, #tpu.memory_space<vmem_shared>>)
    %dma_wait3A_90 = arith.constant 4 : i32
    %dma_wait3A_91 = arith.constant 124 : i32
    %dma_wait3A_92 = arith.constant 0 : i32
    %dma_wait3A_93 = arith.constant 0 : i32
    %dma_wait3A_94 = tpu.memref_slice %arg10[%dma_wait3A_90, %dma_wait3A_92, %dma_wait3A_93] : memref<5x80x64xf32, #tpu.memory_space<vmem>> -> memref<1x80x64xf32, #tpu.memory_space<vmem>>
    %dma_wait3A_95 = tpu.memref_squeeze %dma_wait3A_94 : memref<1x80x64xf32, #tpu.memory_space<vmem>> -> memref<80x64xf32, #tpu.memory_space<vmem>>
    %dma_wait3A_96 = arith.constant 0 : i32
    %dma_wait3A_97 = tpu.memref_slice %arg9[%dma_wait3A_91, %dma_wait3A_96] : memref<125x80xi32, #tpu.memory_space<vmem>> -> memref<1x80xi32, #tpu.memory_space<vmem>>
    %dma_wait3A_98 = tpu.memref_squeeze %dma_wait3A_97 : memref<1x80xi32, #tpu.memory_space<vmem>> -> memref<80xi32, #tpu.memory_space<vmem>>
    %dma_wait3A_99 = arith.constant 0 : i32
    %dma_wait3A_100 = arith.constant 0 : i32
    %dma_wait3A_101 = tpu.memref_slice %arg7[%dma_wait3A_99, %dma_wait3A_100] : memref<10240x64xf32, #tpu.memory_space<vmem_shared>> -> memref<10240x64xf32, #tpu.memory_space<vmem_shared>>
    tpu.wait_indirect_dma semaphore(%arg20 : memref<!tpu.dma_semaphore, #tpu.memory_space<semaphore_mem>>) src(%dma_wait3A_95 : memref<80x64xf32, #tpu.memory_space<vmem>>) dst(%dma_wait3A_101 : memref<10240x64xf32, #tpu.memory_space<vmem_shared>>)
    %barrier3A_102 = arith.constant 0 : index
    tpu.barrier barrier_id(%barrier3A_102)
    %mul3A_103 = arith.constant 640 : i32
    %mul3A_104 = arith.muli %arg1, %mul3A_103 : i32
    %mul3A_105 = arith.constant 640 : i32
    %mul3A_106 = arith.muli %arg1, %mul3A_105 : i32
    "tpu.region"() ({
      %run_scoped3A = tpu.sem_alloc : memref<!tpu.dma_semaphore, #tpu.memory_space<semaphore_mem>>
      %dma_start3A_107 = arith.constant 0 : i32
      %dma_start3A_108 = tpu.memref_slice %arg6[%arg0, %mul3A_106, %dma_start3A_107] : memref<2x10240x64xf32, #tpu.memory_space<hbm>> -> memref<1x640x64xf32, #tpu.memory_space<hbm>>
      %dma_start3A_109 = tpu.memref_squeeze %dma_start3A_108 : memref<1x640x64xf32, #tpu.memory_space<hbm>> -> memref<640x64xf32, #tpu.memory_space<hbm>>
      %dma_start3A_110 = arith.constant 0 : i32
      %dma_start3A_111 = tpu.memref_slice %arg7[%mul3A_104, %dma_start3A_110] : memref<10240x64xf32, #tpu.memory_space<vmem_shared>> -> memref<640x64xf32, #tpu.memory_space<vmem_shared>>
      tpu.enqueue_dma source(%dma_start3A_111 : memref<640x64xf32, #tpu.memory_space<vmem_shared>>) target(%dma_start3A_109 : memref<640x64xf32, #tpu.memory_space<hbm>>) target_semaphore(%run_scoped3A : memref<!tpu.dma_semaphore, #tpu.memory_space<semaphore_mem>>)
      %dma_wait3A_112 = arith.constant 0 : i32
      %dma_wait3A_113 = tpu.memref_slice %arg6[%arg0, %mul3A_106, %dma_wait3A_112] : memref<2x10240x64xf32, #tpu.memory_space<hbm>> -> memref<1x640x64xf32, #tpu.memory_space<hbm>>
      %dma_wait3A_114 = tpu.memref_squeeze %dma_wait3A_113 : memref<1x640x64xf32, #tpu.memory_space<hbm>> -> memref<640x64xf32, #tpu.memory_space<hbm>>
      %dma_wait3A_115 = arith.constant 0 : i32
      %dma_wait3A_116 = tpu.memref_slice %arg7[%mul3A_104, %dma_wait3A_115] : memref<10240x64xf32, #tpu.memory_space<vmem_shared>> -> memref<640x64xf32, #tpu.memory_space<vmem_shared>>
      tpu.wait_dma2 semaphore(%run_scoped3A : memref<!tpu.dma_semaphore, #tpu.memory_space<semaphore_mem>>) src(%dma_wait3A_116 : memref<640x64xf32, #tpu.memory_space<vmem_shared>>) dst(%dma_wait3A_114 : memref<640x64xf32, #tpu.memory_space<hbm>>)
      tpu.yield
    }) : () -> ()
    return
  }
}

module attributes {stable_mosaic.version = 14 : i64} {
  func.func @body(%arg0: i32, %arg1: memref<2000x1xf32, #tpu.memory_space<vmem>>, %arg2: memref<2000x1xf32, #tpu.memory_space<vmem>>, %arg3: memref<2000x128xf32, #tpu.memory_space<vmem>>, %arg4: memref<128x128xf32, #tpu.memory_space<vmem>>, %arg5: memref<2000x128xf32, #tpu.memory_space<vmem>>, %arg6: memref<2000x1xf32, #tpu.memory_space<vmem>>) attributes {dimension_semantics = [#tpu.dimension_semantics<arbitrary>], iteration_bounds = array<i64: 5>, scalar_prefetch = 0 : i64, scratch_operands = 0 : i64, tpu.core_type = #tpu.core_type<tc>, window_params = [{transform_indices = @transform_0, window_bounds = array<i64: 2000, 1>}, {transform_indices = @transform_1, window_bounds = array<i64: 2000, 1>}, {transform_indices = @transform_2, window_bounds = array<i64: 2000, 128>}, {pipeline_mode = #tpu.pipeline_mode<synchronous>, transform_indices = @transform_3, window_bounds = array<i64: 128, 128>}, {transform_indices = @transform_4, window_bounds = array<i64: 2000, 128>}, {transform_indices = @transform_5, window_bounds = array<i64: 2000, 1>}]} {
    %get3A = arith.constant 0 : index
    %get3A_0 = arith.constant 0 : index
    %get3A_1 = vector.load %arg1[%get3A, %get3A_0] : memref<2000x1xf32, #tpu.memory_space<vmem>>, vector<2000x1xf32>
    %get3A_2 = arith.constant 0 : index
    %get3A_3 = arith.constant 0 : index
    %get3A_4 = vector.load %arg2[%get3A_2, %get3A_3] : memref<2000x1xf32, #tpu.memory_space<vmem>>, vector<2000x1xf32>
    %add3A = arith.addf %get3A_1, %get3A_4 : vector<2000x1xf32>
    %add3A_5 = arith.constant 1.000000e+00 : f32
    %add3A_6 = vector.broadcast %add3A_5 : f32 to vector<2000x1xf32>
    %add3A_7 = arith.addf %add3A, %add3A_6 : vector<2000x1xf32>
    %rsqrt3A = math.rsqrt %add3A_7 : vector<2000x1xf32>
    %swap3A = arith.constant 0 : index
    %swap3A_8 = arith.constant 0 : index
    %swap3A_9 = vector.load %arg6[%swap3A, %swap3A_8] : memref<2000x1xf32, #tpu.memory_space<vmem>>, vector<2000x1xf32>
    tpu.vector_store %arg6[%swap3A, %swap3A_8], %rsqrt3A {strides = array<i32>} : memref<2000x1xf32, #tpu.memory_space<vmem>>, vector<2000x1xf32>,
    %get3A_10 = arith.constant 0 : index
    %get3A_11 = arith.constant 0 : index
    %get3A_12 = vector.load %arg3[%get3A_10, %get3A_11] : memref<2000x128xf32, #tpu.memory_space<vmem>>, vector<2000x128xf32>
    %get3A_13 = arith.constant 0 : index
    %get3A_14 = arith.constant 0 : index
    %get3A_15 = vector.load %arg4[%get3A_13, %get3A_14] : memref<128x128xf32, #tpu.memory_space<vmem>>, vector<128x128xf32>
    %dot_general3A = arith.constant dense<0.000000e+00> : vector<2000x128xf32>
    %dot_general3A_16 = tpu.matmul %get3A_12, %get3A_15, %dot_general3A {dimension_numbers = #tpu.dot_dimension_numbers<[1], [0], [0], [1], [0, 0, 1, 1], [], []>, transpose_lhs_hint = false} : vector<2000x128xf32>, vector<128x128xf32>, vector<2000x128xf32> -> vector<2000x128xf32>
    %mul3A = vector.broadcast %rsqrt3A : vector<2000x1xf32> to vector<2000x128xf32>
    %mul3A_17 = arith.mulf %dot_general3A_16, %mul3A : vector<2000x128xf32>
    %swap3A_18 = arith.constant 0 : index
    %swap3A_19 = arith.constant 0 : index
    %swap3A_20 = vector.load %arg5[%swap3A_18, %swap3A_19] : memref<2000x128xf32, #tpu.memory_space<vmem>>, vector<2000x128xf32>
    tpu.vector_store %arg5[%swap3A_18, %swap3A_19], %mul3A_17 {strides = array<i32>} : memref<2000x128xf32, #tpu.memory_space<vmem>>, vector<2000x128xf32>,
    return
  }
  func.func @transform_0(%arg0: i32) -> (i32, i32) {
    %c0_i32 = arith.constant 0 : i32
    %c0_i32_0 = arith.constant 0 : i32
    return %arg0, %c0_i32 : i32, i32
  }
  func.func @transform_1(%arg0: i32) -> (i32, i32) {
    %c0_i32 = arith.constant 0 : i32
    %c0_i32_0 = arith.constant 0 : i32
    return %arg0, %c0_i32 : i32, i32
  }
  func.func @transform_2(%arg0: i32) -> (i32, i32) {
    %c0_i32 = arith.constant 0 : i32
    %c0_i32_0 = arith.constant 0 : i32
    return %arg0, %c0_i32 : i32, i32
  }
  func.func @transform_3(%arg0: i32) -> (i32, i32) {
    %c0_i32 = arith.constant 0 : i32
    %c0_i32_0 = arith.constant 0 : i32
    %c0_i32_1 = arith.constant 0 : i32
    return %c0_i32, %c0_i32_0 : i32, i32
  }
  func.func @transform_4(%arg0: i32) -> (i32, i32) {
    %c0_i32 = arith.constant 0 : i32
    %c0_i32_0 = arith.constant 0 : i32
    return %arg0, %c0_i32 : i32, i32
  }
  func.func @transform_5(%arg0: i32) -> (i32, i32) {
    %c0_i32 = arith.constant 0 : i32
    %c0_i32_0 = arith.constant 0 : i32
    return %arg0, %c0_i32 : i32, i32
  }
}

module attributes {stable_mosaic.version = 14 : i64} {
  func.func @body(%arg0: i32, %arg1: memref<2x2000x128xf32, #tpu.memory_space<vmem>>, %arg2: memref<2000x128xf32, #tpu.memory_space<vmem>>, %arg3: memref<2000x1xf32, #tpu.memory_space<vmem>>, %arg4: memref<1x128xf32, #tpu.memory_space<vmem>>, %arg5: memref<128x64xf32, #tpu.memory_space<vmem>>, %arg6: memref<2000x64xf32, #tpu.memory_space<vmem>>) attributes {dimension_semantics = [#tpu.dimension_semantics<arbitrary>], iteration_bounds = array<i64: 5>, scalar_prefetch = 0 : i64, scratch_operands = 0 : i64, tpu.core_type = #tpu.core_type<tc>, window_params = [{transform_indices = @transform_0, window_bounds = array<i64: 2, 2000, 128>}, {transform_indices = @transform_1, window_bounds = array<i64: 2000, 128>}, {transform_indices = @transform_2, window_bounds = array<i64: 2000, 1>}, {pipeline_mode = #tpu.pipeline_mode<synchronous>, transform_indices = @transform_3, window_bounds = array<i64: 1, 128>}, {pipeline_mode = #tpu.pipeline_mode<synchronous>, transform_indices = @transform_4, window_bounds = array<i64: 128, 64>}, {transform_indices = @transform_5, window_bounds = array<i64: 2000, 64>}]} {
    %get3A = arith.constant 0 : index
    %get3A_0 = arith.constant 0 : index
    %get3A_1 = vector.load %arg3[%get3A, %get3A_0] : memref<2000x1xf32, #tpu.memory_space<vmem>>, vector<2000x1xf32>
    %get3A_2 = arith.constant 0 : index
    %get3A_3 = arith.constant 0 : index
    %get3A_4 = arith.constant 0 : index
    %get3A_5 = vector.load %arg1[%get3A_2, %get3A_3, %get3A_4] : memref<2x2000x128xf32, #tpu.memory_space<vmem>>, vector<1x2000x128xf32>
    %get3A_6 = vector.shape_cast %get3A_5 : vector<1x2000x128xf32> to vector<2000x128xf32>
    %get3A_7 = arith.constant 1 : index
    %get3A_8 = arith.constant 0 : index
    %get3A_9 = arith.constant 0 : index
    %get3A_10 = vector.load %arg1[%get3A_7, %get3A_8, %get3A_9] : memref<2x2000x128xf32, #tpu.memory_space<vmem>>, vector<1x2000x128xf32>
    %get3A_11 = vector.shape_cast %get3A_10 : vector<1x2000x128xf32> to vector<2000x128xf32>
    %add3A = arith.addf %get3A_6, %get3A_11 : vector<2000x128xf32>
    %get3A_12 = arith.constant 0 : index
    %get3A_13 = arith.constant 0 : index
    %get3A_14 = vector.load %arg2[%get3A_12, %get3A_13] : memref<2000x128xf32, #tpu.memory_space<vmem>>, vector<2000x128xf32>
    %add3A_15 = arith.addf %add3A, %get3A_14 : vector<2000x128xf32>
    %mul3A = vector.broadcast %get3A_1 : vector<2000x1xf32> to vector<2000x128xf32>
    %mul3A_16 = arith.mulf %add3A_15, %mul3A : vector<2000x128xf32>
    %get3A_17 = arith.constant 0 : index
    %get3A_18 = arith.constant 0 : index
    %get3A_19 = vector.load %arg4[%get3A_17, %get3A_18] : memref<1x128xf32, #tpu.memory_space<vmem>>, vector<1x128xf32>
    %add3A_20 = vector.broadcast %get3A_19 : vector<1x128xf32> to vector<2000x128xf32>
    %add3A_21 = arith.addf %mul3A_16, %add3A_20 : vector<2000x128xf32>
    %max3A = arith.constant 0.000000e+00 : f32
    %max3A_22 = vector.broadcast %max3A : f32 to vector<2000x128xf32>
    %max3A_23 = arith.maximumf %add3A_21, %max3A_22 : vector<2000x128xf32>
    %get3A_24 = arith.constant 0 : index
    %get3A_25 = arith.constant 0 : index
    %get3A_26 = vector.load %arg5[%get3A_24, %get3A_25] : memref<128x64xf32, #tpu.memory_space<vmem>>, vector<128x64xf32>
    %dot_general3A = arith.constant dense<0.000000e+00> : vector<2000x64xf32>
    %dot_general3A_27 = tpu.matmul %max3A_23, %get3A_26, %dot_general3A {dimension_numbers = #tpu.dot_dimension_numbers<[1], [0], [0], [1], [0, 0, 1, 1], [], []>, transpose_lhs_hint = false} : vector<2000x128xf32>, vector<128x64xf32>, vector<2000x64xf32> -> vector<2000x64xf32>
    %mul3A_28 = vector.broadcast %get3A_1 : vector<2000x1xf32> to vector<2000x64xf32>
    %mul3A_29 = arith.mulf %dot_general3A_27, %mul3A_28 : vector<2000x64xf32>
    %swap3A = arith.constant 0 : index
    %swap3A_30 = arith.constant 0 : index
    %swap3A_31 = vector.load %arg6[%swap3A, %swap3A_30] : memref<2000x64xf32, #tpu.memory_space<vmem>>, vector<2000x64xf32>
    tpu.vector_store %arg6[%swap3A, %swap3A_30], %mul3A_29 {strides = array<i32>} : memref<2000x64xf32, #tpu.memory_space<vmem>>, vector<2000x64xf32>,
    return
  }
  func.func @transform_0(%arg0: i32) -> (i32, i32, i32) {
    %c0_i32 = arith.constant 0 : i32
    %c0_i32_0 = arith.constant 0 : i32
    %c0_i32_1 = arith.constant 0 : i32
    return %c0_i32, %arg0, %c0_i32_0 : i32, i32, i32
  }
  func.func @transform_1(%arg0: i32) -> (i32, i32) {
    %c0_i32 = arith.constant 0 : i32
    %c0_i32_0 = arith.constant 0 : i32
    return %arg0, %c0_i32 : i32, i32
  }
  func.func @transform_2(%arg0: i32) -> (i32, i32) {
    %c0_i32 = arith.constant 0 : i32
    %c0_i32_0 = arith.constant 0 : i32
    return %arg0, %c0_i32 : i32, i32
  }
  func.func @transform_3(%arg0: i32) -> (i32, i32) {
    %c0_i32 = arith.constant 0 : i32
    %c0_i32_0 = arith.constant 0 : i32
    %c0_i32_1 = arith.constant 0 : i32
    return %c0_i32, %c0_i32_0 : i32, i32
  }
  func.func @transform_4(%arg0: i32) -> (i32, i32) {
    %c0_i32 = arith.constant 0 : i32
    %c0_i32_0 = arith.constant 0 : i32
    %c0_i32_1 = arith.constant 0 : i32
    return %c0_i32, %c0_i32_0 : i32, i32
  }
  func.func @transform_5(%arg0: i32) -> (i32, i32) {
    %c0_i32 = arith.constant 0 : i32
    %c0_i32_0 = arith.constant 0 : i32
    return %arg0, %c0_i32 : i32, i32
  }
}

module attributes {stable_mosaic.version = 14 : i64} {
  func.func @body(%arg0: i32, %arg1: memref<2x2000x64xf32, #tpu.memory_space<vmem>>, %arg2: memref<2000x64xf32, #tpu.memory_space<vmem>>, %arg3: memref<2000x1xf32, #tpu.memory_space<vmem>>, %arg4: memref<1x64xf32, #tpu.memory_space<vmem>>, %arg5: memref<2000x1xi32, #tpu.memory_space<vmem>>, %arg6: memref<64x2xf32, #tpu.memory_space<vmem>>, %arg7: memref<64x2xf32, #tpu.memory_space<vmem>>, %arg8: memref<1x2xf32, #tpu.memory_space<vmem>>, %arg9: memref<16x2xf32, #tpu.memory_space<vmem>>, %arg10: memref<16x64xf32, #tpu.memory_space<vmem>>, %arg11: memref<16x64xf32, #tpu.memory_space<vmem>>, %arg12: memref<16x1xf32, #tpu.memory_space<vmem>>) attributes {dimension_semantics = [#tpu.dimension_semantics<arbitrary>], iteration_bounds = array<i64: 5>, scalar_prefetch = 0 : i64, scratch_operands = 3 : i64, tpu.core_type = #tpu.core_type<tc>, window_params = [{transform_indices = @transform_0, window_bounds = array<i64: 2, 2000, 64>}, {transform_indices = @transform_1, window_bounds = array<i64: 2000, 64>}, {transform_indices = @transform_2, window_bounds = array<i64: 2000, 1>}, {pipeline_mode = #tpu.pipeline_mode<synchronous>, transform_indices = @transform_3, window_bounds = array<i64: 1, 64>}, {transform_indices = @transform_4, window_bounds = array<i64: 2000, 1>}, {pipeline_mode = #tpu.pipeline_mode<synchronous>, transform_indices = @transform_5, window_bounds = array<i64: 64, 2>}, {pipeline_mode = #tpu.pipeline_mode<synchronous>, transform_indices = @transform_6, window_bounds = array<i64: 64, 2>}, {pipeline_mode = #tpu.pipeline_mode<synchronous>, transform_indices = @transform_7, window_bounds = array<i64: 1, 2>}, {pipeline_mode = #tpu.pipeline_mode<synchronous>, transform_indices = @transform_8, window_bounds = array<i64: 16, 2>}]} {
    %eq3A = arith.constant 0 : i32
    %eq3A_0 = arith.cmpi eq, %arg0, %eq3A : i32
    %convert_element_type3A = arith.extui %eq3A_0 : i1 to i32
    %cond3A = arith.constant 0 : i32
    %cond3A_1 = arith.cmpi ne, %convert_element_type3A, %cond3A : i32
    scf.if %cond3A_1 {
      %broadcast_in_dim3A = arith.constant 0.000000e+00 : f32
      %broadcast_in_dim3A_165 = vector.broadcast %broadcast_in_dim3A : f32 to vector<16x64xf32>
      %swap3A = arith.constant 0 : index
      %swap3A_166 = arith.constant 0 : index
      %swap3A_167 = vector.load %arg10[%swap3A, %swap3A_166] : memref<16x64xf32, #tpu.memory_space<vmem>>, vector<16x64xf32>
      tpu.vector_store %arg10[%swap3A, %swap3A_166], %broadcast_in_dim3A_165 {strides = array<i32>} : memref<16x64xf32, #tpu.memory_space<vmem>>, vector<16x64xf32>,
      %broadcast_in_dim3A_168 = arith.constant 0xFF800000 : f32
      %broadcast_in_dim3A_169 = vector.broadcast %broadcast_in_dim3A_168 : f32 to vector<16x64xf32>
      %swap3A_170 = arith.constant 0 : index
      %swap3A_171 = arith.constant 0 : index
      %swap3A_172 = vector.load %arg11[%swap3A_170, %swap3A_171] : memref<16x64xf32, #tpu.memory_space<vmem>>, vector<16x64xf32>
      tpu.vector_store %arg11[%swap3A_170, %swap3A_171], %broadcast_in_dim3A_169 {strides = array<i32>} : memref<16x64xf32, #tpu.memory_space<vmem>>, vector<16x64xf32>,
      %broadcast_in_dim3A_173 = arith.constant 0.000000e+00 : f32
      %broadcast_in_dim3A_174 = vector.broadcast %broadcast_in_dim3A_173 : f32 to vector<16x1xf32>
      %swap3A_175 = arith.constant 0 : index
      %swap3A_176 = arith.constant 0 : index
      %swap3A_177 = vector.load %arg12[%swap3A_175, %swap3A_176] : memref<16x1xf32, #tpu.memory_space<vmem>>, vector<16x1xf32>
      tpu.vector_store %arg12[%swap3A_175, %swap3A_176], %broadcast_in_dim3A_174 {strides = array<i32>} : memref<16x1xf32, #tpu.memory_space<vmem>>, vector<16x1xf32>,
    } else {
    }
    %get3A = arith.constant 0 : index
    %get3A_2 = arith.constant 0 : index
    %get3A_3 = arith.constant 0 : index
    %get3A_4 = vector.load %arg1[%get3A, %get3A_2, %get3A_3] : memref<2x2000x64xf32, #tpu.memory_space<vmem>>, vector<1x2000x64xf32>
    %get3A_5 = vector.shape_cast %get3A_4 : vector<1x2000x64xf32> to vector<2000x64xf32>
    %get3A_6 = arith.constant 1 : index
    %get3A_7 = arith.constant 0 : index
    %get3A_8 = arith.constant 0 : index
    %get3A_9 = vector.load %arg1[%get3A_6, %get3A_7, %get3A_8] : memref<2x2000x64xf32, #tpu.memory_space<vmem>>, vector<1x2000x64xf32>
    %get3A_10 = vector.shape_cast %get3A_9 : vector<1x2000x64xf32> to vector<2000x64xf32>
    %add3A = arith.addf %get3A_5, %get3A_10 : vector<2000x64xf32>
    %get3A_11 = arith.constant 0 : index
    %get3A_12 = arith.constant 0 : index
    %get3A_13 = vector.load %arg2[%get3A_11, %get3A_12] : memref<2000x64xf32, #tpu.memory_space<vmem>>, vector<2000x64xf32>
    %add3A_14 = arith.addf %add3A, %get3A_13 : vector<2000x64xf32>
    %get3A_15 = arith.constant 0 : index
    %get3A_16 = arith.constant 0 : index
    %get3A_17 = vector.load %arg3[%get3A_15, %get3A_16] : memref<2000x1xf32, #tpu.memory_space<vmem>>, vector<2000x1xf32>
    %mul3A = vector.broadcast %get3A_17 : vector<2000x1xf32> to vector<2000x64xf32>
    %mul3A_18 = arith.mulf %add3A_14, %mul3A : vector<2000x64xf32>
    %get3A_19 = arith.constant 0 : index
    %get3A_20 = arith.constant 0 : index
    %get3A_21 = vector.load %arg4[%get3A_19, %get3A_20] : memref<1x64xf32, #tpu.memory_space<vmem>>, vector<1x64xf32>
    %add3A_22 = vector.broadcast %get3A_21 : vector<1x64xf32> to vector<2000x64xf32>
    %add3A_23 = arith.addf %mul3A_18, %add3A_22 : vector<2000x64xf32>
    %get3A_24 = arith.constant 0 : index
    %get3A_25 = arith.constant 0 : index
    %get3A_26 = vector.load %arg5[%get3A_24, %get3A_25] : memref<2000x1xi32, #tpu.memory_space<vmem>>, vector<2000x1xi32>
    %get3A_27 = arith.constant 0 : index
    %get3A_28 = arith.constant 0 : index
    %get3A_29 = vector.load %arg5[%get3A_27, %get3A_28] : memref<2000x1xi32, #tpu.memory_space<vmem>>, vector<1x1xi32>
    %get3A_30 = vector.extract %get3A_29[0, 0] : i32 from vector<1x1xi32>
    %get3A_31 = arith.constant 1999 : index
    %get3A_32 = arith.constant 0 : index
    %get3A_33 = vector.load %arg5[%get3A_31, %get3A_32] : memref<2000x1xi32, #tpu.memory_space<vmem>>, vector<1x1xi32>
    %get3A_34 = vector.extract %get3A_33[0, 0] : i32 from vector<1x1xi32>
    %le3A = arith.constant 0 : i32
    %le3A_35 = arith.cmpi sle, %get3A_30, %le3A : i32
    %ge3A = arith.constant 0 : i32
    %ge3A_36 = arith.cmpi sge, %get3A_34, %ge3A : i32
    %and3A = arith.andi %le3A_35, %ge3A_36 : i1
    %convert_element_type3A_37 = arith.extui %and3A : i1 to i32
    %cond3A_38 = arith.constant 0 : i32
    %cond3A_39 = arith.cmpi ne, %convert_element_type3A_37, %cond3A_38 : i32
    scf.if %cond3A_39 {
      %eq3A_165 = arith.constant 0 : i32
      %eq3A_166 = vector.broadcast %eq3A_165 : i32 to vector<2000x1xi32>
      %eq3A_167 = arith.cmpi eq, %get3A_26, %eq3A_166 : vector<2000x1xi32>
      %get3A_168 = arith.constant 0 : index
      %get3A_169 = arith.constant 0 : index
      %get3A_170 = vector.load %arg10[%get3A_168, %get3A_169] : memref<16x64xf32, #tpu.memory_space<vmem>>, vector<1x64xf32>
      %jit3A = arith.constant 0.000000e+00 : f32
      %broadcast_in_dim3A = vector.shape_cast %eq3A_167 : vector<2000x1xi1> to vector<2000x1xi1>
      %broadcast_in_dim3A_171 = vector.broadcast %broadcast_in_dim3A : vector<2000x1xi1> to vector<2000x64xi1>
      %broadcast_in_dim3A_172 = vector.broadcast %jit3A : f32 to vector<2000x64xf32>
      %select_n3A = arith.select %broadcast_in_dim3A_171, %add3A_23, %broadcast_in_dim3A_172 : vector<2000x64xi1>, vector<2000x64xf32>
      %reduce_sum3A = arith.constant dense<0.000000e+00> : vector<64xf32>
      %reduce_sum3A_173 = vector.multi_reduction <add>, %select_n3A, %reduce_sum3A [0] : vector<2000x64xf32> to vector<64xf32>
      %broadcast_in_dim3A_174 = vector.shape_cast %reduce_sum3A_173 : vector<64xf32> to vector<1x64xf32>
      %add3A_175 = arith.addf %get3A_170, %broadcast_in_dim3A_174 : vector<1x64xf32>
      %swap3A = arith.constant 0 : index
      %swap3A_176 = arith.constant 0 : index
      %swap3A_177 = vector.load %arg10[%swap3A, %swap3A_176] : memref<16x64xf32, #tpu.memory_space<vmem>>, vector<1x64xf32>
      tpu.vector_store %arg10[%swap3A, %swap3A_176], %add3A_175 {strides = array<i32>} : memref<16x64xf32, #tpu.memory_space<vmem>>, vector<1x64xf32>,
      %get3A_178 = arith.constant 0 : index
      %get3A_179 = arith.constant 0 : index
      %get3A_180 = vector.load %arg11[%get3A_178, %get3A_179] : memref<16x64xf32, #tpu.memory_space<vmem>>, vector<1x64xf32>
      %jit3A_181 = arith.constant 0xFF800000 : f32
      %broadcast_in_dim3A_182 = vector.shape_cast %eq3A_167 : vector<2000x1xi1> to vector<2000x1xi1>
      %broadcast_in_dim3A_183 = vector.broadcast %broadcast_in_dim3A_182 : vector<2000x1xi1> to vector<2000x64xi1>
      %broadcast_in_dim3A_184 = vector.broadcast %jit3A_181 : f32 to vector<2000x64xf32>
      %select_n3A_185 = arith.select %broadcast_in_dim3A_183, %add3A_23, %broadcast_in_dim3A_184 : vector<2000x64xi1>, vector<2000x64xf32>
      %reduce_max3A = arith.constant dense<0xFF800000> : vector<64xf32>
      %reduce_max3A_186 = vector.multi_reduction <maximumf>, %select_n3A_185, %reduce_max3A [0] : vector<2000x64xf32> to vector<64xf32>
      %broadcast_in_dim3A_187 = vector.shape_cast %reduce_max3A_186 : vector<64xf32> to vector<1x64xf32>
      %max3A = arith.maximumf %get3A_180, %broadcast_in_dim3A_187 : vector<1x64xf32>
      %swap3A_188 = arith.constant 0 : index
      %swap3A_189 = arith.constant 0 : index
      %swap3A_190 = vector.load %arg11[%swap3A_188, %swap3A_189] : memref<16x64xf32, #tpu.memory_space<vmem>>, vector<1x64xf32>
      tpu.vector_store %arg11[%swap3A_188, %swap3A_189], %max3A {strides = array<i32>} : memref<16x64xf32, #tpu.memory_space<vmem>>, vector<1x64xf32>,
      %get3A_191 = arith.constant 0 : index
      %get3A_192 = arith.constant 0 : index
      %get3A_193 = vector.load %arg12[%get3A_191, %get3A_192] : memref<16x1xf32, #tpu.memory_space<vmem>>, vector<1x1xf32>
      %convert_element_type3A_194 = arith.extui %eq3A_167 : vector<2000x1xi1> to vector<2000x1xi32>
      %convert_element_type3A_195 = arith.sitofp %convert_element_type3A_194 : vector<2000x1xi32> to vector<2000x1xf32>
      %reduce_sum3A_196 = arith.constant dense<0.000000e+00> : vector<1xf32>
      %reduce_sum3A_197 = vector.multi_reduction <add>, %convert_element_type3A_195, %reduce_sum3A_196 [0] : vector<2000x1xf32> to vector<1xf32>
      %broadcast_in_dim3A_198 = vector.shape_cast %reduce_sum3A_197 : vector<1xf32> to vector<1x1xf32>
      %add3A_199 = arith.addf %get3A_193, %broadcast_in_dim3A_198 : vector<1x1xf32>
      %swap3A_200 = arith.constant 0 : index
      %swap3A_201 = arith.constant 0 : index
      %swap3A_202 = vector.load %arg12[%swap3A_200, %swap3A_201] : memref<16x1xf32, #tpu.memory_space<vmem>>, vector<1x1xf32>
      tpu.vector_store %arg12[%swap3A_200, %swap3A_201], %add3A_199 {strides = array<i32>} : memref<16x1xf32, #tpu.memory_space<vmem>>, vector<1x1xf32>,
    } else {
    }
    %le3A_40 = arith.constant 1 : i32
    %le3A_41 = arith.cmpi sle, %get3A_30, %le3A_40 : i32
    %ge3A_42 = arith.constant 1 : i32
    %ge3A_43 = arith.cmpi sge, %get3A_34, %ge3A_42 : i32
    %and3A_44 = arith.andi %le3A_41, %ge3A_43 : i1
    %convert_element_type3A_45 = arith.extui %and3A_44 : i1 to i32
    %cond3A_46 = arith.constant 0 : i32
    %cond3A_47 = arith.cmpi ne, %convert_element_type3A_45, %cond3A_46 : i32
    scf.if %cond3A_47 {
      %eq3A_165 = arith.constant 1 : i32
      %eq3A_166 = vector.broadcast %eq3A_165 : i32 to vector<2000x1xi32>
      %eq3A_167 = arith.cmpi eq, %get3A_26, %eq3A_166 : vector<2000x1xi32>
      %get3A_168 = arith.constant 1 : index
      %get3A_169 = arith.constant 0 : index
      %get3A_170 = vector.load %arg10[%get3A_168, %get3A_169] : memref<16x64xf32, #tpu.memory_space<vmem>>, vector<1x64xf32>
      %jit3A = arith.constant 0.000000e+00 : f32
      %broadcast_in_dim3A = vector.shape_cast %eq3A_167 : vector<2000x1xi1> to vector<2000x1xi1>
      %broadcast_in_dim3A_171 = vector.broadcast %broadcast_in_dim3A : vector<2000x1xi1> to vector<2000x64xi1>
      %broadcast_in_dim3A_172 = vector.broadcast %jit3A : f32 to vector<2000x64xf32>
      %select_n3A = arith.select %broadcast_in_dim3A_171, %add3A_23, %broadcast_in_dim3A_172 : vector<2000x64xi1>, vector<2000x64xf32>
      %reduce_sum3A = arith.constant dense<0.000000e+00> : vector<64xf32>
      %reduce_sum3A_173 = vector.multi_reduction <add>, %select_n3A, %reduce_sum3A [0] : vector<2000x64xf32> to vector<64xf32>
      %broadcast_in_dim3A_174 = vector.shape_cast %reduce_sum3A_173 : vector<64xf32> to vector<1x64xf32>
      %add3A_175 = arith.addf %get3A_170, %broadcast_in_dim3A_174 : vector<1x64xf32>
      %swap3A = arith.constant 1 : index
      %swap3A_176 = arith.constant 0 : index
      %swap3A_177 = vector.load %arg10[%swap3A, %swap3A_176] : memref<16x64xf32, #tpu.memory_space<vmem>>, vector<1x64xf32>
      tpu.vector_store %arg10[%swap3A, %swap3A_176], %add3A_175 {strides = array<i32>} : memref<16x64xf32, #tpu.memory_space<vmem>>, vector<1x64xf32>,
      %get3A_178 = arith.constant 1 : index
      %get3A_179 = arith.constant 0 : index
      %get3A_180 = vector.load %arg11[%get3A_178, %get3A_179] : memref<16x64xf32, #tpu.memory_space<vmem>>, vector<1x64xf32>
      %jit3A_181 = arith.constant 0xFF800000 : f32
      %broadcast_in_dim3A_182 = vector.shape_cast %eq3A_167 : vector<2000x1xi1> to vector<2000x1xi1>
      %broadcast_in_dim3A_183 = vector.broadcast %broadcast_in_dim3A_182 : vector<2000x1xi1> to vector<2000x64xi1>
      %broadcast_in_dim3A_184 = vector.broadcast %jit3A_181 : f32 to vector<2000x64xf32>
      %select_n3A_185 = arith.select %broadcast_in_dim3A_183, %add3A_23, %broadcast_in_dim3A_184 : vector<2000x64xi1>, vector<2000x64xf32>
      %reduce_max3A = arith.constant dense<0xFF800000> : vector<64xf32>
      %reduce_max3A_186 = vector.multi_reduction <maximumf>, %select_n3A_185, %reduce_max3A [0] : vector<2000x64xf32> to vector<64xf32>
      %broadcast_in_dim3A_187 = vector.shape_cast %reduce_max3A_186 : vector<64xf32> to vector<1x64xf32>
      %max3A = arith.maximumf %get3A_180, %broadcast_in_dim3A_187 : vector<1x64xf32>
      %swap3A_188 = arith.constant 1 : index
      %swap3A_189 = arith.constant 0 : index
      %swap3A_190 = vector.load %arg11[%swap3A_188, %swap3A_189] : memref<16x64xf32, #tpu.memory_space<vmem>>, vector<1x64xf32>
      tpu.vector_store %arg11[%swap3A_188, %swap3A_189], %max3A {strides = array<i32>} : memref<16x64xf32, #tpu.memory_space<vmem>>, vector<1x64xf32>,
      %get3A_191 = arith.constant 1 : index
      %get3A_192 = arith.constant 0 : index
      %get3A_193 = vector.load %arg12[%get3A_191, %get3A_192] : memref<16x1xf32, #tpu.memory_space<vmem>>, vector<1x1xf32>
      %convert_element_type3A_194 = arith.extui %eq3A_167 : vector<2000x1xi1> to vector<2000x1xi32>
      %convert_element_type3A_195 = arith.sitofp %convert_element_type3A_194 : vector<2000x1xi32> to vector<2000x1xf32>
      %reduce_sum3A_196 = arith.constant dense<0.000000e+00> : vector<1xf32>
      %reduce_sum3A_197 = vector.multi_reduction <add>, %convert_element_type3A_195, %reduce_sum3A_196 [0] : vector<2000x1xf32> to vector<1xf32>
      %broadcast_in_dim3A_198 = vector.shape_cast %reduce_sum3A_197 : vector<1xf32> to vector<1x1xf32>
      %add3A_199 = arith.addf %get3A_193, %broadcast_in_dim3A_198 : vector<1x1xf32>
      %swap3A_200 = arith.constant 1 : index
      %swap3A_201 = arith.constant 0 : index
      %swap3A_202 = vector.load %arg12[%swap3A_200, %swap3A_201] : memref<16x1xf32, #tpu.memory_space<vmem>>, vector<1x1xf32>
      tpu.vector_store %arg12[%swap3A_200, %swap3A_201], %add3A_199 {strides = array<i32>} : memref<16x1xf32, #tpu.memory_space<vmem>>, vector<1x1xf32>,
    } else {
    }
    %le3A_48 = arith.constant 2 : i32
    %le3A_49 = arith.cmpi sle, %get3A_30, %le3A_48 : i32
    %ge3A_50 = arith.constant 2 : i32
    %ge3A_51 = arith.cmpi sge, %get3A_34, %ge3A_50 : i32
    %and3A_52 = arith.andi %le3A_49, %ge3A_51 : i1
    %convert_element_type3A_53 = arith.extui %and3A_52 : i1 to i32
    %cond3A_54 = arith.constant 0 : i32
    %cond3A_55 = arith.cmpi ne, %convert_element_type3A_53, %cond3A_54 : i32
    scf.if %cond3A_55 {
      %eq3A_165 = arith.constant 2 : i32
      %eq3A_166 = vector.broadcast %eq3A_165 : i32 to vector<2000x1xi32>
      %eq3A_167 = arith.cmpi eq, %get3A_26, %eq3A_166 : vector<2000x1xi32>
      %get3A_168 = arith.constant 2 : index
      %get3A_169 = arith.constant 0 : index
      %get3A_170 = vector.load %arg10[%get3A_168, %get3A_169] : memref<16x64xf32, #tpu.memory_space<vmem>>, vector<1x64xf32>
      %jit3A = arith.constant 0.000000e+00 : f32
      %broadcast_in_dim3A = vector.shape_cast %eq3A_167 : vector<2000x1xi1> to vector<2000x1xi1>
      %broadcast_in_dim3A_171 = vector.broadcast %broadcast_in_dim3A : vector<2000x1xi1> to vector<2000x64xi1>
      %broadcast_in_dim3A_172 = vector.broadcast %jit3A : f32 to vector<2000x64xf32>
      %select_n3A = arith.select %broadcast_in_dim3A_171, %add3A_23, %broadcast_in_dim3A_172 : vector<2000x64xi1>, vector<2000x64xf32>
      %reduce_sum3A = arith.constant dense<0.000000e+00> : vector<64xf32>
      %reduce_sum3A_173 = vector.multi_reduction <add>, %select_n3A, %reduce_sum3A [0] : vector<2000x64xf32> to vector<64xf32>
      %broadcast_in_dim3A_174 = vector.shape_cast %reduce_sum3A_173 : vector<64xf32> to vector<1x64xf32>
      %add3A_175 = arith.addf %get3A_170, %broadcast_in_dim3A_174 : vector<1x64xf32>
      %swap3A = arith.constant 2 : index
      %swap3A_176 = arith.constant 0 : index
      %swap3A_177 = vector.load %arg10[%swap3A, %swap3A_176] : memref<16x64xf32, #tpu.memory_space<vmem>>, vector<1x64xf32>
      tpu.vector_store %arg10[%swap3A, %swap3A_176], %add3A_175 {strides = array<i32>} : memref<16x64xf32, #tpu.memory_space<vmem>>, vector<1x64xf32>,
      %get3A_178 = arith.constant 2 : index
      %get3A_179 = arith.constant 0 : index
      %get3A_180 = vector.load %arg11[%get3A_178, %get3A_179] : memref<16x64xf32, #tpu.memory_space<vmem>>, vector<1x64xf32>
      %jit3A_181 = arith.constant 0xFF800000 : f32
      %broadcast_in_dim3A_182 = vector.shape_cast %eq3A_167 : vector<2000x1xi1> to vector<2000x1xi1>
      %broadcast_in_dim3A_183 = vector.broadcast %broadcast_in_dim3A_182 : vector<2000x1xi1> to vector<2000x64xi1>
      %broadcast_in_dim3A_184 = vector.broadcast %jit3A_181 : f32 to vector<2000x64xf32>
      %select_n3A_185 = arith.select %broadcast_in_dim3A_183, %add3A_23, %broadcast_in_dim3A_184 : vector<2000x64xi1>, vector<2000x64xf32>
      %reduce_max3A = arith.constant dense<0xFF800000> : vector<64xf32>
      %reduce_max3A_186 = vector.multi_reduction <maximumf>, %select_n3A_185, %reduce_max3A [0] : vector<2000x64xf32> to vector<64xf32>
      %broadcast_in_dim3A_187 = vector.shape_cast %reduce_max3A_186 : vector<64xf32> to vector<1x64xf32>
      %max3A = arith.maximumf %get3A_180, %broadcast_in_dim3A_187 : vector<1x64xf32>
      %swap3A_188 = arith.constant 2 : index
      %swap3A_189 = arith.constant 0 : index
      %swap3A_190 = vector.load %arg11[%swap3A_188, %swap3A_189] : memref<16x64xf32, #tpu.memory_space<vmem>>, vector<1x64xf32>
      tpu.vector_store %arg11[%swap3A_188, %swap3A_189], %max3A {strides = array<i32>} : memref<16x64xf32, #tpu.memory_space<vmem>>, vector<1x64xf32>,
      %get3A_191 = arith.constant 2 : index
      %get3A_192 = arith.constant 0 : index
      %get3A_193 = vector.load %arg12[%get3A_191, %get3A_192] : memref<16x1xf32, #tpu.memory_space<vmem>>, vector<1x1xf32>
      %convert_element_type3A_194 = arith.extui %eq3A_167 : vector<2000x1xi1> to vector<2000x1xi32>
      %convert_element_type3A_195 = arith.sitofp %convert_element_type3A_194 : vector<2000x1xi32> to vector<2000x1xf32>
      %reduce_sum3A_196 = arith.constant dense<0.000000e+00> : vector<1xf32>
      %reduce_sum3A_197 = vector.multi_reduction <add>, %convert_element_type3A_195, %reduce_sum3A_196 [0] : vector<2000x1xf32> to vector<1xf32>
      %broadcast_in_dim3A_198 = vector.shape_cast %reduce_sum3A_197 : vector<1xf32> to vector<1x1xf32>
      %add3A_199 = arith.addf %get3A_193, %broadcast_in_dim3A_198 : vector<1x1xf32>
      %swap3A_200 = arith.constant 2 : index
      %swap3A_201 = arith.constant 0 : index
      %swap3A_202 = vector.load %arg12[%swap3A_200, %swap3A_201] : memref<16x1xf32, #tpu.memory_space<vmem>>, vector<1x1xf32>
      tpu.vector_store %arg12[%swap3A_200, %swap3A_201], %add3A_199 {strides = array<i32>} : memref<16x1xf32, #tpu.memory_space<vmem>>, vector<1x1xf32>,
    } else {
    }
    %le3A_56 = arith.constant 3 : i32
    %le3A_57 = arith.cmpi sle, %get3A_30, %le3A_56 : i32
    %ge3A_58 = arith.constant 3 : i32
    %ge3A_59 = arith.cmpi sge, %get3A_34, %ge3A_58 : i32
    %and3A_60 = arith.andi %le3A_57, %ge3A_59 : i1
    %convert_element_type3A_61 = arith.extui %and3A_60 : i1 to i32
    %cond3A_62 = arith.constant 0 : i32
    %cond3A_63 = arith.cmpi ne, %convert_element_type3A_61, %cond3A_62 : i32
    scf.if %cond3A_63 {
      %eq3A_165 = arith.constant 3 : i32
      %eq3A_166 = vector.broadcast %eq3A_165 : i32 to vector<2000x1xi32>
      %eq3A_167 = arith.cmpi eq, %get3A_26, %eq3A_166 : vector<2000x1xi32>
      %get3A_168 = arith.constant 3 : index
      %get3A_169 = arith.constant 0 : index
      %get3A_170 = vector.load %arg10[%get3A_168, %get3A_169] : memref<16x64xf32, #tpu.memory_space<vmem>>, vector<1x64xf32>
      %jit3A = arith.constant 0.000000e+00 : f32
      %broadcast_in_dim3A = vector.shape_cast %eq3A_167 : vector<2000x1xi1> to vector<2000x1xi1>
      %broadcast_in_dim3A_171 = vector.broadcast %broadcast_in_dim3A : vector<2000x1xi1> to vector<2000x64xi1>
      %broadcast_in_dim3A_172 = vector.broadcast %jit3A : f32 to vector<2000x64xf32>
      %select_n3A = arith.select %broadcast_in_dim3A_171, %add3A_23, %broadcast_in_dim3A_172 : vector<2000x64xi1>, vector<2000x64xf32>
      %reduce_sum3A = arith.constant dense<0.000000e+00> : vector<64xf32>
      %reduce_sum3A_173 = vector.multi_reduction <add>, %select_n3A, %reduce_sum3A [0] : vector<2000x64xf32> to vector<64xf32>
      %broadcast_in_dim3A_174 = vector.shape_cast %reduce_sum3A_173 : vector<64xf32> to vector<1x64xf32>
      %add3A_175 = arith.addf %get3A_170, %broadcast_in_dim3A_174 : vector<1x64xf32>
      %swap3A = arith.constant 3 : index
      %swap3A_176 = arith.constant 0 : index
      %swap3A_177 = vector.load %arg10[%swap3A, %swap3A_176] : memref<16x64xf32, #tpu.memory_space<vmem>>, vector<1x64xf32>
      tpu.vector_store %arg10[%swap3A, %swap3A_176], %add3A_175 {strides = array<i32>} : memref<16x64xf32, #tpu.memory_space<vmem>>, vector<1x64xf32>,
      %get3A_178 = arith.constant 3 : index
      %get3A_179 = arith.constant 0 : index
      %get3A_180 = vector.load %arg11[%get3A_178, %get3A_179] : memref<16x64xf32, #tpu.memory_space<vmem>>, vector<1x64xf32>
      %jit3A_181 = arith.constant 0xFF800000 : f32
      %broadcast_in_dim3A_182 = vector.shape_cast %eq3A_167 : vector<2000x1xi1> to vector<2000x1xi1>
      %broadcast_in_dim3A_183 = vector.broadcast %broadcast_in_dim3A_182 : vector<2000x1xi1> to vector<2000x64xi1>
      %broadcast_in_dim3A_184 = vector.broadcast %jit3A_181 : f32 to vector<2000x64xf32>
      %select_n3A_185 = arith.select %broadcast_in_dim3A_183, %add3A_23, %broadcast_in_dim3A_184 : vector<2000x64xi1>, vector<2000x64xf32>
      %reduce_max3A = arith.constant dense<0xFF800000> : vector<64xf32>
      %reduce_max3A_186 = vector.multi_reduction <maximumf>, %select_n3A_185, %reduce_max3A [0] : vector<2000x64xf32> to vector<64xf32>
      %broadcast_in_dim3A_187 = vector.shape_cast %reduce_max3A_186 : vector<64xf32> to vector<1x64xf32>
      %max3A = arith.maximumf %get3A_180, %broadcast_in_dim3A_187 : vector<1x64xf32>
      %swap3A_188 = arith.constant 3 : index
      %swap3A_189 = arith.constant 0 : index
      %swap3A_190 = vector.load %arg11[%swap3A_188, %swap3A_189] : memref<16x64xf32, #tpu.memory_space<vmem>>, vector<1x64xf32>
      tpu.vector_store %arg11[%swap3A_188, %swap3A_189], %max3A {strides = array<i32>} : memref<16x64xf32, #tpu.memory_space<vmem>>, vector<1x64xf32>,
      %get3A_191 = arith.constant 3 : index
      %get3A_192 = arith.constant 0 : index
      %get3A_193 = vector.load %arg12[%get3A_191, %get3A_192] : memref<16x1xf32, #tpu.memory_space<vmem>>, vector<1x1xf32>
      %convert_element_type3A_194 = arith.extui %eq3A_167 : vector<2000x1xi1> to vector<2000x1xi32>
      %convert_element_type3A_195 = arith.sitofp %convert_element_type3A_194 : vector<2000x1xi32> to vector<2000x1xf32>
      %reduce_sum3A_196 = arith.constant dense<0.000000e+00> : vector<1xf32>
      %reduce_sum3A_197 = vector.multi_reduction <add>, %convert_element_type3A_195, %reduce_sum3A_196 [0] : vector<2000x1xf32> to vector<1xf32>
      %broadcast_in_dim3A_198 = vector.shape_cast %reduce_sum3A_197 : vector<1xf32> to vector<1x1xf32>
      %add3A_199 = arith.addf %get3A_193, %broadcast_in_dim3A_198 : vector<1x1xf32>
      %swap3A_200 = arith.constant 3 : index
      %swap3A_201 = arith.constant 0 : index
      %swap3A_202 = vector.load %arg12[%swap3A_200, %swap3A_201] : memref<16x1xf32, #tpu.memory_space<vmem>>, vector<1x1xf32>
      tpu.vector_store %arg12[%swap3A_200, %swap3A_201], %add3A_199 {strides = array<i32>} : memref<16x1xf32, #tpu.memory_space<vmem>>, vector<1x1xf32>,
    } else {
    }
    %le3A_64 = arith.constant 4 : i32
    %le3A_65 = arith.cmpi sle, %get3A_30, %le3A_64 : i32
    %ge3A_66 = arith.constant 4 : i32
    %ge3A_67 = arith.cmpi sge, %get3A_34, %ge3A_66 : i32
    %and3A_68 = arith.andi %le3A_65, %ge3A_67 : i1
    %convert_element_type3A_69 = arith.extui %and3A_68 : i1 to i32
    %cond3A_70 = arith.constant 0 : i32
    %cond3A_71 = arith.cmpi ne, %convert_element_type3A_69, %cond3A_70 : i32
    scf.if %cond3A_71 {
      %eq3A_165 = arith.constant 4 : i32
      %eq3A_166 = vector.broadcast %eq3A_165 : i32 to vector<2000x1xi32>
      %eq3A_167 = arith.cmpi eq, %get3A_26, %eq3A_166 : vector<2000x1xi32>
      %get3A_168 = arith.constant 4 : index
      %get3A_169 = arith.constant 0 : index
      %get3A_170 = vector.load %arg10[%get3A_168, %get3A_169] : memref<16x64xf32, #tpu.memory_space<vmem>>, vector<1x64xf32>
      %jit3A = arith.constant 0.000000e+00 : f32
      %broadcast_in_dim3A = vector.shape_cast %eq3A_167 : vector<2000x1xi1> to vector<2000x1xi1>
      %broadcast_in_dim3A_171 = vector.broadcast %broadcast_in_dim3A : vector<2000x1xi1> to vector<2000x64xi1>
      %broadcast_in_dim3A_172 = vector.broadcast %jit3A : f32 to vector<2000x64xf32>
      %select_n3A = arith.select %broadcast_in_dim3A_171, %add3A_23, %broadcast_in_dim3A_172 : vector<2000x64xi1>, vector<2000x64xf32>
      %reduce_sum3A = arith.constant dense<0.000000e+00> : vector<64xf32>
      %reduce_sum3A_173 = vector.multi_reduction <add>, %select_n3A, %reduce_sum3A [0] : vector<2000x64xf32> to vector<64xf32>
      %broadcast_in_dim3A_174 = vector.shape_cast %reduce_sum3A_173 : vector<64xf32> to vector<1x64xf32>
      %add3A_175 = arith.addf %get3A_170, %broadcast_in_dim3A_174 : vector<1x64xf32>
      %swap3A = arith.constant 4 : index
      %swap3A_176 = arith.constant 0 : index
      %swap3A_177 = vector.load %arg10[%swap3A, %swap3A_176] : memref<16x64xf32, #tpu.memory_space<vmem>>, vector<1x64xf32>
      tpu.vector_store %arg10[%swap3A, %swap3A_176], %add3A_175 {strides = array<i32>} : memref<16x64xf32, #tpu.memory_space<vmem>>, vector<1x64xf32>,
      %get3A_178 = arith.constant 4 : index
      %get3A_179 = arith.constant 0 : index
      %get3A_180 = vector.load %arg11[%get3A_178, %get3A_179] : memref<16x64xf32, #tpu.memory_space<vmem>>, vector<1x64xf32>
      %jit3A_181 = arith.constant 0xFF800000 : f32
      %broadcast_in_dim3A_182 = vector.shape_cast %eq3A_167 : vector<2000x1xi1> to vector<2000x1xi1>
      %broadcast_in_dim3A_183 = vector.broadcast %broadcast_in_dim3A_182 : vector<2000x1xi1> to vector<2000x64xi1>
      %broadcast_in_dim3A_184 = vector.broadcast %jit3A_181 : f32 to vector<2000x64xf32>
      %select_n3A_185 = arith.select %broadcast_in_dim3A_183, %add3A_23, %broadcast_in_dim3A_184 : vector<2000x64xi1>, vector<2000x64xf32>
      %reduce_max3A = arith.constant dense<0xFF800000> : vector<64xf32>
      %reduce_max3A_186 = vector.multi_reduction <maximumf>, %select_n3A_185, %reduce_max3A [0] : vector<2000x64xf32> to vector<64xf32>
      %broadcast_in_dim3A_187 = vector.shape_cast %reduce_max3A_186 : vector<64xf32> to vector<1x64xf32>
      %max3A = arith.maximumf %get3A_180, %broadcast_in_dim3A_187 : vector<1x64xf32>
      %swap3A_188 = arith.constant 4 : index
      %swap3A_189 = arith.constant 0 : index
      %swap3A_190 = vector.load %arg11[%swap3A_188, %swap3A_189] : memref<16x64xf32, #tpu.memory_space<vmem>>, vector<1x64xf32>
      tpu.vector_store %arg11[%swap3A_188, %swap3A_189], %max3A {strides = array<i32>} : memref<16x64xf32, #tpu.memory_space<vmem>>, vector<1x64xf32>,
      %get3A_191 = arith.constant 4 : index
      %get3A_192 = arith.constant 0 : index
      %get3A_193 = vector.load %arg12[%get3A_191, %get3A_192] : memref<16x1xf32, #tpu.memory_space<vmem>>, vector<1x1xf32>
      %convert_element_type3A_194 = arith.extui %eq3A_167 : vector<2000x1xi1> to vector<2000x1xi32>
      %convert_element_type3A_195 = arith.sitofp %convert_element_type3A_194 : vector<2000x1xi32> to vector<2000x1xf32>
      %reduce_sum3A_196 = arith.constant dense<0.000000e+00> : vector<1xf32>
      %reduce_sum3A_197 = vector.multi_reduction <add>, %convert_element_type3A_195, %reduce_sum3A_196 [0] : vector<2000x1xf32> to vector<1xf32>
      %broadcast_in_dim3A_198 = vector.shape_cast %reduce_sum3A_197 : vector<1xf32> to vector<1x1xf32>
      %add3A_199 = arith.addf %get3A_193, %broadcast_in_dim3A_198 : vector<1x1xf32>
      %swap3A_200 = arith.constant 4 : index
      %swap3A_201 = arith.constant 0 : index
      %swap3A_202 = vector.load %arg12[%swap3A_200, %swap3A_201] : memref<16x1xf32, #tpu.memory_space<vmem>>, vector<1x1xf32>
      tpu.vector_store %arg12[%swap3A_200, %swap3A_201], %add3A_199 {strides = array<i32>} : memref<16x1xf32, #tpu.memory_space<vmem>>, vector<1x1xf32>,
    } else {
    }
    %le3A_72 = arith.constant 5 : i32
    %le3A_73 = arith.cmpi sle, %get3A_30, %le3A_72 : i32
    %ge3A_74 = arith.constant 5 : i32
    %ge3A_75 = arith.cmpi sge, %get3A_34, %ge3A_74 : i32
    %and3A_76 = arith.andi %le3A_73, %ge3A_75 : i1
    %convert_element_type3A_77 = arith.extui %and3A_76 : i1 to i32
    %cond3A_78 = arith.constant 0 : i32
    %cond3A_79 = arith.cmpi ne, %convert_element_type3A_77, %cond3A_78 : i32
    scf.if %cond3A_79 {
      %eq3A_165 = arith.constant 5 : i32
      %eq3A_166 = vector.broadcast %eq3A_165 : i32 to vector<2000x1xi32>
      %eq3A_167 = arith.cmpi eq, %get3A_26, %eq3A_166 : vector<2000x1xi32>
      %get3A_168 = arith.constant 5 : index
      %get3A_169 = arith.constant 0 : index
      %get3A_170 = vector.load %arg10[%get3A_168, %get3A_169] : memref<16x64xf32, #tpu.memory_space<vmem>>, vector<1x64xf32>
      %jit3A = arith.constant 0.000000e+00 : f32
      %broadcast_in_dim3A = vector.shape_cast %eq3A_167 : vector<2000x1xi1> to vector<2000x1xi1>
      %broadcast_in_dim3A_171 = vector.broadcast %broadcast_in_dim3A : vector<2000x1xi1> to vector<2000x64xi1>
      %broadcast_in_dim3A_172 = vector.broadcast %jit3A : f32 to vector<2000x64xf32>
      %select_n3A = arith.select %broadcast_in_dim3A_171, %add3A_23, %broadcast_in_dim3A_172 : vector<2000x64xi1>, vector<2000x64xf32>
      %reduce_sum3A = arith.constant dense<0.000000e+00> : vector<64xf32>
      %reduce_sum3A_173 = vector.multi_reduction <add>, %select_n3A, %reduce_sum3A [0] : vector<2000x64xf32> to vector<64xf32>
      %broadcast_in_dim3A_174 = vector.shape_cast %reduce_sum3A_173 : vector<64xf32> to vector<1x64xf32>
      %add3A_175 = arith.addf %get3A_170, %broadcast_in_dim3A_174 : vector<1x64xf32>
      %swap3A = arith.constant 5 : index
      %swap3A_176 = arith.constant 0 : index
      %swap3A_177 = vector.load %arg10[%swap3A, %swap3A_176] : memref<16x64xf32, #tpu.memory_space<vmem>>, vector<1x64xf32>
      tpu.vector_store %arg10[%swap3A, %swap3A_176], %add3A_175 {strides = array<i32>} : memref<16x64xf32, #tpu.memory_space<vmem>>, vector<1x64xf32>,
      %get3A_178 = arith.constant 5 : index
      %get3A_179 = arith.constant 0 : index
      %get3A_180 = vector.load %arg11[%get3A_178, %get3A_179] : memref<16x64xf32, #tpu.memory_space<vmem>>, vector<1x64xf32>
      %jit3A_181 = arith.constant 0xFF800000 : f32
      %broadcast_in_dim3A_182 = vector.shape_cast %eq3A_167 : vector<2000x1xi1> to vector<2000x1xi1>
      %broadcast_in_dim3A_183 = vector.broadcast %broadcast_in_dim3A_182 : vector<2000x1xi1> to vector<2000x64xi1>
      %broadcast_in_dim3A_184 = vector.broadcast %jit3A_181 : f32 to vector<2000x64xf32>
      %select_n3A_185 = arith.select %broadcast_in_dim3A_183, %add3A_23, %broadcast_in_dim3A_184 : vector<2000x64xi1>, vector<2000x64xf32>
      %reduce_max3A = arith.constant dense<0xFF800000> : vector<64xf32>
      %reduce_max3A_186 = vector.multi_reduction <maximumf>, %select_n3A_185, %reduce_max3A [0] : vector<2000x64xf32> to vector<64xf32>
      %broadcast_in_dim3A_187 = vector.shape_cast %reduce_max3A_186 : vector<64xf32> to vector<1x64xf32>
      %max3A = arith.maximumf %get3A_180, %broadcast_in_dim3A_187 : vector<1x64xf32>
      %swap3A_188 = arith.constant 5 : index
      %swap3A_189 = arith.constant 0 : index
      %swap3A_190 = vector.load %arg11[%swap3A_188, %swap3A_189] : memref<16x64xf32, #tpu.memory_space<vmem>>, vector<1x64xf32>
      tpu.vector_store %arg11[%swap3A_188, %swap3A_189], %max3A {strides = array<i32>} : memref<16x64xf32, #tpu.memory_space<vmem>>, vector<1x64xf32>,
      %get3A_191 = arith.constant 5 : index
      %get3A_192 = arith.constant 0 : index
      %get3A_193 = vector.load %arg12[%get3A_191, %get3A_192] : memref<16x1xf32, #tpu.memory_space<vmem>>, vector<1x1xf32>
      %convert_element_type3A_194 = arith.extui %eq3A_167 : vector<2000x1xi1> to vector<2000x1xi32>
      %convert_element_type3A_195 = arith.sitofp %convert_element_type3A_194 : vector<2000x1xi32> to vector<2000x1xf32>
      %reduce_sum3A_196 = arith.constant dense<0.000000e+00> : vector<1xf32>
      %reduce_sum3A_197 = vector.multi_reduction <add>, %convert_element_type3A_195, %reduce_sum3A_196 [0] : vector<2000x1xf32> to vector<1xf32>
      %broadcast_in_dim3A_198 = vector.shape_cast %reduce_sum3A_197 : vector<1xf32> to vector<1x1xf32>
      %add3A_199 = arith.addf %get3A_193, %broadcast_in_dim3A_198 : vector<1x1xf32>
      %swap3A_200 = arith.constant 5 : index
      %swap3A_201 = arith.constant 0 : index
      %swap3A_202 = vector.load %arg12[%swap3A_200, %swap3A_201] : memref<16x1xf32, #tpu.memory_space<vmem>>, vector<1x1xf32>
      tpu.vector_store %arg12[%swap3A_200, %swap3A_201], %add3A_199 {strides = array<i32>} : memref<16x1xf32, #tpu.memory_space<vmem>>, vector<1x1xf32>,
    } else {
    }
    %le3A_80 = arith.constant 6 : i32
    %le3A_81 = arith.cmpi sle, %get3A_30, %le3A_80 : i32
    %ge3A_82 = arith.constant 6 : i32
    %ge3A_83 = arith.cmpi sge, %get3A_34, %ge3A_82 : i32
    %and3A_84 = arith.andi %le3A_81, %ge3A_83 : i1
    %convert_element_type3A_85 = arith.extui %and3A_84 : i1 to i32
    %cond3A_86 = arith.constant 0 : i32
    %cond3A_87 = arith.cmpi ne, %convert_element_type3A_85, %cond3A_86 : i32
    scf.if %cond3A_87 {
      %eq3A_165 = arith.constant 6 : i32
      %eq3A_166 = vector.broadcast %eq3A_165 : i32 to vector<2000x1xi32>
      %eq3A_167 = arith.cmpi eq, %get3A_26, %eq3A_166 : vector<2000x1xi32>
      %get3A_168 = arith.constant 6 : index
      %get3A_169 = arith.constant 0 : index
      %get3A_170 = vector.load %arg10[%get3A_168, %get3A_169] : memref<16x64xf32, #tpu.memory_space<vmem>>, vector<1x64xf32>
      %jit3A = arith.constant 0.000000e+00 : f32
      %broadcast_in_dim3A = vector.shape_cast %eq3A_167 : vector<2000x1xi1> to vector<2000x1xi1>
      %broadcast_in_dim3A_171 = vector.broadcast %broadcast_in_dim3A : vector<2000x1xi1> to vector<2000x64xi1>
      %broadcast_in_dim3A_172 = vector.broadcast %jit3A : f32 to vector<2000x64xf32>
      %select_n3A = arith.select %broadcast_in_dim3A_171, %add3A_23, %broadcast_in_dim3A_172 : vector<2000x64xi1>, vector<2000x64xf32>
      %reduce_sum3A = arith.constant dense<0.000000e+00> : vector<64xf32>
      %reduce_sum3A_173 = vector.multi_reduction <add>, %select_n3A, %reduce_sum3A [0] : vector<2000x64xf32> to vector<64xf32>
      %broadcast_in_dim3A_174 = vector.shape_cast %reduce_sum3A_173 : vector<64xf32> to vector<1x64xf32>
      %add3A_175 = arith.addf %get3A_170, %broadcast_in_dim3A_174 : vector<1x64xf32>
      %swap3A = arith.constant 6 : index
      %swap3A_176 = arith.constant 0 : index
      %swap3A_177 = vector.load %arg10[%swap3A, %swap3A_176] : memref<16x64xf32, #tpu.memory_space<vmem>>, vector<1x64xf32>
      tpu.vector_store %arg10[%swap3A, %swap3A_176], %add3A_175 {strides = array<i32>} : memref<16x64xf32, #tpu.memory_space<vmem>>, vector<1x64xf32>,
      %get3A_178 = arith.constant 6 : index
      %get3A_179 = arith.constant 0 : index
      %get3A_180 = vector.load %arg11[%get3A_178, %get3A_179] : memref<16x64xf32, #tpu.memory_space<vmem>>, vector<1x64xf32>
      %jit3A_181 = arith.constant 0xFF800000 : f32
      %broadcast_in_dim3A_182 = vector.shape_cast %eq3A_167 : vector<2000x1xi1> to vector<2000x1xi1>
      %broadcast_in_dim3A_183 = vector.broadcast %broadcast_in_dim3A_182 : vector<2000x1xi1> to vector<2000x64xi1>
      %broadcast_in_dim3A_184 = vector.broadcast %jit3A_181 : f32 to vector<2000x64xf32>
      %select_n3A_185 = arith.select %broadcast_in_dim3A_183, %add3A_23, %broadcast_in_dim3A_184 : vector<2000x64xi1>, vector<2000x64xf32>
      %reduce_max3A = arith.constant dense<0xFF800000> : vector<64xf32>
      %reduce_max3A_186 = vector.multi_reduction <maximumf>, %select_n3A_185, %reduce_max3A [0] : vector<2000x64xf32> to vector<64xf32>
      %broadcast_in_dim3A_187 = vector.shape_cast %reduce_max3A_186 : vector<64xf32> to vector<1x64xf32>
      %max3A = arith.maximumf %get3A_180, %broadcast_in_dim3A_187 : vector<1x64xf32>
      %swap3A_188 = arith.constant 6 : index
      %swap3A_189 = arith.constant 0 : index
      %swap3A_190 = vector.load %arg11[%swap3A_188, %swap3A_189] : memref<16x64xf32, #tpu.memory_space<vmem>>, vector<1x64xf32>
      tpu.vector_store %arg11[%swap3A_188, %swap3A_189], %max3A {strides = array<i32>} : memref<16x64xf32, #tpu.memory_space<vmem>>, vector<1x64xf32>,
      %get3A_191 = arith.constant 6 : index
      %get3A_192 = arith.constant 0 : index
      %get3A_193 = vector.load %arg12[%get3A_191, %get3A_192] : memref<16x1xf32, #tpu.memory_space<vmem>>, vector<1x1xf32>
      %convert_element_type3A_194 = arith.extui %eq3A_167 : vector<2000x1xi1> to vector<2000x1xi32>
      %convert_element_type3A_195 = arith.sitofp %convert_element_type3A_194 : vector<2000x1xi32> to vector<2000x1xf32>
      %reduce_sum3A_196 = arith.constant dense<0.000000e+00> : vector<1xf32>
      %reduce_sum3A_197 = vector.multi_reduction <add>, %convert_element_type3A_195, %reduce_sum3A_196 [0] : vector<2000x1xf32> to vector<1xf32>
      %broadcast_in_dim3A_198 = vector.shape_cast %reduce_sum3A_197 : vector<1xf32> to vector<1x1xf32>
      %add3A_199 = arith.addf %get3A_193, %broadcast_in_dim3A_198 : vector<1x1xf32>
      %swap3A_200 = arith.constant 6 : index
      %swap3A_201 = arith.constant 0 : index
      %swap3A_202 = vector.load %arg12[%swap3A_200, %swap3A_201] : memref<16x1xf32, #tpu.memory_space<vmem>>, vector<1x1xf32>
      tpu.vector_store %arg12[%swap3A_200, %swap3A_201], %add3A_199 {strides = array<i32>} : memref<16x1xf32, #tpu.memory_space<vmem>>, vector<1x1xf32>,
    } else {
    }
    %le3A_88 = arith.constant 7 : i32
    %le3A_89 = arith.cmpi sle, %get3A_30, %le3A_88 : i32
    %ge3A_90 = arith.constant 7 : i32
    %ge3A_91 = arith.cmpi sge, %get3A_34, %ge3A_90 : i32
    %and3A_92 = arith.andi %le3A_89, %ge3A_91 : i1
    %convert_element_type3A_93 = arith.extui %and3A_92 : i1 to i32
    %cond3A_94 = arith.constant 0 : i32
    %cond3A_95 = arith.cmpi ne, %convert_element_type3A_93, %cond3A_94 : i32
    scf.if %cond3A_95 {
      %eq3A_165 = arith.constant 7 : i32
      %eq3A_166 = vector.broadcast %eq3A_165 : i32 to vector<2000x1xi32>
      %eq3A_167 = arith.cmpi eq, %get3A_26, %eq3A_166 : vector<2000x1xi32>
      %get3A_168 = arith.constant 7 : index
      %get3A_169 = arith.constant 0 : index
      %get3A_170 = vector.load %arg10[%get3A_168, %get3A_169] : memref<16x64xf32, #tpu.memory_space<vmem>>, vector<1x64xf32>
      %jit3A = arith.constant 0.000000e+00 : f32
      %broadcast_in_dim3A = vector.shape_cast %eq3A_167 : vector<2000x1xi1> to vector<2000x1xi1>
      %broadcast_in_dim3A_171 = vector.broadcast %broadcast_in_dim3A : vector<2000x1xi1> to vector<2000x64xi1>
      %broadcast_in_dim3A_172 = vector.broadcast %jit3A : f32 to vector<2000x64xf32>
      %select_n3A = arith.select %broadcast_in_dim3A_171, %add3A_23, %broadcast_in_dim3A_172 : vector<2000x64xi1>, vector<2000x64xf32>
      %reduce_sum3A = arith.constant dense<0.000000e+00> : vector<64xf32>
      %reduce_sum3A_173 = vector.multi_reduction <add>, %select_n3A, %reduce_sum3A [0] : vector<2000x64xf32> to vector<64xf32>
      %broadcast_in_dim3A_174 = vector.shape_cast %reduce_sum3A_173 : vector<64xf32> to vector<1x64xf32>
      %add3A_175 = arith.addf %get3A_170, %broadcast_in_dim3A_174 : vector<1x64xf32>
      %swap3A = arith.constant 7 : index
      %swap3A_176 = arith.constant 0 : index
      %swap3A_177 = vector.load %arg10[%swap3A, %swap3A_176] : memref<16x64xf32, #tpu.memory_space<vmem>>, vector<1x64xf32>
      tpu.vector_store %arg10[%swap3A, %swap3A_176], %add3A_175 {strides = array<i32>} : memref<16x64xf32, #tpu.memory_space<vmem>>, vector<1x64xf32>,
      %get3A_178 = arith.constant 7 : index
      %get3A_179 = arith.constant 0 : index
      %get3A_180 = vector.load %arg11[%get3A_178, %get3A_179] : memref<16x64xf32, #tpu.memory_space<vmem>>, vector<1x64xf32>
      %jit3A_181 = arith.constant 0xFF800000 : f32
      %broadcast_in_dim3A_182 = vector.shape_cast %eq3A_167 : vector<2000x1xi1> to vector<2000x1xi1>
      %broadcast_in_dim3A_183 = vector.broadcast %broadcast_in_dim3A_182 : vector<2000x1xi1> to vector<2000x64xi1>
      %broadcast_in_dim3A_184 = vector.broadcast %jit3A_181 : f32 to vector<2000x64xf32>
      %select_n3A_185 = arith.select %broadcast_in_dim3A_183, %add3A_23, %broadcast_in_dim3A_184 : vector<2000x64xi1>, vector<2000x64xf32>
      %reduce_max3A = arith.constant dense<0xFF800000> : vector<64xf32>
      %reduce_max3A_186 = vector.multi_reduction <maximumf>, %select_n3A_185, %reduce_max3A [0] : vector<2000x64xf32> to vector<64xf32>
      %broadcast_in_dim3A_187 = vector.shape_cast %reduce_max3A_186 : vector<64xf32> to vector<1x64xf32>
      %max3A = arith.maximumf %get3A_180, %broadcast_in_dim3A_187 : vector<1x64xf32>
      %swap3A_188 = arith.constant 7 : index
      %swap3A_189 = arith.constant 0 : index
      %swap3A_190 = vector.load %arg11[%swap3A_188, %swap3A_189] : memref<16x64xf32, #tpu.memory_space<vmem>>, vector<1x64xf32>
      tpu.vector_store %arg11[%swap3A_188, %swap3A_189], %max3A {strides = array<i32>} : memref<16x64xf32, #tpu.memory_space<vmem>>, vector<1x64xf32>,
      %get3A_191 = arith.constant 7 : index
      %get3A_192 = arith.constant 0 : index
      %get3A_193 = vector.load %arg12[%get3A_191, %get3A_192] : memref<16x1xf32, #tpu.memory_space<vmem>>, vector<1x1xf32>
      %convert_element_type3A_194 = arith.extui %eq3A_167 : vector<2000x1xi1> to vector<2000x1xi32>
      %convert_element_type3A_195 = arith.sitofp %convert_element_type3A_194 : vector<2000x1xi32> to vector<2000x1xf32>
      %reduce_sum3A_196 = arith.constant dense<0.000000e+00> : vector<1xf32>
      %reduce_sum3A_197 = vector.multi_reduction <add>, %convert_element_type3A_195, %reduce_sum3A_196 [0] : vector<2000x1xf32> to vector<1xf32>
      %broadcast_in_dim3A_198 = vector.shape_cast %reduce_sum3A_197 : vector<1xf32> to vector<1x1xf32>
      %add3A_199 = arith.addf %get3A_193, %broadcast_in_dim3A_198 : vector<1x1xf32>
      %swap3A_200 = arith.constant 7 : index
      %swap3A_201 = arith.constant 0 : index
      %swap3A_202 = vector.load %arg12[%swap3A_200, %swap3A_201] : memref<16x1xf32, #tpu.memory_space<vmem>>, vector<1x1xf32>
      tpu.vector_store %arg12[%swap3A_200, %swap3A_201], %add3A_199 {strides = array<i32>} : memref<16x1xf32, #tpu.memory_space<vmem>>, vector<1x1xf32>,
    } else {
    }
    %le3A_96 = arith.constant 8 : i32
    %le3A_97 = arith.cmpi sle, %get3A_30, %le3A_96 : i32
    %ge3A_98 = arith.constant 8 : i32
    %ge3A_99 = arith.cmpi sge, %get3A_34, %ge3A_98 : i32
    %and3A_100 = arith.andi %le3A_97, %ge3A_99 : i1
    %convert_element_type3A_101 = arith.extui %and3A_100 : i1 to i32
    %cond3A_102 = arith.constant 0 : i32
    %cond3A_103 = arith.cmpi ne, %convert_element_type3A_101, %cond3A_102 : i32
    scf.if %cond3A_103 {
      %eq3A_165 = arith.constant 8 : i32
      %eq3A_166 = vector.broadcast %eq3A_165 : i32 to vector<2000x1xi32>
      %eq3A_167 = arith.cmpi eq, %get3A_26, %eq3A_166 : vector<2000x1xi32>
      %get3A_168 = arith.constant 8 : index
      %get3A_169 = arith.constant 0 : index
      %get3A_170 = vector.load %arg10[%get3A_168, %get3A_169] : memref<16x64xf32, #tpu.memory_space<vmem>>, vector<1x64xf32>
      %jit3A = arith.constant 0.000000e+00 : f32
      %broadcast_in_dim3A = vector.shape_cast %eq3A_167 : vector<2000x1xi1> to vector<2000x1xi1>
      %broadcast_in_dim3A_171 = vector.broadcast %broadcast_in_dim3A : vector<2000x1xi1> to vector<2000x64xi1>
      %broadcast_in_dim3A_172 = vector.broadcast %jit3A : f32 to vector<2000x64xf32>
      %select_n3A = arith.select %broadcast_in_dim3A_171, %add3A_23, %broadcast_in_dim3A_172 : vector<2000x64xi1>, vector<2000x64xf32>
      %reduce_sum3A = arith.constant dense<0.000000e+00> : vector<64xf32>
      %reduce_sum3A_173 = vector.multi_reduction <add>, %select_n3A, %reduce_sum3A [0] : vector<2000x64xf32> to vector<64xf32>
      %broadcast_in_dim3A_174 = vector.shape_cast %reduce_sum3A_173 : vector<64xf32> to vector<1x64xf32>
      %add3A_175 = arith.addf %get3A_170, %broadcast_in_dim3A_174 : vector<1x64xf32>
      %swap3A = arith.constant 8 : index
      %swap3A_176 = arith.constant 0 : index
      %swap3A_177 = vector.load %arg10[%swap3A, %swap3A_176] : memref<16x64xf32, #tpu.memory_space<vmem>>, vector<1x64xf32>
      tpu.vector_store %arg10[%swap3A, %swap3A_176], %add3A_175 {strides = array<i32>} : memref<16x64xf32, #tpu.memory_space<vmem>>, vector<1x64xf32>,
      %get3A_178 = arith.constant 8 : index
      %get3A_179 = arith.constant 0 : index
      %get3A_180 = vector.load %arg11[%get3A_178, %get3A_179] : memref<16x64xf32, #tpu.memory_space<vmem>>, vector<1x64xf32>
      %jit3A_181 = arith.constant 0xFF800000 : f32
      %broadcast_in_dim3A_182 = vector.shape_cast %eq3A_167 : vector<2000x1xi1> to vector<2000x1xi1>
      %broadcast_in_dim3A_183 = vector.broadcast %broadcast_in_dim3A_182 : vector<2000x1xi1> to vector<2000x64xi1>
      %broadcast_in_dim3A_184 = vector.broadcast %jit3A_181 : f32 to vector<2000x64xf32>
      %select_n3A_185 = arith.select %broadcast_in_dim3A_183, %add3A_23, %broadcast_in_dim3A_184 : vector<2000x64xi1>, vector<2000x64xf32>
      %reduce_max3A = arith.constant dense<0xFF800000> : vector<64xf32>
      %reduce_max3A_186 = vector.multi_reduction <maximumf>, %select_n3A_185, %reduce_max3A [0] : vector<2000x64xf32> to vector<64xf32>
      %broadcast_in_dim3A_187 = vector.shape_cast %reduce_max3A_186 : vector<64xf32> to vector<1x64xf32>
      %max3A = arith.maximumf %get3A_180, %broadcast_in_dim3A_187 : vector<1x64xf32>
      %swap3A_188 = arith.constant 8 : index
      %swap3A_189 = arith.constant 0 : index
      %swap3A_190 = vector.load %arg11[%swap3A_188, %swap3A_189] : memref<16x64xf32, #tpu.memory_space<vmem>>, vector<1x64xf32>
      tpu.vector_store %arg11[%swap3A_188, %swap3A_189], %max3A {strides = array<i32>} : memref<16x64xf32, #tpu.memory_space<vmem>>, vector<1x64xf32>,
      %get3A_191 = arith.constant 8 : index
      %get3A_192 = arith.constant 0 : index
      %get3A_193 = vector.load %arg12[%get3A_191, %get3A_192] : memref<16x1xf32, #tpu.memory_space<vmem>>, vector<1x1xf32>
      %convert_element_type3A_194 = arith.extui %eq3A_167 : vector<2000x1xi1> to vector<2000x1xi32>
      %convert_element_type3A_195 = arith.sitofp %convert_element_type3A_194 : vector<2000x1xi32> to vector<2000x1xf32>
      %reduce_sum3A_196 = arith.constant dense<0.000000e+00> : vector<1xf32>
      %reduce_sum3A_197 = vector.multi_reduction <add>, %convert_element_type3A_195, %reduce_sum3A_196 [0] : vector<2000x1xf32> to vector<1xf32>
      %broadcast_in_dim3A_198 = vector.shape_cast %reduce_sum3A_197 : vector<1xf32> to vector<1x1xf32>
      %add3A_199 = arith.addf %get3A_193, %broadcast_in_dim3A_198 : vector<1x1xf32>
      %swap3A_200 = arith.constant 8 : index
      %swap3A_201 = arith.constant 0 : index
      %swap3A_202 = vector.load %arg12[%swap3A_200, %swap3A_201] : memref<16x1xf32, #tpu.memory_space<vmem>>, vector<1x1xf32>
      tpu.vector_store %arg12[%swap3A_200, %swap3A_201], %add3A_199 {strides = array<i32>} : memref<16x1xf32, #tpu.memory_space<vmem>>, vector<1x1xf32>,
    } else {
    }
    %le3A_104 = arith.constant 9 : i32
    %le3A_105 = arith.cmpi sle, %get3A_30, %le3A_104 : i32
    %ge3A_106 = arith.constant 9 : i32
    %ge3A_107 = arith.cmpi sge, %get3A_34, %ge3A_106 : i32
    %and3A_108 = arith.andi %le3A_105, %ge3A_107 : i1
    %convert_element_type3A_109 = arith.extui %and3A_108 : i1 to i32
    %cond3A_110 = arith.constant 0 : i32
    %cond3A_111 = arith.cmpi ne, %convert_element_type3A_109, %cond3A_110 : i32
    scf.if %cond3A_111 {
      %eq3A_165 = arith.constant 9 : i32
      %eq3A_166 = vector.broadcast %eq3A_165 : i32 to vector<2000x1xi32>
      %eq3A_167 = arith.cmpi eq, %get3A_26, %eq3A_166 : vector<2000x1xi32>
      %get3A_168 = arith.constant 9 : index
      %get3A_169 = arith.constant 0 : index
      %get3A_170 = vector.load %arg10[%get3A_168, %get3A_169] : memref<16x64xf32, #tpu.memory_space<vmem>>, vector<1x64xf32>
      %jit3A = arith.constant 0.000000e+00 : f32
      %broadcast_in_dim3A = vector.shape_cast %eq3A_167 : vector<2000x1xi1> to vector<2000x1xi1>
      %broadcast_in_dim3A_171 = vector.broadcast %broadcast_in_dim3A : vector<2000x1xi1> to vector<2000x64xi1>
      %broadcast_in_dim3A_172 = vector.broadcast %jit3A : f32 to vector<2000x64xf32>
      %select_n3A = arith.select %broadcast_in_dim3A_171, %add3A_23, %broadcast_in_dim3A_172 : vector<2000x64xi1>, vector<2000x64xf32>
      %reduce_sum3A = arith.constant dense<0.000000e+00> : vector<64xf32>
      %reduce_sum3A_173 = vector.multi_reduction <add>, %select_n3A, %reduce_sum3A [0] : vector<2000x64xf32> to vector<64xf32>
      %broadcast_in_dim3A_174 = vector.shape_cast %reduce_sum3A_173 : vector<64xf32> to vector<1x64xf32>
      %add3A_175 = arith.addf %get3A_170, %broadcast_in_dim3A_174 : vector<1x64xf32>
      %swap3A = arith.constant 9 : index
      %swap3A_176 = arith.constant 0 : index
      %swap3A_177 = vector.load %arg10[%swap3A, %swap3A_176] : memref<16x64xf32, #tpu.memory_space<vmem>>, vector<1x64xf32>
      tpu.vector_store %arg10[%swap3A, %swap3A_176], %add3A_175 {strides = array<i32>} : memref<16x64xf32, #tpu.memory_space<vmem>>, vector<1x64xf32>,
      %get3A_178 = arith.constant 9 : index
      %get3A_179 = arith.constant 0 : index
      %get3A_180 = vector.load %arg11[%get3A_178, %get3A_179] : memref<16x64xf32, #tpu.memory_space<vmem>>, vector<1x64xf32>
      %jit3A_181 = arith.constant 0xFF800000 : f32
      %broadcast_in_dim3A_182 = vector.shape_cast %eq3A_167 : vector<2000x1xi1> to vector<2000x1xi1>
      %broadcast_in_dim3A_183 = vector.broadcast %broadcast_in_dim3A_182 : vector<2000x1xi1> to vector<2000x64xi1>
      %broadcast_in_dim3A_184 = vector.broadcast %jit3A_181 : f32 to vector<2000x64xf32>
      %select_n3A_185 = arith.select %broadcast_in_dim3A_183, %add3A_23, %broadcast_in_dim3A_184 : vector<2000x64xi1>, vector<2000x64xf32>
      %reduce_max3A = arith.constant dense<0xFF800000> : vector<64xf32>
      %reduce_max3A_186 = vector.multi_reduction <maximumf>, %select_n3A_185, %reduce_max3A [0] : vector<2000x64xf32> to vector<64xf32>
      %broadcast_in_dim3A_187 = vector.shape_cast %reduce_max3A_186 : vector<64xf32> to vector<1x64xf32>
      %max3A = arith.maximumf %get3A_180, %broadcast_in_dim3A_187 : vector<1x64xf32>
      %swap3A_188 = arith.constant 9 : index
      %swap3A_189 = arith.constant 0 : index
      %swap3A_190 = vector.load %arg11[%swap3A_188, %swap3A_189] : memref<16x64xf32, #tpu.memory_space<vmem>>, vector<1x64xf32>
      tpu.vector_store %arg11[%swap3A_188, %swap3A_189], %max3A {strides = array<i32>} : memref<16x64xf32, #tpu.memory_space<vmem>>, vector<1x64xf32>,
      %get3A_191 = arith.constant 9 : index
      %get3A_192 = arith.constant 0 : index
      %get3A_193 = vector.load %arg12[%get3A_191, %get3A_192] : memref<16x1xf32, #tpu.memory_space<vmem>>, vector<1x1xf32>
      %convert_element_type3A_194 = arith.extui %eq3A_167 : vector<2000x1xi1> to vector<2000x1xi32>
      %convert_element_type3A_195 = arith.sitofp %convert_element_type3A_194 : vector<2000x1xi32> to vector<2000x1xf32>
      %reduce_sum3A_196 = arith.constant dense<0.000000e+00> : vector<1xf32>
      %reduce_sum3A_197 = vector.multi_reduction <add>, %convert_element_type3A_195, %reduce_sum3A_196 [0] : vector<2000x1xf32> to vector<1xf32>
      %broadcast_in_dim3A_198 = vector.shape_cast %reduce_sum3A_197 : vector<1xf32> to vector<1x1xf32>
      %add3A_199 = arith.addf %get3A_193, %broadcast_in_dim3A_198 : vector<1x1xf32>
      %swap3A_200 = arith.constant 9 : index
      %swap3A_201 = arith.constant 0 : index
      %swap3A_202 = vector.load %arg12[%swap3A_200, %swap3A_201] : memref<16x1xf32, #tpu.memory_space<vmem>>, vector<1x1xf32>
      tpu.vector_store %arg12[%swap3A_200, %swap3A_201], %add3A_199 {strides = array<i32>} : memref<16x1xf32, #tpu.memory_space<vmem>>, vector<1x1xf32>,
    } else {
    }
    %le3A_112 = arith.constant 10 : i32
    %le3A_113 = arith.cmpi sle, %get3A_30, %le3A_112 : i32
    %ge3A_114 = arith.constant 10 : i32
    %ge3A_115 = arith.cmpi sge, %get3A_34, %ge3A_114 : i32
    %and3A_116 = arith.andi %le3A_113, %ge3A_115 : i1
    %convert_element_type3A_117 = arith.extui %and3A_116 : i1 to i32
    %cond3A_118 = arith.constant 0 : i32
    %cond3A_119 = arith.cmpi ne, %convert_element_type3A_117, %cond3A_118 : i32
    scf.if %cond3A_119 {
      %eq3A_165 = arith.constant 10 : i32
      %eq3A_166 = vector.broadcast %eq3A_165 : i32 to vector<2000x1xi32>
      %eq3A_167 = arith.cmpi eq, %get3A_26, %eq3A_166 : vector<2000x1xi32>
      %get3A_168 = arith.constant 10 : index
      %get3A_169 = arith.constant 0 : index
      %get3A_170 = vector.load %arg10[%get3A_168, %get3A_169] : memref<16x64xf32, #tpu.memory_space<vmem>>, vector<1x64xf32>
      %jit3A = arith.constant 0.000000e+00 : f32
      %broadcast_in_dim3A = vector.shape_cast %eq3A_167 : vector<2000x1xi1> to vector<2000x1xi1>
      %broadcast_in_dim3A_171 = vector.broadcast %broadcast_in_dim3A : vector<2000x1xi1> to vector<2000x64xi1>
      %broadcast_in_dim3A_172 = vector.broadcast %jit3A : f32 to vector<2000x64xf32>
      %select_n3A = arith.select %broadcast_in_dim3A_171, %add3A_23, %broadcast_in_dim3A_172 : vector<2000x64xi1>, vector<2000x64xf32>
      %reduce_sum3A = arith.constant dense<0.000000e+00> : vector<64xf32>
      %reduce_sum3A_173 = vector.multi_reduction <add>, %select_n3A, %reduce_sum3A [0] : vector<2000x64xf32> to vector<64xf32>
      %broadcast_in_dim3A_174 = vector.shape_cast %reduce_sum3A_173 : vector<64xf32> to vector<1x64xf32>
      %add3A_175 = arith.addf %get3A_170, %broadcast_in_dim3A_174 : vector<1x64xf32>
      %swap3A = arith.constant 10 : index
      %swap3A_176 = arith.constant 0 : index
      %swap3A_177 = vector.load %arg10[%swap3A, %swap3A_176] : memref<16x64xf32, #tpu.memory_space<vmem>>, vector<1x64xf32>
      tpu.vector_store %arg10[%swap3A, %swap3A_176], %add3A_175 {strides = array<i32>} : memref<16x64xf32, #tpu.memory_space<vmem>>, vector<1x64xf32>,
      %get3A_178 = arith.constant 10 : index
      %get3A_179 = arith.constant 0 : index
      %get3A_180 = vector.load %arg11[%get3A_178, %get3A_179] : memref<16x64xf32, #tpu.memory_space<vmem>>, vector<1x64xf32>
      %jit3A_181 = arith.constant 0xFF800000 : f32
      %broadcast_in_dim3A_182 = vector.shape_cast %eq3A_167 : vector<2000x1xi1> to vector<2000x1xi1>
      %broadcast_in_dim3A_183 = vector.broadcast %broadcast_in_dim3A_182 : vector<2000x1xi1> to vector<2000x64xi1>
      %broadcast_in_dim3A_184 = vector.broadcast %jit3A_181 : f32 to vector<2000x64xf32>
      %select_n3A_185 = arith.select %broadcast_in_dim3A_183, %add3A_23, %broadcast_in_dim3A_184 : vector<2000x64xi1>, vector<2000x64xf32>
      %reduce_max3A = arith.constant dense<0xFF800000> : vector<64xf32>
      %reduce_max3A_186 = vector.multi_reduction <maximumf>, %select_n3A_185, %reduce_max3A [0] : vector<2000x64xf32> to vector<64xf32>
      %broadcast_in_dim3A_187 = vector.shape_cast %reduce_max3A_186 : vector<64xf32> to vector<1x64xf32>
      %max3A = arith.maximumf %get3A_180, %broadcast_in_dim3A_187 : vector<1x64xf32>
      %swap3A_188 = arith.constant 10 : index
      %swap3A_189 = arith.constant 0 : index
      %swap3A_190 = vector.load %arg11[%swap3A_188, %swap3A_189] : memref<16x64xf32, #tpu.memory_space<vmem>>, vector<1x64xf32>
      tpu.vector_store %arg11[%swap3A_188, %swap3A_189], %max3A {strides = array<i32>} : memref<16x64xf32, #tpu.memory_space<vmem>>, vector<1x64xf32>,
      %get3A_191 = arith.constant 10 : index
      %get3A_192 = arith.constant 0 : index
      %get3A_193 = vector.load %arg12[%get3A_191, %get3A_192] : memref<16x1xf32, #tpu.memory_space<vmem>>, vector<1x1xf32>
      %convert_element_type3A_194 = arith.extui %eq3A_167 : vector<2000x1xi1> to vector<2000x1xi32>
      %convert_element_type3A_195 = arith.sitofp %convert_element_type3A_194 : vector<2000x1xi32> to vector<2000x1xf32>
      %reduce_sum3A_196 = arith.constant dense<0.000000e+00> : vector<1xf32>
      %reduce_sum3A_197 = vector.multi_reduction <add>, %convert_element_type3A_195, %reduce_sum3A_196 [0] : vector<2000x1xf32> to vector<1xf32>
      %broadcast_in_dim3A_198 = vector.shape_cast %reduce_sum3A_197 : vector<1xf32> to vector<1x1xf32>
      %add3A_199 = arith.addf %get3A_193, %broadcast_in_dim3A_198 : vector<1x1xf32>
      %swap3A_200 = arith.constant 10 : index
      %swap3A_201 = arith.constant 0 : index
      %swap3A_202 = vector.load %arg12[%swap3A_200, %swap3A_201] : memref<16x1xf32, #tpu.memory_space<vmem>>, vector<1x1xf32>
      tpu.vector_store %arg12[%swap3A_200, %swap3A_201], %add3A_199 {strides = array<i32>} : memref<16x1xf32, #tpu.memory_space<vmem>>, vector<1x1xf32>,
    } else {
    }
    %le3A_120 = arith.constant 11 : i32
    %le3A_121 = arith.cmpi sle, %get3A_30, %le3A_120 : i32
    %ge3A_122 = arith.constant 11 : i32
    %ge3A_123 = arith.cmpi sge, %get3A_34, %ge3A_122 : i32
    %and3A_124 = arith.andi %le3A_121, %ge3A_123 : i1
    %convert_element_type3A_125 = arith.extui %and3A_124 : i1 to i32
    %cond3A_126 = arith.constant 0 : i32
    %cond3A_127 = arith.cmpi ne, %convert_element_type3A_125, %cond3A_126 : i32
    scf.if %cond3A_127 {
      %eq3A_165 = arith.constant 11 : i32
      %eq3A_166 = vector.broadcast %eq3A_165 : i32 to vector<2000x1xi32>
      %eq3A_167 = arith.cmpi eq, %get3A_26, %eq3A_166 : vector<2000x1xi32>
      %get3A_168 = arith.constant 11 : index
      %get3A_169 = arith.constant 0 : index
      %get3A_170 = vector.load %arg10[%get3A_168, %get3A_169] : memref<16x64xf32, #tpu.memory_space<vmem>>, vector<1x64xf32>
      %jit3A = arith.constant 0.000000e+00 : f32
      %broadcast_in_dim3A = vector.shape_cast %eq3A_167 : vector<2000x1xi1> to vector<2000x1xi1>
      %broadcast_in_dim3A_171 = vector.broadcast %broadcast_in_dim3A : vector<2000x1xi1> to vector<2000x64xi1>
      %broadcast_in_dim3A_172 = vector.broadcast %jit3A : f32 to vector<2000x64xf32>
      %select_n3A = arith.select %broadcast_in_dim3A_171, %add3A_23, %broadcast_in_dim3A_172 : vector<2000x64xi1>, vector<2000x64xf32>
      %reduce_sum3A = arith.constant dense<0.000000e+00> : vector<64xf32>
      %reduce_sum3A_173 = vector.multi_reduction <add>, %select_n3A, %reduce_sum3A [0] : vector<2000x64xf32> to vector<64xf32>
      %broadcast_in_dim3A_174 = vector.shape_cast %reduce_sum3A_173 : vector<64xf32> to vector<1x64xf32>
      %add3A_175 = arith.addf %get3A_170, %broadcast_in_dim3A_174 : vector<1x64xf32>
      %swap3A = arith.constant 11 : index
      %swap3A_176 = arith.constant 0 : index
      %swap3A_177 = vector.load %arg10[%swap3A, %swap3A_176] : memref<16x64xf32, #tpu.memory_space<vmem>>, vector<1x64xf32>
      tpu.vector_store %arg10[%swap3A, %swap3A_176], %add3A_175 {strides = array<i32>} : memref<16x64xf32, #tpu.memory_space<vmem>>, vector<1x64xf32>,
      %get3A_178 = arith.constant 11 : index
      %get3A_179 = arith.constant 0 : index
      %get3A_180 = vector.load %arg11[%get3A_178, %get3A_179] : memref<16x64xf32, #tpu.memory_space<vmem>>, vector<1x64xf32>
      %jit3A_181 = arith.constant 0xFF800000 : f32
      %broadcast_in_dim3A_182 = vector.shape_cast %eq3A_167 : vector<2000x1xi1> to vector<2000x1xi1>
      %broadcast_in_dim3A_183 = vector.broadcast %broadcast_in_dim3A_182 : vector<2000x1xi1> to vector<2000x64xi1>
      %broadcast_in_dim3A_184 = vector.broadcast %jit3A_181 : f32 to vector<2000x64xf32>
      %select_n3A_185 = arith.select %broadcast_in_dim3A_183, %add3A_23, %broadcast_in_dim3A_184 : vector<2000x64xi1>, vector<2000x64xf32>
      %reduce_max3A = arith.constant dense<0xFF800000> : vector<64xf32>
      %reduce_max3A_186 = vector.multi_reduction <maximumf>, %select_n3A_185, %reduce_max3A [0] : vector<2000x64xf32> to vector<64xf32>
      %broadcast_in_dim3A_187 = vector.shape_cast %reduce_max3A_186 : vector<64xf32> to vector<1x64xf32>
      %max3A = arith.maximumf %get3A_180, %broadcast_in_dim3A_187 : vector<1x64xf32>
      %swap3A_188 = arith.constant 11 : index
      %swap3A_189 = arith.constant 0 : index
      %swap3A_190 = vector.load %arg11[%swap3A_188, %swap3A_189] : memref<16x64xf32, #tpu.memory_space<vmem>>, vector<1x64xf32>
      tpu.vector_store %arg11[%swap3A_188, %swap3A_189], %max3A {strides = array<i32>} : memref<16x64xf32, #tpu.memory_space<vmem>>, vector<1x64xf32>,
      %get3A_191 = arith.constant 11 : index
      %get3A_192 = arith.constant 0 : index
      %get3A_193 = vector.load %arg12[%get3A_191, %get3A_192] : memref<16x1xf32, #tpu.memory_space<vmem>>, vector<1x1xf32>
      %convert_element_type3A_194 = arith.extui %eq3A_167 : vector<2000x1xi1> to vector<2000x1xi32>
      %convert_element_type3A_195 = arith.sitofp %convert_element_type3A_194 : vector<2000x1xi32> to vector<2000x1xf32>
      %reduce_sum3A_196 = arith.constant dense<0.000000e+00> : vector<1xf32>
      %reduce_sum3A_197 = vector.multi_reduction <add>, %convert_element_type3A_195, %reduce_sum3A_196 [0] : vector<2000x1xf32> to vector<1xf32>
      %broadcast_in_dim3A_198 = vector.shape_cast %reduce_sum3A_197 : vector<1xf32> to vector<1x1xf32>
      %add3A_199 = arith.addf %get3A_193, %broadcast_in_dim3A_198 : vector<1x1xf32>
      %swap3A_200 = arith.constant 11 : index
      %swap3A_201 = arith.constant 0 : index
      %swap3A_202 = vector.load %arg12[%swap3A_200, %swap3A_201] : memref<16x1xf32, #tpu.memory_space<vmem>>, vector<1x1xf32>
      tpu.vector_store %arg12[%swap3A_200, %swap3A_201], %add3A_199 {strides = array<i32>} : memref<16x1xf32, #tpu.memory_space<vmem>>, vector<1x1xf32>,
    } else {
    }
    %le3A_128 = arith.constant 12 : i32
    %le3A_129 = arith.cmpi sle, %get3A_30, %le3A_128 : i32
    %ge3A_130 = arith.constant 12 : i32
    %ge3A_131 = arith.cmpi sge, %get3A_34, %ge3A_130 : i32
    %and3A_132 = arith.andi %le3A_129, %ge3A_131 : i1
    %convert_element_type3A_133 = arith.extui %and3A_132 : i1 to i32
    %cond3A_134 = arith.constant 0 : i32
    %cond3A_135 = arith.cmpi ne, %convert_element_type3A_133, %cond3A_134 : i32
    scf.if %cond3A_135 {
      %eq3A_165 = arith.constant 12 : i32
      %eq3A_166 = vector.broadcast %eq3A_165 : i32 to vector<2000x1xi32>
      %eq3A_167 = arith.cmpi eq, %get3A_26, %eq3A_166 : vector<2000x1xi32>
      %get3A_168 = arith.constant 12 : index
      %get3A_169 = arith.constant 0 : index
      %get3A_170 = vector.load %arg10[%get3A_168, %get3A_169] : memref<16x64xf32, #tpu.memory_space<vmem>>, vector<1x64xf32>
      %jit3A = arith.constant 0.000000e+00 : f32
      %broadcast_in_dim3A = vector.shape_cast %eq3A_167 : vector<2000x1xi1> to vector<2000x1xi1>
      %broadcast_in_dim3A_171 = vector.broadcast %broadcast_in_dim3A : vector<2000x1xi1> to vector<2000x64xi1>
      %broadcast_in_dim3A_172 = vector.broadcast %jit3A : f32 to vector<2000x64xf32>
      %select_n3A = arith.select %broadcast_in_dim3A_171, %add3A_23, %broadcast_in_dim3A_172 : vector<2000x64xi1>, vector<2000x64xf32>
      %reduce_sum3A = arith.constant dense<0.000000e+00> : vector<64xf32>
      %reduce_sum3A_173 = vector.multi_reduction <add>, %select_n3A, %reduce_sum3A [0] : vector<2000x64xf32> to vector<64xf32>
      %broadcast_in_dim3A_174 = vector.shape_cast %reduce_sum3A_173 : vector<64xf32> to vector<1x64xf32>
      %add3A_175 = arith.addf %get3A_170, %broadcast_in_dim3A_174 : vector<1x64xf32>
      %swap3A = arith.constant 12 : index
      %swap3A_176 = arith.constant 0 : index
      %swap3A_177 = vector.load %arg10[%swap3A, %swap3A_176] : memref<16x64xf32, #tpu.memory_space<vmem>>, vector<1x64xf32>
      tpu.vector_store %arg10[%swap3A, %swap3A_176], %add3A_175 {strides = array<i32>} : memref<16x64xf32, #tpu.memory_space<vmem>>, vector<1x64xf32>,
      %get3A_178 = arith.constant 12 : index
      %get3A_179 = arith.constant 0 : index
      %get3A_180 = vector.load %arg11[%get3A_178, %get3A_179] : memref<16x64xf32, #tpu.memory_space<vmem>>, vector<1x64xf32>
      %jit3A_181 = arith.constant 0xFF800000 : f32
      %broadcast_in_dim3A_182 = vector.shape_cast %eq3A_167 : vector<2000x1xi1> to vector<2000x1xi1>
      %broadcast_in_dim3A_183 = vector.broadcast %broadcast_in_dim3A_182 : vector<2000x1xi1> to vector<2000x64xi1>
      %broadcast_in_dim3A_184 = vector.broadcast %jit3A_181 : f32 to vector<2000x64xf32>
      %select_n3A_185 = arith.select %broadcast_in_dim3A_183, %add3A_23, %broadcast_in_dim3A_184 : vector<2000x64xi1>, vector<2000x64xf32>
      %reduce_max3A = arith.constant dense<0xFF800000> : vector<64xf32>
      %reduce_max3A_186 = vector.multi_reduction <maximumf>, %select_n3A_185, %reduce_max3A [0] : vector<2000x64xf32> to vector<64xf32>
      %broadcast_in_dim3A_187 = vector.shape_cast %reduce_max3A_186 : vector<64xf32> to vector<1x64xf32>
      %max3A = arith.maximumf %get3A_180, %broadcast_in_dim3A_187 : vector<1x64xf32>
      %swap3A_188 = arith.constant 12 : index
      %swap3A_189 = arith.constant 0 : index
      %swap3A_190 = vector.load %arg11[%swap3A_188, %swap3A_189] : memref<16x64xf32, #tpu.memory_space<vmem>>, vector<1x64xf32>
      tpu.vector_store %arg11[%swap3A_188, %swap3A_189], %max3A {strides = array<i32>} : memref<16x64xf32, #tpu.memory_space<vmem>>, vector<1x64xf32>,
      %get3A_191 = arith.constant 12 : index
      %get3A_192 = arith.constant 0 : index
      %get3A_193 = vector.load %arg12[%get3A_191, %get3A_192] : memref<16x1xf32, #tpu.memory_space<vmem>>, vector<1x1xf32>
      %convert_element_type3A_194 = arith.extui %eq3A_167 : vector<2000x1xi1> to vector<2000x1xi32>
      %convert_element_type3A_195 = arith.sitofp %convert_element_type3A_194 : vector<2000x1xi32> to vector<2000x1xf32>
      %reduce_sum3A_196 = arith.constant dense<0.000000e+00> : vector<1xf32>
      %reduce_sum3A_197 = vector.multi_reduction <add>, %convert_element_type3A_195, %reduce_sum3A_196 [0] : vector<2000x1xf32> to vector<1xf32>
      %broadcast_in_dim3A_198 = vector.shape_cast %reduce_sum3A_197 : vector<1xf32> to vector<1x1xf32>
      %add3A_199 = arith.addf %get3A_193, %broadcast_in_dim3A_198 : vector<1x1xf32>
      %swap3A_200 = arith.constant 12 : index
      %swap3A_201 = arith.constant 0 : index
      %swap3A_202 = vector.load %arg12[%swap3A_200, %swap3A_201] : memref<16x1xf32, #tpu.memory_space<vmem>>, vector<1x1xf32>
      tpu.vector_store %arg12[%swap3A_200, %swap3A_201], %add3A_199 {strides = array<i32>} : memref<16x1xf32, #tpu.memory_space<vmem>>, vector<1x1xf32>,
    } else {
    }
    %le3A_136 = arith.constant 13 : i32
    %le3A_137 = arith.cmpi sle, %get3A_30, %le3A_136 : i32
    %ge3A_138 = arith.constant 13 : i32
    %ge3A_139 = arith.cmpi sge, %get3A_34, %ge3A_138 : i32
    %and3A_140 = arith.andi %le3A_137, %ge3A_139 : i1
    %convert_element_type3A_141 = arith.extui %and3A_140 : i1 to i32
    %cond3A_142 = arith.constant 0 : i32
    %cond3A_143 = arith.cmpi ne, %convert_element_type3A_141, %cond3A_142 : i32
    scf.if %cond3A_143 {
      %eq3A_165 = arith.constant 13 : i32
      %eq3A_166 = vector.broadcast %eq3A_165 : i32 to vector<2000x1xi32>
      %eq3A_167 = arith.cmpi eq, %get3A_26, %eq3A_166 : vector<2000x1xi32>
      %get3A_168 = arith.constant 13 : index
      %get3A_169 = arith.constant 0 : index
      %get3A_170 = vector.load %arg10[%get3A_168, %get3A_169] : memref<16x64xf32, #tpu.memory_space<vmem>>, vector<1x64xf32>
      %jit3A = arith.constant 0.000000e+00 : f32
      %broadcast_in_dim3A = vector.shape_cast %eq3A_167 : vector<2000x1xi1> to vector<2000x1xi1>
      %broadcast_in_dim3A_171 = vector.broadcast %broadcast_in_dim3A : vector<2000x1xi1> to vector<2000x64xi1>
      %broadcast_in_dim3A_172 = vector.broadcast %jit3A : f32 to vector<2000x64xf32>
      %select_n3A = arith.select %broadcast_in_dim3A_171, %add3A_23, %broadcast_in_dim3A_172 : vector<2000x64xi1>, vector<2000x64xf32>
      %reduce_sum3A = arith.constant dense<0.000000e+00> : vector<64xf32>
      %reduce_sum3A_173 = vector.multi_reduction <add>, %select_n3A, %reduce_sum3A [0] : vector<2000x64xf32> to vector<64xf32>
      %broadcast_in_dim3A_174 = vector.shape_cast %reduce_sum3A_173 : vector<64xf32> to vector<1x64xf32>
      %add3A_175 = arith.addf %get3A_170, %broadcast_in_dim3A_174 : vector<1x64xf32>
      %swap3A = arith.constant 13 : index
      %swap3A_176 = arith.constant 0 : index
      %swap3A_177 = vector.load %arg10[%swap3A, %swap3A_176] : memref<16x64xf32, #tpu.memory_space<vmem>>, vector<1x64xf32>
      tpu.vector_store %arg10[%swap3A, %swap3A_176], %add3A_175 {strides = array<i32>} : memref<16x64xf32, #tpu.memory_space<vmem>>, vector<1x64xf32>,
      %get3A_178 = arith.constant 13 : index
      %get3A_179 = arith.constant 0 : index
      %get3A_180 = vector.load %arg11[%get3A_178, %get3A_179] : memref<16x64xf32, #tpu.memory_space<vmem>>, vector<1x64xf32>
      %jit3A_181 = arith.constant 0xFF800000 : f32
      %broadcast_in_dim3A_182 = vector.shape_cast %eq3A_167 : vector<2000x1xi1> to vector<2000x1xi1>
      %broadcast_in_dim3A_183 = vector.broadcast %broadcast_in_dim3A_182 : vector<2000x1xi1> to vector<2000x64xi1>
      %broadcast_in_dim3A_184 = vector.broadcast %jit3A_181 : f32 to vector<2000x64xf32>
      %select_n3A_185 = arith.select %broadcast_in_dim3A_183, %add3A_23, %broadcast_in_dim3A_184 : vector<2000x64xi1>, vector<2000x64xf32>
      %reduce_max3A = arith.constant dense<0xFF800000> : vector<64xf32>
      %reduce_max3A_186 = vector.multi_reduction <maximumf>, %select_n3A_185, %reduce_max3A [0] : vector<2000x64xf32> to vector<64xf32>
      %broadcast_in_dim3A_187 = vector.shape_cast %reduce_max3A_186 : vector<64xf32> to vector<1x64xf32>
      %max3A = arith.maximumf %get3A_180, %broadcast_in_dim3A_187 : vector<1x64xf32>
      %swap3A_188 = arith.constant 13 : index
      %swap3A_189 = arith.constant 0 : index
      %swap3A_190 = vector.load %arg11[%swap3A_188, %swap3A_189] : memref<16x64xf32, #tpu.memory_space<vmem>>, vector<1x64xf32>
      tpu.vector_store %arg11[%swap3A_188, %swap3A_189], %max3A {strides = array<i32>} : memref<16x64xf32, #tpu.memory_space<vmem>>, vector<1x64xf32>,
      %get3A_191 = arith.constant 13 : index
      %get3A_192 = arith.constant 0 : index
      %get3A_193 = vector.load %arg12[%get3A_191, %get3A_192] : memref<16x1xf32, #tpu.memory_space<vmem>>, vector<1x1xf32>
      %convert_element_type3A_194 = arith.extui %eq3A_167 : vector<2000x1xi1> to vector<2000x1xi32>
      %convert_element_type3A_195 = arith.sitofp %convert_element_type3A_194 : vector<2000x1xi32> to vector<2000x1xf32>
      %reduce_sum3A_196 = arith.constant dense<0.000000e+00> : vector<1xf32>
      %reduce_sum3A_197 = vector.multi_reduction <add>, %convert_element_type3A_195, %reduce_sum3A_196 [0] : vector<2000x1xf32> to vector<1xf32>
      %broadcast_in_dim3A_198 = vector.shape_cast %reduce_sum3A_197 : vector<1xf32> to vector<1x1xf32>
      %add3A_199 = arith.addf %get3A_193, %broadcast_in_dim3A_198 : vector<1x1xf32>
      %swap3A_200 = arith.constant 13 : index
      %swap3A_201 = arith.constant 0 : index
      %swap3A_202 = vector.load %arg12[%swap3A_200, %swap3A_201] : memref<16x1xf32, #tpu.memory_space<vmem>>, vector<1x1xf32>
      tpu.vector_store %arg12[%swap3A_200, %swap3A_201], %add3A_199 {strides = array<i32>} : memref<16x1xf32, #tpu.memory_space<vmem>>, vector<1x1xf32>,
    } else {
    }
    %le3A_144 = arith.constant 14 : i32
    %le3A_145 = arith.cmpi sle, %get3A_30, %le3A_144 : i32
    %ge3A_146 = arith.constant 14 : i32
    %ge3A_147 = arith.cmpi sge, %get3A_34, %ge3A_146 : i32
    %and3A_148 = arith.andi %le3A_145, %ge3A_147 : i1
    %convert_element_type3A_149 = arith.extui %and3A_148 : i1 to i32
    %cond3A_150 = arith.constant 0 : i32
    %cond3A_151 = arith.cmpi ne, %convert_element_type3A_149, %cond3A_150 : i32
    scf.if %cond3A_151 {
      %eq3A_165 = arith.constant 14 : i32
      %eq3A_166 = vector.broadcast %eq3A_165 : i32 to vector<2000x1xi32>
      %eq3A_167 = arith.cmpi eq, %get3A_26, %eq3A_166 : vector<2000x1xi32>
      %get3A_168 = arith.constant 14 : index
      %get3A_169 = arith.constant 0 : index
      %get3A_170 = vector.load %arg10[%get3A_168, %get3A_169] : memref<16x64xf32, #tpu.memory_space<vmem>>, vector<1x64xf32>
      %jit3A = arith.constant 0.000000e+00 : f32
      %broadcast_in_dim3A = vector.shape_cast %eq3A_167 : vector<2000x1xi1> to vector<2000x1xi1>
      %broadcast_in_dim3A_171 = vector.broadcast %broadcast_in_dim3A : vector<2000x1xi1> to vector<2000x64xi1>
      %broadcast_in_dim3A_172 = vector.broadcast %jit3A : f32 to vector<2000x64xf32>
      %select_n3A = arith.select %broadcast_in_dim3A_171, %add3A_23, %broadcast_in_dim3A_172 : vector<2000x64xi1>, vector<2000x64xf32>
      %reduce_sum3A = arith.constant dense<0.000000e+00> : vector<64xf32>
      %reduce_sum3A_173 = vector.multi_reduction <add>, %select_n3A, %reduce_sum3A [0] : vector<2000x64xf32> to vector<64xf32>
      %broadcast_in_dim3A_174 = vector.shape_cast %reduce_sum3A_173 : vector<64xf32> to vector<1x64xf32>
      %add3A_175 = arith.addf %get3A_170, %broadcast_in_dim3A_174 : vector<1x64xf32>
      %swap3A = arith.constant 14 : index
      %swap3A_176 = arith.constant 0 : index
      %swap3A_177 = vector.load %arg10[%swap3A, %swap3A_176] : memref<16x64xf32, #tpu.memory_space<vmem>>, vector<1x64xf32>
      tpu.vector_store %arg10[%swap3A, %swap3A_176], %add3A_175 {strides = array<i32>} : memref<16x64xf32, #tpu.memory_space<vmem>>, vector<1x64xf32>,
      %get3A_178 = arith.constant 14 : index
      %get3A_179 = arith.constant 0 : index
      %get3A_180 = vector.load %arg11[%get3A_178, %get3A_179] : memref<16x64xf32, #tpu.memory_space<vmem>>, vector<1x64xf32>
      %jit3A_181 = arith.constant 0xFF800000 : f32
      %broadcast_in_dim3A_182 = vector.shape_cast %eq3A_167 : vector<2000x1xi1> to vector<2000x1xi1>
      %broadcast_in_dim3A_183 = vector.broadcast %broadcast_in_dim3A_182 : vector<2000x1xi1> to vector<2000x64xi1>
      %broadcast_in_dim3A_184 = vector.broadcast %jit3A_181 : f32 to vector<2000x64xf32>
      %select_n3A_185 = arith.select %broadcast_in_dim3A_183, %add3A_23, %broadcast_in_dim3A_184 : vector<2000x64xi1>, vector<2000x64xf32>
      %reduce_max3A = arith.constant dense<0xFF800000> : vector<64xf32>
      %reduce_max3A_186 = vector.multi_reduction <maximumf>, %select_n3A_185, %reduce_max3A [0] : vector<2000x64xf32> to vector<64xf32>
      %broadcast_in_dim3A_187 = vector.shape_cast %reduce_max3A_186 : vector<64xf32> to vector<1x64xf32>
      %max3A = arith.maximumf %get3A_180, %broadcast_in_dim3A_187 : vector<1x64xf32>
      %swap3A_188 = arith.constant 14 : index
      %swap3A_189 = arith.constant 0 : index
      %swap3A_190 = vector.load %arg11[%swap3A_188, %swap3A_189] : memref<16x64xf32, #tpu.memory_space<vmem>>, vector<1x64xf32>
      tpu.vector_store %arg11[%swap3A_188, %swap3A_189], %max3A {strides = array<i32>} : memref<16x64xf32, #tpu.memory_space<vmem>>, vector<1x64xf32>,
      %get3A_191 = arith.constant 14 : index
      %get3A_192 = arith.constant 0 : index
      %get3A_193 = vector.load %arg12[%get3A_191, %get3A_192] : memref<16x1xf32, #tpu.memory_space<vmem>>, vector<1x1xf32>
      %convert_element_type3A_194 = arith.extui %eq3A_167 : vector<2000x1xi1> to vector<2000x1xi32>
      %convert_element_type3A_195 = arith.sitofp %convert_element_type3A_194 : vector<2000x1xi32> to vector<2000x1xf32>
      %reduce_sum3A_196 = arith.constant dense<0.000000e+00> : vector<1xf32>
      %reduce_sum3A_197 = vector.multi_reduction <add>, %convert_element_type3A_195, %reduce_sum3A_196 [0] : vector<2000x1xf32> to vector<1xf32>
      %broadcast_in_dim3A_198 = vector.shape_cast %reduce_sum3A_197 : vector<1xf32> to vector<1x1xf32>
      %add3A_199 = arith.addf %get3A_193, %broadcast_in_dim3A_198 : vector<1x1xf32>
      %swap3A_200 = arith.constant 14 : index
      %swap3A_201 = arith.constant 0 : index
      %swap3A_202 = vector.load %arg12[%swap3A_200, %swap3A_201] : memref<16x1xf32, #tpu.memory_space<vmem>>, vector<1x1xf32>
      tpu.vector_store %arg12[%swap3A_200, %swap3A_201], %add3A_199 {strides = array<i32>} : memref<16x1xf32, #tpu.memory_space<vmem>>, vector<1x1xf32>,
    } else {
    }
    %le3A_152 = arith.constant 15 : i32
    %le3A_153 = arith.cmpi sle, %get3A_30, %le3A_152 : i32
    %ge3A_154 = arith.constant 15 : i32
    %ge3A_155 = arith.cmpi sge, %get3A_34, %ge3A_154 : i32
    %and3A_156 = arith.andi %le3A_153, %ge3A_155 : i1
    %convert_element_type3A_157 = arith.extui %and3A_156 : i1 to i32
    %cond3A_158 = arith.constant 0 : i32
    %cond3A_159 = arith.cmpi ne, %convert_element_type3A_157, %cond3A_158 : i32
    scf.if %cond3A_159 {
      %eq3A_165 = arith.constant 15 : i32
      %eq3A_166 = vector.broadcast %eq3A_165 : i32 to vector<2000x1xi32>
      %eq3A_167 = arith.cmpi eq, %get3A_26, %eq3A_166 : vector<2000x1xi32>
      %get3A_168 = arith.constant 15 : index
      %get3A_169 = arith.constant 0 : index
      %get3A_170 = vector.load %arg10[%get3A_168, %get3A_169] : memref<16x64xf32, #tpu.memory_space<vmem>>, vector<1x64xf32>
      %jit3A = arith.constant 0.000000e+00 : f32
      %broadcast_in_dim3A = vector.shape_cast %eq3A_167 : vector<2000x1xi1> to vector<2000x1xi1>
      %broadcast_in_dim3A_171 = vector.broadcast %broadcast_in_dim3A : vector<2000x1xi1> to vector<2000x64xi1>
      %broadcast_in_dim3A_172 = vector.broadcast %jit3A : f32 to vector<2000x64xf32>
      %select_n3A = arith.select %broadcast_in_dim3A_171, %add3A_23, %broadcast_in_dim3A_172 : vector<2000x64xi1>, vector<2000x64xf32>
      %reduce_sum3A = arith.constant dense<0.000000e+00> : vector<64xf32>
      %reduce_sum3A_173 = vector.multi_reduction <add>, %select_n3A, %reduce_sum3A [0] : vector<2000x64xf32> to vector<64xf32>
      %broadcast_in_dim3A_174 = vector.shape_cast %reduce_sum3A_173 : vector<64xf32> to vector<1x64xf32>
      %add3A_175 = arith.addf %get3A_170, %broadcast_in_dim3A_174 : vector<1x64xf32>
      %swap3A = arith.constant 15 : index
      %swap3A_176 = arith.constant 0 : index
      %swap3A_177 = vector.load %arg10[%swap3A, %swap3A_176] : memref<16x64xf32, #tpu.memory_space<vmem>>, vector<1x64xf32>
      tpu.vector_store %arg10[%swap3A, %swap3A_176], %add3A_175 {strides = array<i32>} : memref<16x64xf32, #tpu.memory_space<vmem>>, vector<1x64xf32>,
      %get3A_178 = arith.constant 15 : index
      %get3A_179 = arith.constant 0 : index
      %get3A_180 = vector.load %arg11[%get3A_178, %get3A_179] : memref<16x64xf32, #tpu.memory_space<vmem>>, vector<1x64xf32>
      %jit3A_181 = arith.constant 0xFF800000 : f32
      %broadcast_in_dim3A_182 = vector.shape_cast %eq3A_167 : vector<2000x1xi1> to vector<2000x1xi1>
      %broadcast_in_dim3A_183 = vector.broadcast %broadcast_in_dim3A_182 : vector<2000x1xi1> to vector<2000x64xi1>
      %broadcast_in_dim3A_184 = vector.broadcast %jit3A_181 : f32 to vector<2000x64xf32>
      %select_n3A_185 = arith.select %broadcast_in_dim3A_183, %add3A_23, %broadcast_in_dim3A_184 : vector<2000x64xi1>, vector<2000x64xf32>
      %reduce_max3A = arith.constant dense<0xFF800000> : vector<64xf32>
      %reduce_max3A_186 = vector.multi_reduction <maximumf>, %select_n3A_185, %reduce_max3A [0] : vector<2000x64xf32> to vector<64xf32>
      %broadcast_in_dim3A_187 = vector.shape_cast %reduce_max3A_186 : vector<64xf32> to vector<1x64xf32>
      %max3A = arith.maximumf %get3A_180, %broadcast_in_dim3A_187 : vector<1x64xf32>
      %swap3A_188 = arith.constant 15 : index
      %swap3A_189 = arith.constant 0 : index
      %swap3A_190 = vector.load %arg11[%swap3A_188, %swap3A_189] : memref<16x64xf32, #tpu.memory_space<vmem>>, vector<1x64xf32>
      tpu.vector_store %arg11[%swap3A_188, %swap3A_189], %max3A {strides = array<i32>} : memref<16x64xf32, #tpu.memory_space<vmem>>, vector<1x64xf32>,
      %get3A_191 = arith.constant 15 : index
      %get3A_192 = arith.constant 0 : index
      %get3A_193 = vector.load %arg12[%get3A_191, %get3A_192] : memref<16x1xf32, #tpu.memory_space<vmem>>, vector<1x1xf32>
      %convert_element_type3A_194 = arith.extui %eq3A_167 : vector<2000x1xi1> to vector<2000x1xi32>
      %convert_element_type3A_195 = arith.sitofp %convert_element_type3A_194 : vector<2000x1xi32> to vector<2000x1xf32>
      %reduce_sum3A_196 = arith.constant dense<0.000000e+00> : vector<1xf32>
      %reduce_sum3A_197 = vector.multi_reduction <add>, %convert_element_type3A_195, %reduce_sum3A_196 [0] : vector<2000x1xf32> to vector<1xf32>
      %broadcast_in_dim3A_198 = vector.shape_cast %reduce_sum3A_197 : vector<1xf32> to vector<1x1xf32>
      %add3A_199 = arith.addf %get3A_193, %broadcast_in_dim3A_198 : vector<1x1xf32>
      %swap3A_200 = arith.constant 15 : index
      %swap3A_201 = arith.constant 0 : index
      %swap3A_202 = vector.load %arg12[%swap3A_200, %swap3A_201] : memref<16x1xf32, #tpu.memory_space<vmem>>, vector<1x1xf32>
      tpu.vector_store %arg12[%swap3A_200, %swap3A_201], %add3A_199 {strides = array<i32>} : memref<16x1xf32, #tpu.memory_space<vmem>>, vector<1x1xf32>,
    } else {
    }
    %eq3A_160 = arith.constant 4 : i32
    %eq3A_161 = arith.cmpi eq, %arg0, %eq3A_160 : i32
    %convert_element_type3A_162 = arith.extui %eq3A_161 : i1 to i32
    %cond3A_163 = arith.constant 0 : i32
    %cond3A_164 = arith.cmpi ne, %convert_element_type3A_162, %cond3A_163 : i32
    scf.if %cond3A_164 {
      %get3A_165 = arith.constant 0 : index
      %get3A_166 = arith.constant 0 : index
      %get3A_167 = vector.load %arg10[%get3A_165, %get3A_166] : memref<16x64xf32, #tpu.memory_space<vmem>>, vector<16x64xf32>
      %get3A_168 = arith.constant 0 : index
      %get3A_169 = arith.constant 0 : index
      %get3A_170 = vector.load %arg12[%get3A_168, %get3A_169] : memref<16x1xf32, #tpu.memory_space<vmem>>, vector<16x1xf32>
      %max3A = arith.constant 1.000000e+00 : f32
      %max3A_171 = vector.broadcast %max3A : f32 to vector<16x1xf32>
      %max3A_172 = arith.maximumf %get3A_170, %max3A_171 : vector<16x1xf32>
      %div3A = vector.broadcast %max3A_172 : vector<16x1xf32> to vector<16x64xf32>
      %div3A_173 = arith.divf %get3A_167, %div3A : vector<16x64xf32>
      %get3A_174 = arith.constant 0 : index
      %get3A_175 = arith.constant 0 : index
      %get3A_176 = vector.load %arg6[%get3A_174, %get3A_175] : memref<64x2xf32, #tpu.memory_space<vmem>>, vector<64x2xf32>
      %dot_general3A = arith.constant dense<0.000000e+00> : vector<16x2xf32>
      %dot_general3A_177 = tpu.matmul %div3A_173, %get3A_176, %dot_general3A {dimension_numbers = #tpu.dot_dimension_numbers<[1], [0], [0], [1], [0, 0, 1, 1], [], []>, transpose_lhs_hint = false} : vector<16x64xf32>, vector<64x2xf32>, vector<16x2xf32> -> vector<16x2xf32>
      %get3A_178 = arith.constant 0 : index
      %get3A_179 = arith.constant 0 : index
      %get3A_180 = vector.load %arg11[%get3A_178, %get3A_179] : memref<16x64xf32, #tpu.memory_space<vmem>>, vector<16x64xf32>
      %get3A_181 = arith.constant 0 : index
      %get3A_182 = arith.constant 0 : index
      %get3A_183 = vector.load %arg7[%get3A_181, %get3A_182] : memref<64x2xf32, #tpu.memory_space<vmem>>, vector<64x2xf32>
      %dot_general3A_184 = arith.constant dense<0.000000e+00> : vector<16x2xf32>
      %dot_general3A_185 = tpu.matmul %get3A_180, %get3A_183, %dot_general3A_184 {dimension_numbers = #tpu.dot_dimension_numbers<[1], [0], [0], [1], [0, 0, 1, 1], [], []>, transpose_lhs_hint = false} : vector<16x64xf32>, vector<64x2xf32>, vector<16x2xf32> -> vector<16x2xf32>
      %add3A_186 = arith.addf %dot_general3A_177, %dot_general3A_185 : vector<16x2xf32>
      %get3A_187 = arith.constant 0 : index
      %get3A_188 = arith.constant 0 : index
      %get3A_189 = vector.load %arg8[%get3A_187, %get3A_188] : memref<1x2xf32, #tpu.memory_space<vmem>>, vector<1x2xf32>
      %add3A_190 = vector.broadcast %get3A_189 : vector<1x2xf32> to vector<16x2xf32>
      %add3A_191 = arith.addf %add3A_186, %add3A_190 : vector<16x2xf32>
      %swap3A = arith.constant 0 : index
      %swap3A_192 = arith.constant 0 : index
      %swap3A_193 = vector.load %arg9[%swap3A, %swap3A_192] : memref<16x2xf32, #tpu.memory_space<vmem>>, vector<16x2xf32>
      tpu.vector_store %arg9[%swap3A, %swap3A_192], %add3A_191 {strides = array<i32>} : memref<16x2xf32, #tpu.memory_space<vmem>>, vector<16x2xf32>,
    } else {
    }
    return
  }
  func.func @transform_0(%arg0: i32) -> (i32, i32, i32) {
    %c0_i32 = arith.constant 0 : i32
    %c0_i32_0 = arith.constant 0 : i32
    %c0_i32_1 = arith.constant 0 : i32
    return %c0_i32, %arg0, %c0_i32_0 : i32, i32, i32
  }
  func.func @transform_1(%arg0: i32) -> (i32, i32) {
    %c0_i32 = arith.constant 0 : i32
    %c0_i32_0 = arith.constant 0 : i32
    return %arg0, %c0_i32 : i32, i32
  }
  func.func @transform_2(%arg0: i32) -> (i32, i32) {
    %c0_i32 = arith.constant 0 : i32
    %c0_i32_0 = arith.constant 0 : i32
    return %arg0, %c0_i32 : i32, i32
  }
  func.func @transform_3(%arg0: i32) -> (i32, i32) {
    %c0_i32 = arith.constant 0 : i32
    %c0_i32_0 = arith.constant 0 : i32
    %c0_i32_1 = arith.constant 0 : i32
    return %c0_i32, %c0_i32_0 : i32, i32
  }
  func.func @transform_4(%arg0: i32) -> (i32, i32) {
    %c0_i32 = arith.constant 0 : i32
    %c0_i32_0 = arith.constant 0 : i32
    return %arg0, %c0_i32 : i32, i32
  }
  func.func @transform_5(%arg0: i32) -> (i32, i32) {
    %c0_i32 = arith.constant 0 : i32
    %c0_i32_0 = arith.constant 0 : i32
    %c0_i32_1 = arith.constant 0 : i32
    return %c0_i32, %c0_i32_0 : i32, i32
  }
  func.func @transform_6(%arg0: i32) -> (i32, i32) {
    %c0_i32 = arith.constant 0 : i32
    %c0_i32_0 = arith.constant 0 : i32
    %c0_i32_1 = arith.constant 0 : i32
    return %c0_i32, %c0_i32_0 : i32, i32
  }
  func.func @transform_7(%arg0: i32) -> (i32, i32) {
    %c0_i32 = arith.constant 0 : i32
    %c0_i32_0 = arith.constant 0 : i32
    %c0_i32_1 = arith.constant 0 : i32
    return %c0_i32, %c0_i32_0 : i32, i32
  }
  func.func @transform_8(%arg0: i32) -> (i32, i32) {
    %c0_i32 = arith.constant 0 : i32
    %c0_i32_0 = arith.constant 0 : i32
    %c0_i32_1 = arith.constant 0 : i32
    return %c0_i32, %c0_i32_0 : i32, i32
  }
}

</mosaic_0001>

<sc_bundles>
// kernel: kernel.11.cloned.1.call-start
scs
__scs_entry_jumppad:
0x0: {  	(pc) =	sbr.rel $0x88, $3  }
0x1: {  	(tag) =	ssettag $0x0;
	lr =	simm.s32 $0x1  }
0x2: {  	[smem:$0x3F98] =	sst lr;
	_ =	strace $0xD0000000  }
0x3: {  	_ = 	snop  }
0x4: {  	_ = 	snop  }
0x5: {  	_ = 	snop  }
0x6: {  	_ = 	snop  }
0x7: {  	_ = 	snop  }
__scs_overlays_trampoline_lowered:
0x8: {  	[smem:$0x3FA7] =	sst s0  }
0x9: {  	[smem:$0x3FA8] =	sst s1  }
0xa: {  	[smem:$0x3FA9] =	sst s2  }
0xb: {  	[smem:$0x3FAA] =	sst s3  }
0xc: {  	[smem:$0x3FAB] =	sst s4  }
0xd: {  	[smem:$0x3FAC] =	sst s5  }
0xe: {  	[smem:$0x3FAD] =	sst s6  }
0xf: {  	[smem:$0x3FAE] =	sst s7  }
0x10: {  	[smem:$0x3FAF] =	sst s8  }
0x11: {  	[smem:$0x3FB0] =	sst s9;
	s0 =	simm.s32 @!p0 $0x0  }
0x12: {  	s1 =	sld [smem:$0x3F96];
	s0 =	simm.s32 @p0 $0x1  }
0x13: {  	[smem:$0x3FB1] =	sst s0;
	s0 =	simm.s32 @!p1 $0x0  }
0x14: {  	s2 =	sld [smem:$0x3F95];
	s0 =	simm.s32 @p1 $0x1  }
0x15: {  	[smem:$0x3FB2] =	sst s0;
	s0 =	simm.s32 @!p2 $0x0  }
0x16: {  	s3 =	sld [smem:$0x3FDB];
	s0 =	simm.s32 @p2 $0x1  }
0x17: {  	s4 =	simm.s32 $0x1BF5;
	[smem:$0x3FB4] =	sst s0  }
0x18: {  	s0 =	sld [smem:$0x3F97];
	_ =	swait.ge [sflag:s4], $0x0  }
0x19: {  	s7 =	sld [smem:$0x3F98]  }
0x1a: {  	s8 =	sadd.s32 $0xFFFFE003, lr  }
0x1b: {  	s9 =	sadd.s32 $0xFFFFFEF7, lr;
	s5 =	simm.s32 $0xFFFFFFFF;
	p2 =	slt.u32 s8, $0xFFFFF086  }
0x1c: {  	p1 =	slt.u32 s9, $0xF7A;
	s5 =	simm.s32 @!p2 $0x0  }
0x1d: {  	s5 =	simm.s32 @p1 $0x1;
	p0 =	seq.s32 s7, s2  }
0x1e: {  	s7 =	smul.u32 @!p0 $0xF7A, s2;
	p2 =	seq.s32 @!p0 s5, $0x0  }
0x1f: {  	s9 =	smul.u32 $0xF7A, s1;
	s8 =	simm.s32 @!p0 $0x1BF5;
	p2 =	por !p2, p0  }
0x20: {  	[sflag:s8] =	ssyncset.s32 @!p0 $0xFFFFF086;
	s6 =	sadd.s32 @!p0 s3, s7;
	s7 =	simm.s32 @!p0 $0x108  }
0x21: {  	s3 =	sadd.s32 s3, s9;
	s6 =	sadd.s32 @!p0 $0x88, s6;
	s7 =	simm.s32 @p2 $0x1082  }
0x22: {  	[simem:s7], [sflag:s8] =	dma.local @!p0 [hbm:s6], $0xF7A  }
0x23: {  	s9 =	sor.u32 $0xD0000000, s2;
	s6 =	simm.s32 $0x108;
	_ =	swait.ge @!p0 [sflag:s8], $0x0  }
0x24: {  	s3 =	sadd.s32 $0x88, s3;
	s6 =	simm.s32 @!p1 $0x1082;
	[sflag:s4] =	ssyncset.s32 $0xFFFFF086  }
0x25: {  	[simem:s6], [sflag:s4] =	dma.local [hbm:s3], $0xF7A  }
0x26: {  	[smem:$0x3F98] =	sst s1;
	(tag) =	ssettag s2;
	_ =	strace s9  }
0x27: {  	s1 =	sld [smem:$0x3FA8]  }
0x28: {  	s2 =	sld [smem:$0x3FA9]  }
0x29: {  	s4 =	sld [smem:$0x3FAB]  }
0x2a: {  	p0 =	seq.s32 s5, $0x0;
	s5 =	sld [smem:$0x3FAC]  }
0x2b: {  	s6 =	sld [smem:$0x3FAD]  }
0x2c: {  	s7 =	sld [smem:$0x3FAE]  }
0x2d: {  	s3 =	simm.s32 $0x108;
	s8 =	sld [smem:$0x3FAF]  }
0x2e: {  	s3 =	simm.s32 @!p0 $0x1082;
	s9 =	sld [smem:$0x3FB0]  }
0x2f: {  	lr =	sadd.s32 s0, s3;
	s0 =	sld [smem:$0x3FA7]  }
0x30: {  	s3 =	sld [smem:$0x3FAA]  }
0x31: {  	[smem:$0x3FB3] =	sst s10  }
0x32: {  	s10 =	sld [smem:$0x3FB1];
	_ =	sdelay $0x3  }
0x33: {  	p0 =	seq.s32 s10, $0x1;
	s10 =	sld [smem:$0x3FB3];
	_ =	sdelay $0x3  }
0x34: {  	[smem:$0x3FB3] =	sst s10  }
0x35: {  	s10 =	sld [smem:$0x3FB2];
	_ =	sdelay $0x3  }
0x36: {  	p1 =	seq.s32 s10, $0x1;
	s10 =	sld [smem:$0x3FB3];
	_ =	sdelay $0x3  }
0x37: {  	[smem:$0x3FB3] =	sst s10  }
0x38: {  	s10 =	sld [smem:$0x3FB4]  }
0x39: {  	_ = 	snop;
	(pc) =	sbr.ind lr, $3  }
0x3a: {  	_ = 	snop  }
0x3b: {  	_ = 	snop  }
0x3c: {  	p2 =	seq.s32 s10, $0x1;
	s10 =	sld [smem:$0x3FB3]  }
0x3d: {  	_ =	shalt  }
0x3e: {  	_ =	shalt  }
0x3f: {  	_ =	shalt  }
0x40: {  	_ =	shalt  }
0x41: {  	_ =	shalt  }
0x42: {  	_ =	shalt  }
0x43: {  	_ =	shalt  }
0x44: {  	_ =	shalt  }
0x45: {  	_ =	shalt  }
0x46: {  	_ =	shalt  }
0x47: {  	_ =	shalt  }
0x48: {  	_ =	shalt  }
0x49: {  	_ =	shalt  }
0x4a: {  	_ =	shalt  }
0x4b: {  	_ =	shalt  }
0x4c: {  	_ =	shalt  }
0x4d: {  	_ =	shalt  }
0x4e: {  	_ =	shalt  }
0x4f: {  	_ =	shalt  }
0x50: {  	_ =	shalt  }
0x51: {  	_ =	shalt  }
0x52: {  	_ =	shalt  }
0x53: {  	_ =	shalt  }
0x54: {  	_ =	shalt  }
0x55: {  	_ =	shalt  }
0x56: {  	_ =	shalt  }
0x57: {  	_ =	shalt  }
0x58: {  	_ =	shalt  }
0x59: {  	_ =	shalt  }
0x5a: {  	_ =	shalt  }
0x5b: {  	_ =	shalt  }
0x5c: {  	_ =	shalt  }
0x5d: {  	_ =	shalt  }
0x5e: {  	_ =	shalt  }
0x5f: {  	_ =	shalt  }
0x60: {  	_ =	shalt  }
0x61: {  	_ =	shalt  }
0x62: {  	_ =	shalt  }
0x63: {  	_ =	shalt  }
0x64: {  	_ =	shalt  }
0x65: {  	_ =	shalt  }
0x66: {  	_ =	shalt  }
0x67: {  	_ =	shalt  }
0x68: {  	_ =	shalt  }
0x69: {  	_ =	shalt  }
0x6a: {  	_ =	shalt  }
0x6b: {  	_ =	shalt  }
0x6c: {  	_ =	shalt  }
0x6d: {  	_ =	shalt  }
0x6e: {  	_ =	shalt  }
0x6f: {  	_ =	shalt  }
0x70: {  	_ =	shalt  }
0x71: {  	_ =	shalt  }
0x72: {  	_ =	shalt  }
0x73: {  	_ =	shalt  }
0x74: {  	_ =	shalt  }
0x75: {  	_ =	shalt  }
0x76: {  	_ =	shalt  }
0x77: {  	_ =	shalt  }
0x78: {  	_ =	shalt  }
0x79: {  	_ =	shalt  }
0x7a: {  	_ =	shalt  }
0x7b: {  	_ =	shalt  }
0x7c: {  	_ =	shalt  }
0x7d: {  	_ =	shalt  }
0x7e: {  	_ =	shalt  }
0x7f: {  	_ =	shalt  }
0x80: {  	_ =	shalt  }
0x81: {  	_ =	shalt  }
0x82: {  	_ =	shalt  }
0x83: {  	_ =	shalt  }
0x84: {  	_ =	shalt  }
0x85: {  	_ =	shalt  }
0x86: {  	_ =	shalt  }
0x87: {  	_ =	shalt  }
.Lfunc_end0:
.L_simem_size_0:
called_computation.1_lowered:
.L_overlay_start_0:
0x88: {  	s2 =	sld [smem:$0x3FD9]  }
0x89: {  	s3 =	sld [smem:$0x3FFE];
	_ =	sdelay $0x1  }
0x8a: {  	s1 =	srdreg.scid  }
0x8b: {  	s0 =	sand.u32 $0x1, s1  }
0x8c: {  	s16 =	sshll.u32 s0, $0xA;
	s2 =	sadd.s32 s3, s2  }
0x8d: {  	s2 =	sadd.s32 s2, s16  }
0x8e: {  	[smem:$0x3FBF] =	sst s2  }
0x8f: {  	_ = 	snop  }
0x90: {  	(tm) =	ssettm $0x1  }
0x91: {  	s17 =	sld [smem:$0x3FFB];
	_ =	sdelay $0x3  }
0x92: {  	_ =	strace s17  }
0x93: {  	s2 =	sld [smem:$0x3FFC];
	_ =	sdelay $0x3  }
0x94: {  	_ =	strace s2  }
0x95: {  	s2 =	sld [smem:$0x3FFD];
	_ =	sdelay $0x3  }
0x96: {  	_ =	strace s2  }
0x97: {  	_ =	strace $0x8FFFFFFF  }
0x98: {  	s18 =	sld [smem:$0x3FDB];
	_ =	sdelay $0x1  }
0x99: {  	s19 =	simm.s32 $_scs_section_size  }
0x9a: {  	s4 =	simm.s32 $_size__tile_overlayer_lowered;
	s5 =	simm.s32 $_tile_overlayer_lowered  }
0x9b: {  	s22 =	simm.s32 $0x1BFF;
	s21 =	sshll.u32 s5, $0x1;
	s2 =	sadd.s32 s19, s18  }
0x9c: {  	s6 =	simm.s32 $0x0;
	s20 =	sshll.u32 s4, $0x1;
	s4 =	sadd.s32 s21, s2  }
0x9d: {  	[timem:s6], [sflag:s22] =	dma.local [hbm:s4], s20  }
0x9e: {  	_ =	swait.ge [sflag:s22], s20  }
0x9f: {  	s3 =	ssub.s32 $0x0, s20;
	[sflag:s22] =	ssyncset.done $0x0  }
0xa0: {  	[sflag:s22] =	ssyncadd.s32 s3;
	_ =	sdelay $0x1  }
0xa1: {  	s23 =	simm.s32 $0x1B8B  }
0xa2: {  	_ =	swait.ge [sflag:s23], $0x1  }
0xa3: {  	[sflag:s23] =	ssyncset.done $0x0  }
0xa4: {  	s25 =	simm.s32 $0x1B8E;
	s24 =	sld [smem:$0x3FFE];
	[sflag:s23] =	ssyncadd.s32 $0xFFFFFFFF  }
0xa5: {  	s26 =	simm.s32 $execute0_lowered;
	[smem:$0x3FD2] =	sst s25  }
0xa6: {  	s4 =	sshll.u32 s26, $0x1;
	_ =	strace $0x80000049;
	[dreg:$0x1] =	wrdreg $0xFFFFFFFF  }
0xa7: {  	s28 =	simm.s32 $_size_execute0_lowered;
	s2 =	sadd.s32 s2, s4;
	[dreg:$0x0] =	wrdreg $0x0  }
0xa8: {  	s4 =	sshll.u32 s28, $0x1;
	[dreg:$0x2] =	wrdreg s2  }
0xa9: {  	[dreg:$0x3] =	wrdreg s4  }
0xaa: {  	[dreg:$0x4] =	wrdreg $0xC0  }
0xab: {  	_ =	task [dreg:s6], $0x5FFFF  }
0xac: {  	[dreg:$0x1] =	wrdreg $0xFFFFFFFF  }
0xad: {  	[dreg:$0x0] =	wrdreg $0x60  }
0xae: {  	[dreg:$0x2] =	wrdreg s24  }
0xaf: {  	[dreg:$0x3] =	wrdreg $0x0  }
0xb0: {  	[dreg:$0x4] =	wrdreg $0x9  }
0xb1: {  	_ =	task.clear_ibuf [dreg:s6], $0x5FFFF;
	_ =	strace $0x90000049  }
0xb2: {  	s29 =	simm.s32 $0x9;
	_ =	strace $0x8000004B  }
0xb3: {  	_ =	swait.ge [sflag:s29], $0x1  }
0xb4: {  	[sflag:s29] =	ssyncadd.s32 $0xFFFFFFFF  }
0xb5: {  	_ =	strace $0x9000004B  }
0xb6: {  	_ =	sfence  }
0xb7: {  	s30 =	sld [smem:$0x0];
	_ =	sdelay $0x2  }
0xb8: {  	s31 =	sshll.u32 s1, $0xD;
	s1 =	sshrl.u32 s1, $0x2  }
0xb9: {  	s3 =	sand.u32 $0x4000, s31;
	s1 =	sadd.s32 s1, s30  }
0xba: {  	s0 =	sor.u32 s3, s0;
	s1 =	sshll.u32 s1, $0x11  }
0xbb: {  	s0 =	sor.u32 s1, s0  }
0xbc: {  	s0 =	sadd.s32 $0x8F2B, s0  }
0xbd: {  	[sflag:s0] =	ssyncadd.remote.s32 $0x1  }
0xbe: {  	_ =	sfence.sel $0xFFFF  }
0xbf: {  	[dreg:$0x0] =	wrdreg $0xFFFFFFFF;
	(pc) =	sbr.abs _section_cstart, $3  }
0xc0: {  	[dreg:$0x1] =	wrdreg $0xFFFFFFFF  }
0xc1: {  	_ =	task.clear_ibuf [dreg:s6], $0x2FFFF;
	_ =	strace $0x9FFFFFFF  }
0xc2: {  	(tm) =	ssettm $0x7FFFFFFF  }
0xc3: {  	_ =	shalt  }
tec
execute0_lowered:
.L_overlay_start_1:
0x0: {  	(tag) =	ssettag $0x1  }
0x1: {  	s0 =	rddreg [dreg:$0x0]  }
0x2: {  	s2 =	rddreg [dreg:$0x1]  }
0x3: {  	s1 =	srdreg.scid;
	s10 =	stileid.u32;
	s4 =	simm.s32 $0x0  }
0x4: {  	s11 =	simm.s32 $0xB;
	s12 =	simm.s32 $0x16710;
	s13 =	simm.s32 $0x28  }
0x5: {  	s14 =	simm.s32 $0x18E20;
	s16 =	simm.s32 $0x1A220;
	s18 =	simm.s32 $0x1B620  }
0x6: {  	s21 =	simm.s32 $0x1;
	s28 =	simm.s32 $0x1DE20;
	s29 =	simm.s32 $0x3  }
0x7: {  	s31 =	simm.s32 $0x6;
	s17 =	simm.s32 $0x7;
	s30 =	simm.s32 $0x8  }
0x8: {  	s15 =	simm.s32 $0x9;
	s22 =	simm.s32 $0xA;
	s1 =	sand.u32 $0x1, s1  }
0x9: {  	s8 =	smul.u32 $0x14000, s10;
	[smem:$0x7FF] =	sst s4;
	s4 =	sadd.s32 $0x15A00, s0  }
0xa: {  	s23 =	sadd.s32 $0x3CC00, s0;
	s26 =	sshll.u32 s10, $0x6;
	s3 =	sshll.u32 s1, $0x4  }
0xb: {  	s5 =	smul.u32 $0x140000, s1;
	_ =	strace $0x8000004A;
	s1 =	ssub.s32 $0x2, s1  }
0xc: {  	[dreg:$0x3] =	wrdreg s23;
	s19 =	sor.u32 $0x1C0B, s26;
	s23 =	simm.s32 $0x1CA20  }
0xd: {  	s26 =	simm.s32 $0x0;
	s3 =	sor.u32 s10, s3;
	s7 =	sshrl.u32 s1, $0x1  }
0xe: {  	s25 =	sadd.s32 s8, s2;
	s3 =	smul.u32 $0x4E2, s3;
	s5 =	sadd.s32 s8, s5  }
.Ltmp0:
0xf: {  	s1 =	ssub.s32 s1, s7;
	s20 =	sshrl.u32 s25, $0x3;
	(pc) =	sbr.rel .LBB2_1-.Ltmp0, $4  }
0x10: {  	s25 =	simm.s32 $0x5;
	s6 =	sshrl.u32 s5, $0x3;
	s3 =	sadd.s32 s3, s0  }
0x11: {  	s9 =	smax.u32 s1, $0x1;
	s1 =	simm.s32 $0x4;
	s24 =	sadd.s32 $0x1E00, s3  }
0x12: {  	s0 =	sadd.s32 s6, s0;
	s3 =	sadd.s32 $0xBC00, s3;
	[dreg:$0x4] =	wrdreg s24  }
0x13: {  	s8 =	sadd.s32 $0x3F400, s0;
	[dreg:$0x5] =	wrdreg s3;
	s24 =	simm.s32 $0x2  }
.LBB2_4:
0x14: {  	_ =	swait.ge [sflag:s31], $0x1400  }
0x15: {  	[sflag:s31] =	ssyncset.done $0x0  }
0x16: {  	[sflag:s31] =	ssyncadd.s32 $0xFFFFEC00  }
0x17: {  	_ =	swait.ge [sflag:s17], $0x1400  }
0x18: {  	[sflag:s17] =	ssyncset.done $0x0  }
0x19: {  	[sflag:s17] =	ssyncadd.s32 $0xFFFFEC00  }
0x1a: {  	_ =	swait.ge [sflag:s30], $0x1400  }
0x1b: {  	[sflag:s30] =	ssyncset.done $0x0  }
0x1c: {  	[sflag:s30] =	ssyncadd.s32 $0xFFFFEC00  }
0x1d: {  	_ =	swait.ge [sflag:s15], $0x1400  }
0x1e: {  	[sflag:s15] =	ssyncset.done $0x0  }
0x1f: {  	[sflag:s15] =	ssyncadd.s32 $0xFFFFEC00  }
0x20: {  	_ =	swait.ge [sflag:s22], $0x1400  }
0x21: {  	s26 =	sadd.s32 $0x1, s26;
	[sflag:s22] =	ssyncset.done $0x0  }
0x22: {  	p0 =	sne.s32 s26, s9;
	[sflag:s22] =	ssyncadd.s32 $0xFFFFEC00  }
.Ltmp1:
0x23: {  	[bflag:$0x0] =	sbarrier.arrive $0xFFFF;
	(pc) =	sbr.rel @!p0 .LBB2_5-.Ltmp1, $4  }
0x24: {  	[hbm:s8], [sflag:s19] =	dma.local [spmem:s20], $0x2800  }
0x25: {  	_ =	swait.ge [sflag:s11], $0x2800  }
0x26: {  	[sflag:s11] =	ssyncset.done $0x0  }
0x27: {  	[sflag:s11] =	ssyncadd.s32 $0xFFFFD800  }
.LBB2_1:
0x28: {  	s0 =	simm.s32 $0x0;
	s3 =	rddreg [dreg:$0x4];
	s5 =	simm.s32 $0x14000  }
0x29: {  	[tilespmem:s5], [sflag:$0xB] =	stream.linear.gather [hbm4b:s3+s0], $0x2710, $0x38;
	[tilespmem:$0x1F220] =	vst v63  }
0x2a: {  	_ =	swait.ge [sflag:s11], $0x2710  }
0x2b: {  	[sflag:s11] =	ssyncset.done $0x0  }
0x2c: {  	s6 =	rddreg [dreg:$0x5];
	[sflag:s11] =	ssyncadd.s32 $0xFFFFD8F0  }
0x2d: {  	[tilespmem:s12], [sflag:$0xB] =	stream.linear.gather [hbm4b:s6+s0], $0x2710, $0x38;
	[tilespmem:$0x1F220] =	vst v63  }
0x2e: {  	_ =	swait.ge [sflag:s11], $0x2710  }
0x2f: {  	[sflag:s11] =	ssyncset.done $0x0  }
0x30: {  	[sflag:s11] =	ssyncadd.s32 $0xFFFFD8F0  }
0x31: {  	[tilespmem:s14], [sflag:$0x1] =	stream.indirect.gather [hbm4b:s4+s13], $0x80, s5, s13, $0xb8;
	[tilespmem:$0x1F220] =	vst v63  }
0x32: {  	s7 =	simm.s32 $0x14028  }
0x33: {  	[tilespmem:s16], [sflag:$0x2] =	stream.indirect.gather [hbm4b:s4+s13], $0x80, s7, s13, $0xb8;
	[tilespmem:$0x1F220] =	vst v63  }
0x34: {  	s10 =	simm.s32 $0x14050;
	s3 =	rddreg [dreg:$0x3]  }
0x35: {  	[tilespmem:s18], [sflag:$0x3] =	stream.indirect.gather [hbm4b:s4+s13], $0x80, s10, s13, $0xb8;
	[tilespmem:$0x1F220] =	vst v63  }
0x36: {  	[spmem:s20], [sflag:s19] =	dma.local [hbm:s3], $0x2800  }
0x37: {  	_ =	swait.ge [sflag:s11], $0x2800  }
0x38: {  	[sflag:s11] =	ssyncset.done $0x0  }
0x39: {  	[sflag:s11] =	ssyncadd.s32 $0xFFFFD800  }
0x3a: {  	[bflag:$0x0] =	sbarrier.arrive $0xFFFF  }
0x3b: {  	_ =	swait.ge [sflag:s21], $0x1400  }
0x3c: {  	[sflag:s21] =	ssyncset.done $0x0  }
0x3d: {  	[sflag:s21] =	ssyncadd.s32 $0xFFFFEC00  }
0x3e: {  	[spmem:s2] =	stream.indirect.scatter.add.f32 [tilespmem:s14], [sflag:$0x6], $0x80, s12, s13, $0xb8;
	[tilespmem:$0x1F220] =	vst v63  }
0x3f: {  	s5 =	simm.s32 $0x14078  }
0x40: {  	[tilespmem:s23], [sflag:$0x4] =	stream.indirect.gather [hbm4b:s4+s13], $0x80, s5, s13, $0xb8;
	[tilespmem:$0x1F220] =	vst v63  }
0x41: {  	_ =	swait.ge [sflag:s24], $0x1400  }
0x42: {  	[sflag:s24] =	ssyncset.done $0x0  }
0x43: {  	s6 =	simm.s32 $0x16738;
	[sflag:s24] =	ssyncadd.s32 $0xFFFFEC00  }
0x44: {  	[spmem:s2] =	stream.indirect.scatter.add.f32 [tilespmem:s16], [sflag:$0x7], $0x80, s6, s13, $0xb8;
	[tilespmem:$0x1F220] =	vst v63  }
0x45: {  	s7 =	simm.s32 $0x140A0  }
0x46: {  	[tilespmem:s28], [sflag:$0x5] =	stream.indirect.gather [hbm4b:s4+s13], $0x80, s7, s13, $0xb8;
	[tilespmem:$0x1F220] =	vst v63  }
0x47: {  	_ =	swait.ge [sflag:s29], $0x1400  }
0x48: {  	[sflag:s29] =	ssyncset.done $0x0  }
0x49: {  	s10 =	simm.s32 $0x16760;
	[sflag:s29] =	ssyncadd.s32 $0xFFFFEC00  }
0x4a: {  	[spmem:s2] =	stream.indirect.scatter.add.f32 [tilespmem:s18], [sflag:$0x8], $0x80, s10, s13, $0xb8;
	[tilespmem:$0x1F220] =	vst v63  }
0x4b: {  	_ =	swait.ge [sflag:s31], $0x1400  }
0x4c: {  	[sflag:s31] =	ssyncset.done $0x0  }
0x4d: {  	s3 =	simm.s32 $0x140C8;
	[sflag:s31] =	ssyncadd.s32 $0xFFFFEC00  }
0x4e: {  	[tilespmem:s14], [sflag:$0x1] =	stream.indirect.gather [hbm4b:s4+s13], $0x80, s3, s13, $0xb8;
	[tilespmem:$0x1F220] =	vst v63  }
0x4f: {  	_ =	swait.ge [sflag:s1], $0x1400  }
0x50: {  	[sflag:s1] =	ssyncset.done $0x0  }
0x51: {  	s5 =	simm.s32 $0x16788;
	[sflag:s1] =	ssyncadd.s32 $0xFFFFEC00  }
0x52: {  	[spmem:s2] =	stream.indirect.scatter.add.f32 [tilespmem:s23], [sflag:$0x9], $0x80, s5, s13, $0xb8;
	[tilespmem:$0x1F220] =	vst v63  }
0x53: {  	_ =	swait.ge [sflag:s17], $0x1400  }
0x54: {  	[sflag:s17] =	ssyncset.done $0x0  }
0x55: {  	s6 =	simm.s32 $0x140F0;
	[sflag:s17] =	ssyncadd.s32 $0xFFFFEC00  }
0x56: {  	[tilespmem:s16], [sflag:$0x2] =	stream.indirect.gather [hbm4b:s4+s13], $0x80, s6, s13, $0xb8;
	[tilespmem:$0x1F220] =	vst v63  }
0x57: {  	_ =	swait.ge [sflag:s25], $0x1400  }
0x58: {  	[sflag:s25] =	ssyncset.done $0x0  }
0x59: {  	s7 =	simm.s32 $0x167B0;
	[sflag:s25] =	ssyncadd.s32 $0xFFFFEC00  }
0x5a: {  	[spmem:s2] =	stream.indirect.scatter.add.f32 [tilespmem:s28], [sflag:$0xA], $0x80, s7, s13, $0xb8;
	[tilespmem:$0x1F220] =	vst v63  }
0x5b: {  	_ =	swait.ge [sflag:s30], $0x1400  }
0x5c: {  	[sflag:s30] =	ssyncset.done $0x0  }
0x5d: {  	s0 =	simm.s32 $0x0;
	s10 =	simm.s32 $0x14118;
	[sflag:s30] =	ssyncadd.s32 $0xFFFFEC00  }
0x5e: {  	[tilespmem:s18], [sflag:$0x3] =	stream.indirect.gather [hbm4b:s4+s13], $0x80, s10, s13, $0xb8;
	[tilespmem:$0x1F220] =	vst v63  }
.LBB2_2:
0x5f: {  	_ =	swait.ge [sflag:s21], $0x1400  }
0x60: {  	s3 =	sshra.s32 s0, $0x2;
	[sflag:s21] =	ssyncset.done $0x0  }
0x61: {  	s5 =	sadd.s32 $0x167D8, s3;
	[sflag:s21] =	ssyncadd.s32 $0xFFFFEC00  }
0x62: {  	[spmem:s2] =	stream.indirect.scatter.add.f32 [tilespmem:s14], [sflag:$0x6], $0x80, s5, s13, $0xb8;
	[tilespmem:$0x1F220] =	vst v63  }
0x63: {  	_ =	swait.ge [sflag:s15], $0x1400  }
0x64: {  	[sflag:s15] =	ssyncset.done $0x0  }
0x65: {  	s7 =	sadd.s32 $0x14140, s3;
	[sflag:s15] =	ssyncadd.s32 $0xFFFFEC00  }
0x66: {  	[tilespmem:s23], [sflag:$0x4] =	stream.indirect.gather [hbm4b:s4+s13], $0x80, s7, s13, $0xb8;
	[tilespmem:$0x1F220] =	vst v63  }
0x67: {  	_ =	swait.ge [sflag:s24], $0x1400  }
0x68: {  	[sflag:s24] =	ssyncset.done $0x0  }
0x69: {  	s10 =	sadd.s32 $0x16800, s3;
	[sflag:s24] =	ssyncadd.s32 $0xFFFFEC00  }
0x6a: {  	[spmem:s2] =	stream.indirect.scatter.add.f32 [tilespmem:s16], [sflag:$0x7], $0x80, s10, s13, $0xb8;
	[tilespmem:$0x1F220] =	vst v63  }
0x6b: {  	_ =	swait.ge [sflag:s22], $0x1400  }
0x6c: {  	[sflag:s22] =	ssyncset.done $0x0  }
0x6d: {  	s6 =	sadd.s32 $0x14168, s3;
	[sflag:s22] =	ssyncadd.s32 $0xFFFFEC00  }
0x6e: {  	[tilespmem:s28], [sflag:$0x5] =	stream.indirect.gather [hbm4b:s4+s13], $0x80, s6, s13, $0xb8;
	[tilespmem:$0x1F220] =	vst v63  }
0x6f: {  	_ =	swait.ge [sflag:s29], $0x1400  }
0x70: {  	p0 =	seq.s32 s0, $0x9600;
	[sflag:s29] =	ssyncset.done $0x0  }
0x71: {  	s5 =	simm.s32 @p0 $0x4;
	s7 =	sadd.s32 $0x16828, s3;
	[sflag:s29] =	ssyncadd.s32 $0xFFFFEC00  }
0x72: {  	[spmem:s2] =	stream.indirect.scatter.add.f32 [tilespmem:s18], [sflag:$0x8], $0x80, s7, s13, $0xb8;
	[tilespmem:$0x1F220] =	vst v63  }
0x73: {  	_ =	swait.ge @p0 [sflag:s5], $0x1400  }
0x74: {  	[sflag:s5] =	ssyncset.done @p0 $0x0  }
0x75: {  	[sflag:s5] =	ssyncadd.s32 @p0 $0xFFFFEC00;
	s5 =	sshra.s32 @p0 s0, $0x2  }
0x76: {  	s6 =	simm.s32 @p0 $0x28;
	s7 =	simm.s32 @p0 $0x1CA20;
	s5 =	sadd.s32 @p0 $0x16850, s5  }
0x77: {  	[spmem:s2] =	stream.indirect.scatter.add.f32 @p0 [tilespmem:s7], [sflag:$0x9], $0x80, s5, s6, $0xb8;
	[tilespmem:$0x1F220] =	vst v63  }
0x78: {  	s5 =	simm.s32 @!p0 $0x6  }
0x79: {  	_ =	swait.ge @!p0 [sflag:s5], $0x1400  }
0x7a: {  	[sflag:s5] =	ssyncset.done @!p0 $0x0  }
0x7b: {  	[sflag:s5] =	ssyncadd.s32 @!p0 $0xFFFFEC00;
	s5 =	sshra.s32 @!p0 s0, $0x2  }
0x7c: {  	s10 =	simm.s32 @!p0 $0x18E20;
	s7 =	simm.s32 @!p0 $0x28;
	s6 =	sadd.s32 @!p0 $0x14190, s5  }
0x7d: {  	[tilespmem:s10], [sflag:$0x1] =	stream.indirect.gather @!p0 [hbm4b:s4+s7], $0x80, s6, s7, $0xb8;
	[tilespmem:$0x1F220] =	vst v63  }
0x7e: {  	s6 =	simm.s32 @!p0 $0x4  }
0x7f: {  	_ =	swait.ge @!p0 [sflag:s6], $0x1400  }
0x80: {  	[sflag:s6] =	ssyncset.done @!p0 $0x0  }
0x81: {  	s10 =	simm.s32 @!p0 $0x1CA20;
	[sflag:s6] =	ssyncadd.s32 @!p0 $0xFFFFEC00;
	s6 =	sadd.s32 @!p0 $0x16850, s5  }
0x82: {  	[spmem:s2] =	stream.indirect.scatter.add.f32 @!p0 [tilespmem:s10], [sflag:$0x9], $0x80, s6, s7, $0xb8;
	[tilespmem:$0x1F220] =	vst v63  }
0x83: {  	s6 =	simm.s32 @!p0 $0x7  }
0x84: {  	_ =	swait.ge @!p0 [sflag:s6], $0x1400  }
0x85: {  	[sflag:s6] =	ssyncset.done @!p0 $0x0  }
0x86: {  	s5 =	sadd.s32 @!p0 $0x141B8, s5;
	[sflag:s6] =	ssyncadd.s32 @!p0 $0xFFFFEC00;
	s6 =	simm.s32 @!p0 $0x1A220  }
0x87: {  	[tilespmem:s6], [sflag:$0x2] =	stream.indirect.gather @!p0 [hbm4b:s4+s7], $0x80, s5, s7, $0xb8;
	[tilespmem:$0x1F220] =	vst v63  }
.Ltmp2:
0x88: {  	_ = 	snop;
	(pc) =	sbr.rel @p0 .LBB2_4-.Ltmp2, $4  }
0x89: {  	_ =	swait.ge [sflag:s25], $0x1400  }
0x8a: {  	[sflag:s25] =	ssyncset.done $0x0  }
0x8b: {  	s10 =	sadd.s32 $0x16878, s3;
	[sflag:s25] =	ssyncadd.s32 $0xFFFFEC00  }
0x8c: {  	[spmem:s2] =	stream.indirect.scatter.add.f32 [tilespmem:s28], [sflag:$0xA], $0x80, s10, s13, $0xb8;
	[tilespmem:$0x1F220] =	vst v63  }
.Ltmp3:
0x8d: {  	(pc) =	sbr.rel .LBB2_2-.Ltmp3, $4  }
0x8e: {  	_ =	swait.ge [sflag:s30], $0x1400  }
0x8f: {  	[sflag:s30] =	ssyncset.done $0x0  }
0x90: {  	s3 =	sadd.s32 $0x141E0, s3;
	s0 =	sadd.s32 $0x320, s0;
	[sflag:s30] =	ssyncadd.s32 $0xFFFFEC00  }
0x91: {  	[tilespmem:s18], [sflag:$0x3] =	stream.indirect.gather [hbm4b:s4+s13], $0x80, s3, s13, $0xb8;
	[tilespmem:$0x1F220] =	vst v63  }
.LBB2_5:
0x92: {  	_ =	sfence.sel $0x180000  }
0x93: {  	[bflag:$0x0] =	sbarrier.arrive $0xFFFF  }
0x94: {  	_ =	strace $0x9000004A  }
0x95: {  	s0 =	stileid.u32;
	[bflag:$0x2] =	sbarrier.arrive $0xFFFF  }
0x96: {  	p0 =	sne.s32 s0, $0x0;
	s0 =	rddreg [dreg:$0x2]  }
0x97: {  	s0 =	sadd.s32 @!p0 $0x100000, s0  }
0x98: {  	[sflag:s0] =	ssyncadd.tile.s32 @!p0 $0x1;
	_ =	shalt  }
.Lfunc_end2:
_tile_overlayer_lowered:
.L_overlay_start_2:
0x99: {  	(tag) =	ssettag $0x2  }
0x9a: {  	s0 =	rddreg [dreg:$0x0];
	s2 =	stileid.u32  }
0x9b: {  	s1 =	rddreg [dreg:$0x1];
	p0 =	sne.s32 s2, $0x0  }
0x9c: {  	s3 =	rddreg [dreg:$0x2];
	[bflag:$0x3] =	sbarrier.arrive $0xFFFF;
	s2 =	simm.s32 @!p0 $0x1C0B  }
0x9d: {  	[timem:s3], [sflag:s2] =	dma.local @!p0 [hbm:s0], s1  }
0x9e: {  	s0 =	simm.s32 @!p0 $0xB  }
0x9f: {  	_ =	swait.ge @!p0 [sflag:s0], s1  }
0xa0: {  	s1 =	ssub.s32 @!p0 $0x0, s1;
	[sflag:s0] =	ssyncset.done @!p0 $0x0  }
0xa1: {  	[sflag:s0] =	ssyncadd.s32 @!p0 s1  }
0xa2: {  	[bflag:$0x3] =	sbarrier.arrive $0xFFFF  }
0xa3: {  	_ =	shalt  }

// kernel: kernel.14.cloned.1.call-start
scs
__scs_entry_jumppad:
0x0: {  	(pc) =	sbr.rel $0x88, $3  }
0x1: {  	(tag) =	ssettag $0x0;
	lr =	simm.s32 $0x1  }
0x2: {  	[smem:$0x3F98] =	sst lr;
	_ =	strace $0xD0000000  }
0x3: {  	_ = 	snop  }
0x4: {  	_ = 	snop  }
0x5: {  	_ = 	snop  }
0x6: {  	_ = 	snop  }
0x7: {  	_ = 	snop  }
__scs_overlays_trampoline_lowered:
0x8: {  	[smem:$0x3FA7] =	sst s0  }
0x9: {  	[smem:$0x3FA8] =	sst s1  }
0xa: {  	[smem:$0x3FA9] =	sst s2  }
0xb: {  	[smem:$0x3FAA] =	sst s3  }
0xc: {  	[smem:$0x3FAB] =	sst s4  }
0xd: {  	[smem:$0x3FAC] =	sst s5  }
0xe: {  	[smem:$0x3FAD] =	sst s6  }
0xf: {  	[smem:$0x3FAE] =	sst s7  }
0x10: {  	[smem:$0x3FAF] =	sst s8  }
0x11: {  	[smem:$0x3FB0] =	sst s9;
	s0 =	simm.s32 @!p0 $0x0  }
0x12: {  	s1 =	sld [smem:$0x3F96];
	s0 =	simm.s32 @p0 $0x1  }
0x13: {  	[smem:$0x3FB1] =	sst s0;
	s0 =	simm.s32 @!p1 $0x0  }
0x14: {  	s2 =	sld [smem:$0x3F95];
	s0 =	simm.s32 @p1 $0x1  }
0x15: {  	[smem:$0x3FB2] =	sst s0;
	s0 =	simm.s32 @!p2 $0x0  }
0x16: {  	s3 =	sld [smem:$0x3FDB];
	s0 =	simm.s32 @p2 $0x1  }
0x17: {  	s4 =	simm.s32 $0x1BF5;
	[smem:$0x3FB4] =	sst s0  }
0x18: {  	s0 =	sld [smem:$0x3F97];
	_ =	swait.ge [sflag:s4], $0x0  }
0x19: {  	s7 =	sld [smem:$0x3F98]  }
0x1a: {  	s8 =	sadd.s32 $0xFFFFE003, lr  }
0x1b: {  	s9 =	sadd.s32 $0xFFFFFEF7, lr;
	s5 =	simm.s32 $0xFFFFFFFF;
	p2 =	slt.u32 s8, $0xFFFFF086  }
0x1c: {  	p1 =	slt.u32 s9, $0xF7A;
	s5 =	simm.s32 @!p2 $0x0  }
0x1d: {  	s5 =	simm.s32 @p1 $0x1;
	p0 =	seq.s32 s7, s2  }
0x1e: {  	s7 =	smul.u32 @!p0 $0xF7A, s2;
	p2 =	seq.s32 @!p0 s5, $0x0  }
0x1f: {  	s9 =	smul.u32 $0xF7A, s1;
	s8 =	simm.s32 @!p0 $0x1BF5;
	p2 =	por !p2, p0  }
0x20: {  	[sflag:s8] =	ssyncset.s32 @!p0 $0xFFFFF086;
	s6 =	sadd.s32 @!p0 s3, s7;
	s7 =	simm.s32 @!p0 $0x108  }
0x21: {  	s3 =	sadd.s32 s3, s9;
	s6 =	sadd.s32 @!p0 $0x88, s6;
	s7 =	simm.s32 @p2 $0x1082  }
0x22: {  	[simem:s7], [sflag:s8] =	dma.local @!p0 [hbm:s6], $0xF7A  }
0x23: {  	s9 =	sor.u32 $0xD0000000, s2;
	s6 =	simm.s32 $0x108;
	_ =	swait.ge @!p0 [sflag:s8], $0x0  }
0x24: {  	s3 =	sadd.s32 $0x88, s3;
	s6 =	simm.s32 @!p1 $0x1082;
	[sflag:s4] =	ssyncset.s32 $0xFFFFF086  }
0x25: {  	[simem:s6], [sflag:s4] =	dma.local [hbm:s3], $0xF7A  }
0x26: {  	[smem:$0x3F98] =	sst s1;
	(tag) =	ssettag s2;
	_ =	strace s9  }
0x27: {  	s1 =	sld [smem:$0x3FA8]  }
0x28: {  	s2 =	sld [smem:$0x3FA9]  }
0x29: {  	s4 =	sld [smem:$0x3FAB]  }
0x2a: {  	p0 =	seq.s32 s5, $0x0;
	s5 =	sld [smem:$0x3FAC]  }
0x2b: {  	s6 =	sld [smem:$0x3FAD]  }
0x2c: {  	s7 =	sld [smem:$0x3FAE]  }
0x2d: {  	s3 =	simm.s32 $0x108;
	s8 =	sld [smem:$0x3FAF]  }
0x2e: {  	s3 =	simm.s32 @!p0 $0x1082;
	s9 =	sld [smem:$0x3FB0]  }
0x2f: {  	lr =	sadd.s32 s0, s3;
	s0 =	sld [smem:$0x3FA7]  }
0x30: {  	s3 =	sld [smem:$0x3FAA]  }
0x31: {  	[smem:$0x3FB3] =	sst s10  }
0x32: {  	s10 =	sld [smem:$0x3FB1];
	_ =	sdelay $0x3  }
0x33: {  	p0 =	seq.s32 s10, $0x1;
	s10 =	sld [smem:$0x3FB3];
	_ =	sdelay $0x3  }
0x34: {  	[smem:$0x3FB3] =	sst s10  }
0x35: {  	s10 =	sld [smem:$0x3FB2];
	_ =	sdelay $0x3  }
0x36: {  	p1 =	seq.s32 s10, $0x1;
	s10 =	sld [smem:$0x3FB3];
	_ =	sdelay $0x3  }
0x37: {  	[smem:$0x3FB3] =	sst s10  }
0x38: {  	s10 =	sld [smem:$0x3FB4]  }
0x39: {  	_ = 	snop;
	(pc) =	sbr.ind lr, $3  }
0x3a: {  	_ = 	snop  }
0x3b: {  	_ = 	snop  }
0x3c: {  	p2 =	seq.s32 s10, $0x1;
	s10 =	sld [smem:$0x3FB3]  }
0x3d: {  	_ =	shalt  }
0x3e: {  	_ =	shalt  }
0x3f: {  	_ =	shalt  }
0x40: {  	_ =	shalt  }
0x41: {  	_ =	shalt  }
0x42: {  	_ =	shalt  }
0x43: {  	_ =	shalt  }
0x44: {  	_ =	shalt  }
0x45: {  	_ =	shalt  }
0x46: {  	_ =	shalt  }
0x47: {  	_ =	shalt  }
0x48: {  	_ =	shalt  }
0x49: {  	_ =	shalt  }
0x4a: {  	_ =	shalt  }
0x4b: {  	_ =	shalt  }
0x4c: {  	_ =	shalt  }
0x4d: {  	_ =	shalt  }
0x4e: {  	_ =	shalt  }
0x4f: {  	_ =	shalt  }
0x50: {  	_ =	shalt  }
0x51: {  	_ =	shalt  }
0x52: {  	_ =	shalt  }
0x53: {  	_ =	shalt  }
0x54: {  	_ =	shalt  }
0x55: {  	_ =	shalt  }
0x56: {  	_ =	shalt  }
0x57: {  	_ =	shalt  }
0x58: {  	_ =	shalt  }
0x59: {  	_ =	shalt  }
0x5a: {  	_ =	shalt  }
0x5b: {  	_ =	shalt  }
0x5c: {  	_ =	shalt  }
0x5d: {  	_ =	shalt  }
0x5e: {  	_ =	shalt  }
0x5f: {  	_ =	shalt  }
0x60: {  	_ =	shalt  }
0x61: {  	_ =	shalt  }
0x62: {  	_ =	shalt  }
0x63: {  	_ =	shalt  }
0x64: {  	_ =	shalt  }
0x65: {  	_ =	shalt  }
0x66: {  	_ =	shalt  }
0x67: {  	_ =	shalt  }
0x68: {  	_ =	shalt  }
0x69: {  	_ =	shalt  }
0x6a: {  	_ =	shalt  }
0x6b: {  	_ =	shalt  }
0x6c: {  	_ =	shalt  }
0x6d: {  	_ =	shalt  }
0x6e: {  	_ =	shalt  }
0x6f: {  	_ =	shalt  }
0x70: {  	_ =	shalt  }
0x71: {  	_ =	shalt  }
0x72: {  	_ =	shalt  }
0x73: {  	_ =	shalt  }
0x74: {  	_ =	shalt  }
0x75: {  	_ =	shalt  }
0x76: {  	_ =	shalt  }
0x77: {  	_ =	shalt  }
0x78: {  	_ =	shalt  }
0x79: {  	_ =	shalt  }
0x7a: {  	_ =	shalt  }
0x7b: {  	_ =	shalt  }
0x7c: {  	_ =	shalt  }
0x7d: {  	_ =	shalt  }
0x7e: {  	_ =	shalt  }
0x7f: {  	_ =	shalt  }
0x80: {  	_ =	shalt  }
0x81: {  	_ =	shalt  }
0x82: {  	_ =	shalt  }
0x83: {  	_ =	shalt  }
0x84: {  	_ =	shalt  }
0x85: {  	_ =	shalt  }
0x86: {  	_ =	shalt  }
0x87: {  	_ =	shalt  }
.Lfunc_end0:
.L_simem_size_0:
called_computation.2_lowered:
.L_overlay_start_0:
0x88: {  	s2 =	sld [smem:$0x3FD9]  }
0x89: {  	s3 =	sld [smem:$0x3FFE];
	_ =	sdelay $0x1  }
0x8a: {  	s1 =	srdreg.scid  }
0x8b: {  	s0 =	sand.u32 $0x1, s1  }
0x8c: {  	s16 =	sshll.u32 s0, $0xA;
	s2 =	sadd.s32 s3, s2  }
0x8d: {  	s2 =	sadd.s32 s2, s16  }
0x8e: {  	[smem:$0x3FBF] =	sst s2  }
0x8f: {  	_ = 	snop  }
0x90: {  	(tm) =	ssettm $0x1  }
0x91: {  	s17 =	sld [smem:$0x3FFB];
	_ =	sdelay $0x3  }
0x92: {  	_ =	strace s17  }
0x93: {  	s2 =	sld [smem:$0x3FFC];
	_ =	sdelay $0x3  }
0x94: {  	_ =	strace s2  }
0x95: {  	s2 =	sld [smem:$0x3FFD];
	_ =	sdelay $0x3  }
0x96: {  	_ =	strace s2  }
0x97: {  	_ =	strace $0x8FFFFFFF  }
0x98: {  	s18 =	sld [smem:$0x3FDB];
	_ =	sdelay $0x1  }
0x99: {  	s19 =	simm.s32 $_scs_section_size  }
0x9a: {  	s4 =	simm.s32 $_size__tile_overlayer_lowered;
	s5 =	simm.s32 $_tile_overlayer_lowered  }
0x9b: {  	s22 =	simm.s32 $0x1BFF;
	s21 =	sshll.u32 s5, $0x1;
	s2 =	sadd.s32 s19, s18  }
0x9c: {  	s6 =	simm.s32 $0x0;
	s20 =	sshll.u32 s4, $0x1;
	s4 =	sadd.s32 s21, s2  }
0x9d: {  	[timem:s6], [sflag:s22] =	dma.local [hbm:s4], s20  }
0x9e: {  	_ =	swait.ge [sflag:s22], s20  }
0x9f: {  	s3 =	ssub.s32 $0x0, s20;
	[sflag:s22] =	ssyncset.done $0x0  }
0xa0: {  	[sflag:s22] =	ssyncadd.s32 s3;
	_ =	sdelay $0x1  }
0xa1: {  	s23 =	simm.s32 $0x1B8B  }
0xa2: {  	_ =	swait.ge [sflag:s23], $0x1  }
0xa3: {  	[sflag:s23] =	ssyncset.done $0x0  }
0xa4: {  	s25 =	simm.s32 $0x1B8E;
	s24 =	sld [smem:$0x3FFE];
	[sflag:s23] =	ssyncadd.s32 $0xFFFFFFFF  }
0xa5: {  	s26 =	simm.s32 $execute0_lowered;
	[smem:$0x3FD2] =	sst s25  }
0xa6: {  	s4 =	sshll.u32 s26, $0x1;
	_ =	strace $0x8000004C;
	[dreg:$0x1] =	wrdreg $0xFFFFFFFF  }
0xa7: {  	s28 =	simm.s32 $_size_execute0_lowered;
	s2 =	sadd.s32 s2, s4;
	[dreg:$0x0] =	wrdreg $0x0  }
0xa8: {  	s4 =	sshll.u32 s28, $0x1;
	[dreg:$0x2] =	wrdreg s2  }
0xa9: {  	[dreg:$0x3] =	wrdreg s4  }
0xaa: {  	[dreg:$0x4] =	wrdreg $0xC0  }
0xab: {  	_ =	task [dreg:s6], $0x5FFFF  }
0xac: {  	[dreg:$0x1] =	wrdreg $0xFFFFFFFF  }
0xad: {  	[dreg:$0x0] =	wrdreg $0x60  }
0xae: {  	[dreg:$0x2] =	wrdreg s24  }
0xaf: {  	[dreg:$0x3] =	wrdreg $0x0  }
0xb0: {  	[dreg:$0x4] =	wrdreg $0x9  }
0xb1: {  	_ =	task.clear_ibuf [dreg:s6], $0x5FFFF;
	_ =	strace $0x9000004C  }
0xb2: {  	s29 =	simm.s32 $0x9;
	_ =	strace $0x8000004E  }
0xb3: {  	_ =	swait.ge [sflag:s29], $0x1  }
0xb4: {  	[sflag:s29] =	ssyncadd.s32 $0xFFFFFFFF  }
0xb5: {  	_ =	strace $0x9000004E  }
0xb6: {  	_ =	sfence  }
0xb7: {  	s30 =	sld [smem:$0x0];
	_ =	sdelay $0x2  }
0xb8: {  	s31 =	sshll.u32 s1, $0xD;
	s1 =	sshrl.u32 s1, $0x2  }
0xb9: {  	s3 =	sand.u32 $0x4000, s31;
	s1 =	sadd.s32 s1, s30  }
0xba: {  	s0 =	sor.u32 s3, s0;
	s1 =	sshll.u32 s1, $0x11  }
0xbb: {  	s0 =	sor.u32 s1, s0  }
0xbc: {  	s0 =	sadd.s32 $0x8F2B, s0  }
0xbd: {  	[sflag:s0] =	ssyncadd.remote.s32 $0x1  }
0xbe: {  	_ =	sfence.sel $0xFFFF  }
0xbf: {  	[dreg:$0x0] =	wrdreg $0xFFFFFFFF;
	(pc) =	sbr.abs _section_cstart, $3  }
0xc0: {  	[dreg:$0x1] =	wrdreg $0xFFFFFFFF  }
0xc1: {  	_ =	task.clear_ibuf [dreg:s6], $0x2FFFF;
	_ =	strace $0x9FFFFFFF  }
0xc2: {  	(tm) =	ssettm $0x7FFFFFFF  }
0xc3: {  	_ =	shalt  }
tec
execute0_lowered:
.L_overlay_start_1:
0x0: {  	(tag) =	ssettag $0x1  }
0x1: {  	s0 =	rddreg [dreg:$0x0]  }
0x2: {  	s2 =	rddreg [dreg:$0x1]  }
0x3: {  	s1 =	srdreg.scid;
	s10 =	stileid.u32;
	s4 =	simm.s32 $0x0  }
0x4: {  	s11 =	simm.s32 $0xB;
	s12 =	simm.s32 $0xC710;
	s13 =	simm.s32 $0x50  }
0x5: {  	s14 =	simm.s32 $0xEE20;
	s16 =	simm.s32 $0x10220;
	s18 =	simm.s32 $0x11620  }
0x6: {  	s21 =	simm.s32 $0x1;
	s28 =	simm.s32 $0x13E20;
	s29 =	simm.s32 $0x3  }
0x7: {  	s31 =	simm.s32 $0x6;
	s17 =	simm.s32 $0x7;
	s30 =	simm.s32 $0x8  }
0x8: {  	s15 =	simm.s32 $0x9;
	s22 =	simm.s32 $0xA;
	s1 =	sand.u32 $0x1, s1  }
0x9: {  	s8 =	smul.u32 $0xA000, s10;
	[smem:$0x7FF] =	sst s4;
	s4 =	sadd.s32 $0x15A00, s0  }
0xa: {  	s23 =	sadd.s32 $0x29400, s0;
	s26 =	sshll.u32 s10, $0x6;
	s3 =	sshll.u32 s1, $0x4  }
0xb: {  	s5 =	smul.u32 $0xA0000, s1;
	_ =	strace $0x8000004D;
	s1 =	ssub.s32 $0x2, s1  }
0xc: {  	[dreg:$0x3] =	wrdreg s23;
	s19 =	sor.u32 $0x1C0B, s26;
	s23 =	simm.s32 $0x12A20  }
0xd: {  	s26 =	simm.s32 $0x0;
	s3 =	sor.u32 s10, s3;
	s7 =	sshrl.u32 s1, $0x1  }
0xe: {  	s25 =	sadd.s32 s8, s2;
	s3 =	smul.u32 $0x4E2, s3;
	s5 =	sadd.s32 s8, s5  }
.Ltmp0:
0xf: {  	s1 =	ssub.s32 s1, s7;
	s20 =	sshrl.u32 s25, $0x3;
	(pc) =	sbr.rel .LBB2_1-.Ltmp0, $4  }
0x10: {  	s25 =	simm.s32 $0x5;
	s6 =	sshrl.u32 s5, $0x3;
	s3 =	sadd.s32 s3, s0  }
0x11: {  	s9 =	smax.u32 s1, $0x1;
	s1 =	simm.s32 $0x4;
	s24 =	sadd.s32 $0x1E00, s3  }
0x12: {  	s0 =	sadd.s32 s6, s0;
	s3 =	sadd.s32 $0xBC00, s3;
	[dreg:$0x4] =	wrdreg s24  }
0x13: {  	s8 =	sadd.s32 $0x2A800, s0;
	[dreg:$0x5] =	wrdreg s3;
	s24 =	simm.s32 $0x2  }
.LBB2_4:
0x14: {  	_ =	swait.ge [sflag:s31], $0x1400  }
0x15: {  	[sflag:s31] =	ssyncset.done $0x0  }
0x16: {  	[sflag:s31] =	ssyncadd.s32 $0xFFFFEC00  }
0x17: {  	_ =	swait.ge [sflag:s17], $0x1400  }
0x18: {  	[sflag:s17] =	ssyncset.done $0x0  }
0x19: {  	[sflag:s17] =	ssyncadd.s32 $0xFFFFEC00  }
0x1a: {  	_ =	swait.ge [sflag:s30], $0x1400  }
0x1b: {  	[sflag:s30] =	ssyncset.done $0x0  }
0x1c: {  	[sflag:s30] =	ssyncadd.s32 $0xFFFFEC00  }
0x1d: {  	_ =	swait.ge [sflag:s15], $0x1400  }
0x1e: {  	[sflag:s15] =	ssyncset.done $0x0  }
0x1f: {  	[sflag:s15] =	ssyncadd.s32 $0xFFFFEC00  }
0x20: {  	_ =	swait.ge [sflag:s22], $0x1400  }
0x21: {  	s26 =	sadd.s32 $0x1, s26;
	[sflag:s22] =	ssyncset.done $0x0  }
0x22: {  	p0 =	sne.s32 s26, s9;
	[sflag:s22] =	ssyncadd.s32 $0xFFFFEC00  }
.Ltmp1:
0x23: {  	[bflag:$0x0] =	sbarrier.arrive $0xFFFF;
	(pc) =	sbr.rel @!p0 .LBB2_5-.Ltmp1, $4  }
0x24: {  	[hbm:s8], [sflag:s19] =	dma.local [spmem:s20], $0x1400  }
0x25: {  	_ =	swait.ge [sflag:s11], $0x1400  }
0x26: {  	[sflag:s11] =	ssyncset.done $0x0  }
0x27: {  	[sflag:s11] =	ssyncadd.s32 $0xFFFFEC00  }
.LBB2_1:
0x28: {  	s0 =	simm.s32 $0x0;
	s3 =	rddreg [dreg:$0x4];
	s5 =	simm.s32 $0xA000  }
0x29: {  	[tilespmem:s5], [sflag:$0xB] =	stream.linear.gather [hbm4b:s3+s0], $0x2710, $0x38;
	[tilespmem:$0x15220] =	vst v63  }
0x2a: {  	_ =	swait.ge [sflag:s11], $0x2710  }
0x2b: {  	[sflag:s11] =	ssyncset.done $0x0  }
0x2c: {  	s6 =	rddreg [dreg:$0x5];
	[sflag:s11] =	ssyncadd.s32 $0xFFFFD8F0  }
0x2d: {  	[tilespmem:s12], [sflag:$0xB] =	stream.linear.gather [hbm4b:s6+s0], $0x2710, $0x38;
	[tilespmem:$0x15220] =	vst v63  }
0x2e: {  	_ =	swait.ge [sflag:s11], $0x2710  }
0x2f: {  	[sflag:s11] =	ssyncset.done $0x0  }
0x30: {  	[sflag:s11] =	ssyncadd.s32 $0xFFFFD8F0  }
0x31: {  	[tilespmem:s14], [sflag:$0x1] =	stream.indirect.gather [hbm4b:s4+s13], $0x40, s5, s13, $0xb8;
	[tilespmem:$0x15220] =	vst v63  }
0x32: {  	s7 =	simm.s32 $0xA050  }
0x33: {  	[tilespmem:s16], [sflag:$0x2] =	stream.indirect.gather [hbm4b:s4+s13], $0x40, s7, s13, $0xb8;
	[tilespmem:$0x15220] =	vst v63  }
0x34: {  	s10 =	simm.s32 $0xA0A0;
	s3 =	rddreg [dreg:$0x3]  }
0x35: {  	[tilespmem:s18], [sflag:$0x3] =	stream.indirect.gather [hbm4b:s4+s13], $0x40, s10, s13, $0xb8;
	[tilespmem:$0x15220] =	vst v63  }
0x36: {  	[spmem:s20], [sflag:s19] =	dma.local [hbm:s3], $0x1400  }
0x37: {  	_ =	swait.ge [sflag:s11], $0x1400  }
0x38: {  	[sflag:s11] =	ssyncset.done $0x0  }
0x39: {  	[sflag:s11] =	ssyncadd.s32 $0xFFFFEC00  }
0x3a: {  	[bflag:$0x0] =	sbarrier.arrive $0xFFFF  }
0x3b: {  	_ =	swait.ge [sflag:s21], $0x1400  }
0x3c: {  	[sflag:s21] =	ssyncset.done $0x0  }
0x3d: {  	[sflag:s21] =	ssyncadd.s32 $0xFFFFEC00  }
0x3e: {  	[spmem:s2] =	stream.indirect.scatter.add.f32 [tilespmem:s14], [sflag:$0x6], $0x40, s12, s13, $0xb8;
	[tilespmem:$0x15220] =	vst v63  }
0x3f: {  	s5 =	simm.s32 $0xA0F0  }
0x40: {  	[tilespmem:s23], [sflag:$0x4] =	stream.indirect.gather [hbm4b:s4+s13], $0x40, s5, s13, $0xb8;
	[tilespmem:$0x15220] =	vst v63  }
0x41: {  	_ =	swait.ge [sflag:s24], $0x1400  }
0x42: {  	[sflag:s24] =	ssyncset.done $0x0  }
0x43: {  	s6 =	simm.s32 $0xC760;
	[sflag:s24] =	ssyncadd.s32 $0xFFFFEC00  }
0x44: {  	[spmem:s2] =	stream.indirect.scatter.add.f32 [tilespmem:s16], [sflag:$0x7], $0x40, s6, s13, $0xb8;
	[tilespmem:$0x15220] =	vst v63  }
0x45: {  	s7 =	simm.s32 $0xA140  }
0x46: {  	[tilespmem:s28], [sflag:$0x5] =	stream.indirect.gather [hbm4b:s4+s13], $0x40, s7, s13, $0xb8;
	[tilespmem:$0x15220] =	vst v63  }
0x47: {  	_ =	swait.ge [sflag:s29], $0x1400  }
0x48: {  	[sflag:s29] =	ssyncset.done $0x0  }
0x49: {  	s10 =	simm.s32 $0xC7B0;
	[sflag:s29] =	ssyncadd.s32 $0xFFFFEC00  }
0x4a: {  	[spmem:s2] =	stream.indirect.scatter.add.f32 [tilespmem:s18], [sflag:$0x8], $0x40, s10, s13, $0xb8;
	[tilespmem:$0x15220] =	vst v63  }
0x4b: {  	_ =	swait.ge [sflag:s31], $0x1400  }
0x4c: {  	[sflag:s31] =	ssyncset.done $0x0  }
0x4d: {  	s3 =	simm.s32 $0xA190;
	[sflag:s31] =	ssyncadd.s32 $0xFFFFEC00  }
0x4e: {  	[tilespmem:s14], [sflag:$0x1] =	stream.indirect.gather [hbm4b:s4+s13], $0x40, s3, s13, $0xb8;
	[tilespmem:$0x15220] =	vst v63  }
0x4f: {  	_ =	swait.ge [sflag:s1], $0x1400  }
0x50: {  	[sflag:s1] =	ssyncset.done $0x0  }
0x51: {  	s5 =	simm.s32 $0xC800;
	[sflag:s1] =	ssyncadd.s32 $0xFFFFEC00  }
0x52: {  	[spmem:s2] =	stream.indirect.scatter.add.f32 [tilespmem:s23], [sflag:$0x9], $0x40, s5, s13, $0xb8;
	[tilespmem:$0x15220] =	vst v63  }
0x53: {  	_ =	swait.ge [sflag:s17], $0x1400  }
0x54: {  	[sflag:s17] =	ssyncset.done $0x0  }
0x55: {  	s6 =	simm.s32 $0xA1E0;
	[sflag:s17] =	ssyncadd.s32 $0xFFFFEC00  }
0x56: {  	[tilespmem:s16], [sflag:$0x2] =	stream.indirect.gather [hbm4b:s4+s13], $0x40, s6, s13, $0xb8;
	[tilespmem:$0x15220] =	vst v63  }
0x57: {  	_ =	swait.ge [sflag:s25], $0x1400  }
0x58: {  	[sflag:s25] =	ssyncset.done $0x0  }
0x59: {  	s7 =	simm.s32 $0xC850;
	[sflag:s25] =	ssyncadd.s32 $0xFFFFEC00  }
0x5a: {  	[spmem:s2] =	stream.indirect.scatter.add.f32 [tilespmem:s28], [sflag:$0xA], $0x40, s7, s13, $0xb8;
	[tilespmem:$0x15220] =	vst v63  }
0x5b: {  	_ =	swait.ge [sflag:s30], $0x1400  }
0x5c: {  	[sflag:s30] =	ssyncset.done $0x0  }
0x5d: {  	s0 =	simm.s32 $0x0;
	s10 =	simm.s32 $0xA230;
	[sflag:s30] =	ssyncadd.s32 $0xFFFFEC00  }
0x5e: {  	[tilespmem:s18], [sflag:$0x3] =	stream.indirect.gather [hbm4b:s4+s13], $0x40, s10, s13, $0xb8;
	[tilespmem:$0x15220] =	vst v63  }
.LBB2_2:
0x5f: {  	_ =	swait.ge [sflag:s21], $0x1400  }
0x60: {  	s3 =	sshra.s32 s0, $0x2;
	[sflag:s21] =	ssyncset.done $0x0  }
0x61: {  	s5 =	sadd.s32 $0xC8A0, s3;
	[sflag:s21] =	ssyncadd.s32 $0xFFFFEC00  }
0x62: {  	[spmem:s2] =	stream.indirect.scatter.add.f32 [tilespmem:s14], [sflag:$0x6], $0x40, s5, s13, $0xb8;
	[tilespmem:$0x15220] =	vst v63  }
0x63: {  	_ =	swait.ge [sflag:s15], $0x1400  }
0x64: {  	[sflag:s15] =	ssyncset.done $0x0  }
0x65: {  	s7 =	sadd.s32 $0xA280, s3;
	[sflag:s15] =	ssyncadd.s32 $0xFFFFEC00  }
0x66: {  	[tilespmem:s23], [sflag:$0x4] =	stream.indirect.gather [hbm4b:s4+s13], $0x40, s7, s13, $0xb8;
	[tilespmem:$0x15220] =	vst v63  }
0x67: {  	_ =	swait.ge [sflag:s24], $0x1400  }
0x68: {  	[sflag:s24] =	ssyncset.done $0x0  }
0x69: {  	s10 =	sadd.s32 $0xC8F0, s3;
	[sflag:s24] =	ssyncadd.s32 $0xFFFFEC00  }
0x6a: {  	[spmem:s2] =	stream.indirect.scatter.add.f32 [tilespmem:s16], [sflag:$0x7], $0x40, s10, s13, $0xb8;
	[tilespmem:$0x15220] =	vst v63  }
0x6b: {  	_ =	swait.ge [sflag:s22], $0x1400  }
0x6c: {  	[sflag:s22] =	ssyncset.done $0x0  }
0x6d: {  	s6 =	sadd.s32 $0xA2D0, s3;
	[sflag:s22] =	ssyncadd.s32 $0xFFFFEC00  }
0x6e: {  	[tilespmem:s28], [sflag:$0x5] =	stream.indirect.gather [hbm4b:s4+s13], $0x40, s6, s13, $0xb8;
	[tilespmem:$0x15220] =	vst v63  }
0x6f: {  	_ =	swait.ge [sflag:s29], $0x1400  }
0x70: {  	p0 =	seq.s32 s0, $0x8FC0;
	[sflag:s29] =	ssyncset.done $0x0  }
0x71: {  	s5 =	simm.s32 @p0 $0x4;
	s7 =	sadd.s32 $0xC940, s3;
	[sflag:s29] =	ssyncadd.s32 $0xFFFFEC00  }
0x72: {  	[spmem:s2] =	stream.indirect.scatter.add.f32 [tilespmem:s18], [sflag:$0x8], $0x40, s7, s13, $0xb8;
	[tilespmem:$0x15220] =	vst v63  }
0x73: {  	_ =	swait.ge @p0 [sflag:s5], $0x1400  }
0x74: {  	[sflag:s5] =	ssyncset.done @p0 $0x0  }
0x75: {  	[sflag:s5] =	ssyncadd.s32 @p0 $0xFFFFEC00;
	s5 =	sshra.s32 @p0 s0, $0x2  }
0x76: {  	s6 =	simm.s32 @p0 $0x50;
	s7 =	simm.s32 @p0 $0x12A20;
	s5 =	sadd.s32 @p0 $0xC990, s5  }
0x77: {  	[spmem:s2] =	stream.indirect.scatter.add.f32 @p0 [tilespmem:s7], [sflag:$0x9], $0x40, s5, s6, $0xb8;
	[tilespmem:$0x15220] =	vst v63  }
0x78: {  	s5 =	simm.s32 @!p0 $0x6  }
0x79: {  	_ =	swait.ge @!p0 [sflag:s5], $0x1400  }
0x7a: {  	[sflag:s5] =	ssyncset.done @!p0 $0x0  }
0x7b: {  	[sflag:s5] =	ssyncadd.s32 @!p0 $0xFFFFEC00;
	s5 =	sshra.s32 @!p0 s0, $0x2  }
0x7c: {  	s10 =	simm.s32 @!p0 $0xEE20;
	s7 =	simm.s32 @!p0 $0x50;
	s6 =	sadd.s32 @!p0 $0xA320, s5  }
0x7d: {  	[tilespmem:s10], [sflag:$0x1] =	stream.indirect.gather @!p0 [hbm4b:s4+s7], $0x40, s6, s7, $0xb8;
	[tilespmem:$0x15220] =	vst v63  }
0x7e: {  	s6 =	simm.s32 @!p0 $0x4  }
0x7f: {  	_ =	swait.ge @!p0 [sflag:s6], $0x1400  }
0x80: {  	[sflag:s6] =	ssyncset.done @!p0 $0x0  }
0x81: {  	s10 =	simm.s32 @!p0 $0x12A20;
	[sflag:s6] =	ssyncadd.s32 @!p0 $0xFFFFEC00;
	s6 =	sadd.s32 @!p0 $0xC990, s5  }
0x82: {  	[spmem:s2] =	stream.indirect.scatter.add.f32 @!p0 [tilespmem:s10], [sflag:$0x9], $0x40, s6, s7, $0xb8;
	[tilespmem:$0x15220] =	vst v63  }
0x83: {  	s6 =	simm.s32 @!p0 $0x7  }
0x84: {  	_ =	swait.ge @!p0 [sflag:s6], $0x1400  }
0x85: {  	[sflag:s6] =	ssyncset.done @!p0 $0x0  }
0x86: {  	s5 =	sadd.s32 @!p0 $0xA370, s5;
	[sflag:s6] =	ssyncadd.s32 @!p0 $0xFFFFEC00;
	s6 =	simm.s32 @!p0 $0x10220  }
0x87: {  	[tilespmem:s6], [sflag:$0x2] =	stream.indirect.gather @!p0 [hbm4b:s4+s7], $0x40, s5, s7, $0xb8;
	[tilespmem:$0x15220] =	vst v63  }
.Ltmp2:
0x88: {  	_ = 	snop;
	(pc) =	sbr.rel @p0 .LBB2_4-.Ltmp2, $4  }
0x89: {  	_ =	swait.ge [sflag:s25], $0x1400  }
0x8a: {  	[sflag:s25] =	ssyncset.done $0x0  }
0x8b: {  	s10 =	sadd.s32 $0xC9E0, s3;
	[sflag:s25] =	ssyncadd.s32 $0xFFFFEC00  }
0x8c: {  	[spmem:s2] =	stream.indirect.scatter.add.f32 [tilespmem:s28], [sflag:$0xA], $0x40, s10, s13, $0xb8;
	[tilespmem:$0x15220] =	vst v63  }
.Ltmp3:
0x8d: {  	(pc) =	sbr.rel .LBB2_2-.Ltmp3, $4  }
0x8e: {  	_ =	swait.ge [sflag:s30], $0x1400  }
0x8f: {  	[sflag:s30] =	ssyncset.done $0x0  }
0x90: {  	s3 =	sadd.s32 $0xA3C0, s3;
	s0 =	sadd.s32 $0x640, s0;
	[sflag:s30] =	ssyncadd.s32 $0xFFFFEC00  }
0x91: {  	[tilespmem:s18], [sflag:$0x3] =	stream.indirect.gather [hbm4b:s4+s13], $0x40, s3, s13, $0xb8;
	[tilespmem:$0x15220] =	vst v63  }
.LBB2_5:
0x92: {  	_ =	sfence.sel $0x180000  }
0x93: {  	[bflag:$0x0] =	sbarrier.arrive $0xFFFF  }
0x94: {  	_ =	strace $0x9000004D  }
0x95: {  	s0 =	stileid.u32;
	[bflag:$0x2] =	sbarrier.arrive $0xFFFF  }
0x96: {  	p0 =	sne.s32 s0, $0x0;
	s0 =	rddreg [dreg:$0x2]  }
0x97: {  	s0 =	sadd.s32 @!p0 $0x100000, s0  }
0x98: {  	[sflag:s0] =	ssyncadd.tile.s32 @!p0 $0x1;
	_ =	shalt  }
.Lfunc_end2:
_tile_overlayer_lowered:
.L_overlay_start_2:
0x99: {  	(tag) =	ssettag $0x2  }
0x9a: {  	s0 =	rddreg [dreg:$0x0];
	s2 =	stileid.u32  }
0x9b: {  	s1 =	rddreg [dreg:$0x1];
	p0 =	sne.s32 s2, $0x0  }
0x9c: {  	s3 =	rddreg [dreg:$0x2];
	[bflag:$0x3] =	sbarrier.arrive $0xFFFF;
	s2 =	simm.s32 @!p0 $0x1C0B  }
0x9d: {  	[timem:s3], [sflag:s2] =	dma.local @!p0 [hbm:s0], s1  }
0x9e: {  	s0 =	simm.s32 @!p0 $0xB  }
0x9f: {  	_ =	swait.ge @!p0 [sflag:s0], s1  }
0xa0: {  	s1 =	ssub.s32 @!p0 $0x0, s1;
	[sflag:s0] =	ssyncset.done @!p0 $0x0  }
0xa1: {  	[sflag:s0] =	ssyncadd.s32 @!p0 s1  }
0xa2: {  	[bflag:$0x3] =	sbarrier.arrive $0xFFFF  }
0xa3: {  	_ =	shalt  }

// kernel: kernel.8.cloned.1.call-start
scs
__scs_entry_jumppad:
0x0: {  	(pc) =	sbr.rel $0x88, $3  }
0x1: {  	(tag) =	ssettag $0x0;
	lr =	simm.s32 $0x1  }
0x2: {  	[smem:$0x3F98] =	sst lr;
	_ =	strace $0xD0000000  }
0x3: {  	_ = 	snop  }
0x4: {  	_ = 	snop  }
0x5: {  	_ = 	snop  }
0x6: {  	_ = 	snop  }
0x7: {  	_ = 	snop  }
__scs_overlays_trampoline_lowered:
0x8: {  	[smem:$0x3FA7] =	sst s0  }
0x9: {  	[smem:$0x3FA8] =	sst s1  }
0xa: {  	[smem:$0x3FA9] =	sst s2  }
0xb: {  	[smem:$0x3FAA] =	sst s3  }
0xc: {  	[smem:$0x3FAB] =	sst s4  }
0xd: {  	[smem:$0x3FAC] =	sst s5  }
0xe: {  	[smem:$0x3FAD] =	sst s6  }
0xf: {  	[smem:$0x3FAE] =	sst s7  }
0x10: {  	[smem:$0x3FAF] =	sst s8  }
0x11: {  	[smem:$0x3FB0] =	sst s9;
	s0 =	simm.s32 @!p0 $0x0  }
0x12: {  	s1 =	sld [smem:$0x3F96];
	s0 =	simm.s32 @p0 $0x1  }
0x13: {  	[smem:$0x3FB1] =	sst s0;
	s0 =	simm.s32 @!p1 $0x0  }
0x14: {  	s2 =	sld [smem:$0x3F95];
	s0 =	simm.s32 @p1 $0x1  }
0x15: {  	[smem:$0x3FB2] =	sst s0;
	s0 =	simm.s32 @!p2 $0x0  }
0x16: {  	s3 =	sld [smem:$0x3FDB];
	s0 =	simm.s32 @p2 $0x1  }
0x17: {  	s4 =	simm.s32 $0x1BF5;
	[smem:$0x3FB4] =	sst s0  }
0x18: {  	s0 =	sld [smem:$0x3F97];
	_ =	swait.ge [sflag:s4], $0x0  }
0x19: {  	s7 =	sld [smem:$0x3F98]  }
0x1a: {  	s8 =	sadd.s32 $0xFFFFE003, lr  }
0x1b: {  	s9 =	sadd.s32 $0xFFFFFEF7, lr;
	s5 =	simm.s32 $0xFFFFFFFF;
	p2 =	slt.u32 s8, $0xFFFFF086  }
0x1c: {  	p1 =	slt.u32 s9, $0xF7A;
	s5 =	simm.s32 @!p2 $0x0  }
0x1d: {  	s5 =	simm.s32 @p1 $0x1;
	p0 =	seq.s32 s7, s2  }
0x1e: {  	s7 =	smul.u32 @!p0 $0xF7A, s2;
	p2 =	seq.s32 @!p0 s5, $0x0  }
0x1f: {  	s9 =	smul.u32 $0xF7A, s1;
	s8 =	simm.s32 @!p0 $0x1BF5;
	p2 =	por !p2, p0  }
0x20: {  	[sflag:s8] =	ssyncset.s32 @!p0 $0xFFFFF086;
	s6 =	sadd.s32 @!p0 s3, s7;
	s7 =	simm.s32 @!p0 $0x108  }
0x21: {  	s3 =	sadd.s32 s3, s9;
	s6 =	sadd.s32 @!p0 $0x88, s6;
	s7 =	simm.s32 @p2 $0x1082  }
0x22: {  	[simem:s7], [sflag:s8] =	dma.local @!p0 [hbm:s6], $0xF7A  }
0x23: {  	s9 =	sor.u32 $0xD0000000, s2;
	s6 =	simm.s32 $0x108;
	_ =	swait.ge @!p0 [sflag:s8], $0x0  }
0x24: {  	s3 =	sadd.s32 $0x88, s3;
	s6 =	simm.s32 @!p1 $0x1082;
	[sflag:s4] =	ssyncset.s32 $0xFFFFF086  }
0x25: {  	[simem:s6], [sflag:s4] =	dma.local [hbm:s3], $0xF7A  }
0x26: {  	[smem:$0x3F98] =	sst s1;
	(tag) =	ssettag s2;
	_ =	strace s9  }
0x27: {  	s1 =	sld [smem:$0x3FA8]  }
0x28: {  	s2 =	sld [smem:$0x3FA9]  }
0x29: {  	s4 =	sld [smem:$0x3FAB]  }
0x2a: {  	p0 =	seq.s32 s5, $0x0;
	s5 =	sld [smem:$0x3FAC]  }
0x2b: {  	s6 =	sld [smem:$0x3FAD]  }
0x2c: {  	s7 =	sld [smem:$0x3FAE]  }
0x2d: {  	s3 =	simm.s32 $0x108;
	s8 =	sld [smem:$0x3FAF]  }
0x2e: {  	s3 =	simm.s32 @!p0 $0x1082;
	s9 =	sld [smem:$0x3FB0]  }
0x2f: {  	lr =	sadd.s32 s0, s3;
	s0 =	sld [smem:$0x3FA7]  }
0x30: {  	s3 =	sld [smem:$0x3FAA]  }
0x31: {  	[smem:$0x3FB3] =	sst s10  }
0x32: {  	s10 =	sld [smem:$0x3FB1];
	_ =	sdelay $0x3  }
0x33: {  	p0 =	seq.s32 s10, $0x1;
	s10 =	sld [smem:$0x3FB3];
	_ =	sdelay $0x3  }
0x34: {  	[smem:$0x3FB3] =	sst s10  }
0x35: {  	s10 =	sld [smem:$0x3FB2];
	_ =	sdelay $0x3  }
0x36: {  	p1 =	seq.s32 s10, $0x1;
	s10 =	sld [smem:$0x3FB3];
	_ =	sdelay $0x3  }
0x37: {  	[smem:$0x3FB3] =	sst s10  }
0x38: {  	s10 =	sld [smem:$0x3FB4]  }
0x39: {  	_ = 	snop;
	(pc) =	sbr.ind lr, $3  }
0x3a: {  	_ = 	snop  }
0x3b: {  	_ = 	snop  }
0x3c: {  	p2 =	seq.s32 s10, $0x1;
	s10 =	sld [smem:$0x3FB3]  }
0x3d: {  	_ =	shalt  }
0x3e: {  	_ =	shalt  }
0x3f: {  	_ =	shalt  }
0x40: {  	_ =	shalt  }
0x41: {  	_ =	shalt  }
0x42: {  	_ =	shalt  }
0x43: {  	_ =	shalt  }
0x44: {  	_ =	shalt  }
0x45: {  	_ =	shalt  }
0x46: {  	_ =	shalt  }
0x47: {  	_ =	shalt  }
0x48: {  	_ =	shalt  }
0x49: {  	_ =	shalt  }
0x4a: {  	_ =	shalt  }
0x4b: {  	_ =	shalt  }
0x4c: {  	_ =	shalt  }
0x4d: {  	_ =	shalt  }
0x4e: {  	_ =	shalt  }
0x4f: {  	_ =	shalt  }
0x50: {  	_ =	shalt  }
0x51: {  	_ =	shalt  }
0x52: {  	_ =	shalt  }
0x53: {  	_ =	shalt  }
0x54: {  	_ =	shalt  }
0x55: {  	_ =	shalt  }
0x56: {  	_ =	shalt  }
0x57: {  	_ =	shalt  }
0x58: {  	_ =	shalt  }
0x59: {  	_ =	shalt  }
0x5a: {  	_ =	shalt  }
0x5b: {  	_ =	shalt  }
0x5c: {  	_ =	shalt  }
0x5d: {  	_ =	shalt  }
0x5e: {  	_ =	shalt  }
0x5f: {  	_ =	shalt  }
0x60: {  	_ =	shalt  }
0x61: {  	_ =	shalt  }
0x62: {  	_ =	shalt  }
0x63: {  	_ =	shalt  }
0x64: {  	_ =	shalt  }
0x65: {  	_ =	shalt  }
0x66: {  	_ =	shalt  }
0x67: {  	_ =	shalt  }
0x68: {  	_ =	shalt  }
0x69: {  	_ =	shalt  }
0x6a: {  	_ =	shalt  }
0x6b: {  	_ =	shalt  }
0x6c: {  	_ =	shalt  }
0x6d: {  	_ =	shalt  }
0x6e: {  	_ =	shalt  }
0x6f: {  	_ =	shalt  }
0x70: {  	_ =	shalt  }
0x71: {  	_ =	shalt  }
0x72: {  	_ =	shalt  }
0x73: {  	_ =	shalt  }
0x74: {  	_ =	shalt  }
0x75: {  	_ =	shalt  }
0x76: {  	_ =	shalt  }
0x77: {  	_ =	shalt  }
0x78: {  	_ =	shalt  }
0x79: {  	_ =	shalt  }
0x7a: {  	_ =	shalt  }
0x7b: {  	_ =	shalt  }
0x7c: {  	_ =	shalt  }
0x7d: {  	_ =	shalt  }
0x7e: {  	_ =	shalt  }
0x7f: {  	_ =	shalt  }
0x80: {  	_ =	shalt  }
0x81: {  	_ =	shalt  }
0x82: {  	_ =	shalt  }
0x83: {  	_ =	shalt  }
0x84: {  	_ =	shalt  }
0x85: {  	_ =	shalt  }
0x86: {  	_ =	shalt  }
0x87: {  	_ =	shalt  }
.Lfunc_end0:
.L_simem_size_0:
called_computation_lowered:
.L_overlay_start_0:
0x88: {  	s2 =	sld [smem:$0x3FD9]  }
0x89: {  	s3 =	sld [smem:$0x3FFE];
	_ =	sdelay $0x1  }
0x8a: {  	s1 =	srdreg.scid  }
0x8b: {  	s0 =	sand.u32 $0x1, s1  }
0x8c: {  	s17 =	sshll.u32 s0, $0xA;
	s2 =	sadd.s32 s3, s2  }
0x8d: {  	s2 =	sadd.s32 s2, s17  }
0x8e: {  	[smem:$0x3FBF] =	sst s2  }
0x8f: {  	_ = 	snop  }
0x90: {  	s2 =	sld [smem:$0x3FD0];
	(tm) =	ssettm $0x1  }
0x91: {  	s18 =	sld [smem:$0x3FFB];
	_ =	sdelay $0x3  }
0x92: {  	_ =	strace s18  }
0x93: {  	s3 =	sld [smem:$0x3FFC];
	_ =	sdelay $0x3  }
0x94: {  	_ =	strace s3  }
0x95: {  	s3 =	sld [smem:$0x3FFD];
	_ =	sdelay $0x3  }
0x96: {  	_ =	strace s3  }
0x97: {  	_ =	strace $0x8FFFFFFF  }
0x98: {  	s19 =	sld [smem:$0x3FDB];
	_ =	sdelay $0x1  }
0x99: {  	s4 =	simm.s32 $_scs_section_size  }
0x9a: {  	s5 =	simm.s32 $_size__tile_overlayer_lowered;
	s6 =	simm.s32 $_tile_overlayer_lowered  }
0x9b: {  	s22 =	simm.s32 $0x1BFF;
	s21 =	sshll.u32 s6, $0x1;
	s3 =	sadd.s32 s4, s19  }
0x9c: {  	s7 =	simm.s32 $0x0;
	s20 =	sshll.u32 s5, $0x1;
	s5 =	sadd.s32 s21, s3  }
0x9d: {  	[timem:s7], [sflag:s22] =	dma.local [hbm:s5], s20  }
0x9e: {  	_ =	swait.ge [sflag:s22], s20  }
0x9f: {  	s4 =	ssub.s32 $0x0, s20;
	[sflag:s22] =	ssyncset.done $0x0  }
0xa0: {  	[sflag:s22] =	ssyncadd.s32 s4;
	_ =	sdelay $0x1  }
0xa1: {  	s23 =	simm.s32 $0x1B8B  }
0xa2: {  	_ =	swait.ge [sflag:s23], $0x1  }
0xa3: {  	[sflag:s23] =	ssyncset.done $0x0  }
0xa4: {  	s25 =	simm.s32 $0x1B8E;
	s24 =	sld [smem:$0x3FFE];
	[sflag:s23] =	ssyncadd.s32 $0xFFFFFFFF  }
0xa5: {  	s26 =	simm.s32 $execute0_lowered;
	[smem:$0x3FD2] =	sst s25  }
0xa6: {  	s5 =	sshll.u32 s26, $0x1;
	_ =	strace $0x80000046;
	[dreg:$0x1] =	wrdreg $0xFFFFFFFF  }
0xa7: {  	s28 =	simm.s32 $_size_execute0_lowered;
	s3 =	sadd.s32 s3, s5;
	[dreg:$0x0] =	wrdreg $0x0  }
0xa8: {  	s5 =	sshll.u32 s28, $0x1;
	[dreg:$0x2] =	wrdreg s3  }
0xa9: {  	[dreg:$0x3] =	wrdreg s5  }
0xaa: {  	[dreg:$0x4] =	wrdreg $0xC0  }
0xab: {  	_ =	task [dreg:s7], $0x5FFFF  }
0xac: {  	[dreg:$0x1] =	wrdreg $0xFFFFFFFF  }
0xad: {  	[dreg:$0x0] =	wrdreg $0x60  }
0xae: {  	[dreg:$0x2] =	wrdreg s24  }
0xaf: {  	[dreg:$0x3] =	wrdreg s2  }
0xb0: {  	[dreg:$0x4] =	wrdreg $0x0  }
0xb1: {  	[dreg:$0x5] =	wrdreg $0x9  }
0xb2: {  	_ =	task.clear_ibuf [dreg:s7], $0x6FFFF;
	_ =	strace $0x90000046  }
0xb3: {  	s29 =	simm.s32 $0x9;
	_ =	strace $0x80000048  }
0xb4: {  	_ =	swait.ge [sflag:s29], $0x1  }
0xb5: {  	[sflag:s29] =	ssyncadd.s32 $0xFFFFFFFF  }
0xb6: {  	_ =	strace $0x90000048  }
0xb7: {  	_ =	sfence  }
0xb8: {  	s30 =	sld [smem:$0x0];
	_ =	sdelay $0x2  }
0xb9: {  	s31 =	sshll.u32 s1, $0xD;
	s1 =	sshrl.u32 s1, $0x2  }
0xba: {  	s3 =	sand.u32 $0x4000, s31;
	s1 =	sadd.s32 s1, s30  }
0xbb: {  	s0 =	sor.u32 s3, s0;
	s1 =	sshll.u32 s1, $0x11  }
0xbc: {  	s0 =	sor.u32 s1, s0  }
0xbd: {  	s0 =	sadd.s32 $0x8F2B, s0  }
0xbe: {  	[sflag:s0] =	ssyncadd.remote.s32 $0x1  }
0xbf: {  	_ =	sfence.sel $0xFFFF  }
0xc0: {  	[dreg:$0x0] =	wrdreg $0xFFFFFFFF;
	(pc) =	sbr.abs _section_cstart, $3  }
0xc1: {  	[dreg:$0x1] =	wrdreg $0xFFFFFFFF  }
0xc2: {  	_ =	task.clear_ibuf [dreg:s7], $0x2FFFF;
	_ =	strace $0x9FFFFFFF  }
0xc3: {  	(tm) =	ssettm $0x7FFFFFFF  }
tec
execute0_lowered:
.L_overlay_start_1:
0x0: {  	(tag) =	ssettag $0x1  }
0x1: {  	s6 =	rddreg [dreg:$0x0]  }
0x2: {  	s2 =	rddreg [dreg:$0x1]  }
0x3: {  	s3 =	rddreg [dreg:$0x2]  }
0x4: {  	s0 =	rddreg [dreg:$0x3]  }
0x5: {  	s4 =	simm.s32 $0x0;
	s1 =	stileid.u32;
	s5 =	srdreg.scid  }
0x6: {  	s14 =	simm.s32 $0x50;
	s15 =	simm.s32 $0x1;
	s16 =	simm.s32 $0x20  }
0x7: {  	s17 =	simm.s32 $0x10;
	s18 =	simm.s32 $0x0;
	[smem:$0x7FF] =	sst s4  }
0x8: {  	s7 =	sand.u32 $0x1, s5;
	s8 =	smul.u32 $0x500, s1;
	s26 =	sshll.u32 s1, $0xB  }
0x9: {  	s5 =	sadd.s32 $0x25A00, s6;
	s11 =	smul.u32 $0xA00, s1;
	s12 =	sshll.u32 s1, $0x6  }
0xa: {  	_ =	strace $0x80000047;
	s9 =	sshll.u32 s7, $0x7;
	s10 =	sadd.s32 s26, s6  }
0xb: {  	s28 =	ssub.s32 $0x2, s7;
	s7 =	sshll.u32 s7, $0xF;
	s12 =	sor.u32 $0x1C02, s12  }
0xc: {  	s8 =	sor.u32 s9, s8;
	s29 =	sshrl.u32 s28, $0x1;
	s30 =	sadd.s32 s7, s10  }
0xd: {  	s31 =	sshrl.u32 s11, $0x2;
	s10 =	simm.s32 $0x2;
	s11 =	simm.s32 $0x4280  }
0xe: {  	s8 =	sshrl.u32 s8, $0x3;
	s9 =	ssub.s32 s28, s29;
	s13 =	sadd.s32 s31, s3  }
0xf: {  	s8 =	sadd.s32 s8, s6;
	s6 =	sadd.s32 $0x15A00, s30;
	s13 =	sshrl.u32 s13, $0x3  }
0x10: {  	s7 =	sadd.s32 $0x25C00, s8;
	s8 =	smax.u32 s9, $0x1;
	s9 =	simm.s32 $0x280  }
.LBB2_1:
0x11: {  	[tilespmem:s9], [sflag:$0x2] =	stream.linear.gather [hbm4b:s6+s4], $0x3E80, $0x38;
	[tilespmem:$0x4300] =	vst v63  }
0x12: {  	_ =	swait.ge [sflag:s10], $0x3E80  }
0x13: {  	[sflag:s10] =	ssyncset.done $0x0  }
0x14: {  	[sflag:s10] =	ssyncadd.s32 $0xFFFFC180  }
0x15: {  	[tilespmem:s11], [sflag:$0x2] =	stream.linear.gather [hbm4b:s2+s4], $0x80, $0x38;
	[tilespmem:$0x4300] =	vst v63  }
0x16: {  	_ =	swait.ge [sflag:s10], $0x80  }
0x17: {  	[sflag:s10] =	ssyncset.done $0x0  }
0x18: {  	[sflag:s10] =	ssyncadd.s32 $0xFFFFFF80  }
0x19: {  	[spmem:s13], [sflag:s12] =	dma.local [hbm:s5], $0x50  }
0x1a: {  	_ =	swait.ge [sflag:s10], $0x50  }
0x1b: {  	[sflag:s10] =	ssyncset.done $0x0  }
0x1c: {  	[sflag:s10] =	ssyncadd.s32 $0xFFFFFFB0  }
0x1d: {  	s19 =	simm.s32 $0x0;
	[bflag:$0x0] =	sbarrier.arrive $0xFFFF  }
.LBB2_2:
0x1e: {  	p0 =	sne.s32 s19, $0xF800  }
.Ltmp0:
0x1f: {  	_ = 	snop;
	(pc) =	sbr.rel @p0 .LBB2_2-.Ltmp0, $4  }
0x20: {  	_ = 	snop  }
0x21: {  	s20 =	sshra.s32 s19, $0x2  }
0x22: {  	s19 =	sadd.s32 $0x200, s19;
	s20 =	sadd.s32 $0x280, s20  }
0x23: {  	[spmem:s3] =	stream.indirect.scatter.add.f32 [tilespmem:s11], [sflag:$0x1], $0x1, s20, s14, $0xb8;
	[tilespmem:$0x4300] =	vst v63  }
0x24: {  	_ =	swait.ge [sflag:s15], $0x50  }
0x25: {  	s19 =	simm.s32 $0x7C;
	[sflag:s15] =	ssyncset.done $0x0  }
.LBB2_4:
0x26: {  	p0 =	sne.s32 s19, $0x1;
	s19 =	sadd.s32 $0xFFFFFFFF, s19;
	[sflag:s15] =	ssyncadd.s32 $0xFFFFFFB0  }
.Ltmp1:
0x27: {  	(pc) =	sbr.rel @p0 .LBB2_4-.Ltmp1, $3  }
0x28: {  	_ =	sdelay $0x1  }
0x29: {  	_ =	swait.ge [sflag:s15], $0x50  }
0x2a: {  	[sflag:s15] =	ssyncset.done $0x0  }
0x2b: {  	s18 =	sadd.s32 $0x1, s18  }
0x2c: {  	[sflag:s15] =	ssyncadd.s32 $0xFFFFFFB0;
	p0 =	sne.s32 s18, s8  }
.Ltmp2:
0x2d: {  	[bflag:$0x0] =	sbarrier.arrive $0xFFFF;
	(pc) =	sbr.rel @p0 .LBB2_1-.Ltmp2, $4  }
0x2e: {  	[hbm:s7@s16], [sflag:s12] =	dma.strided [spmem:s13@s17], $0x50, s15, $0x10   }
0x2f: {  	_ =	swait.ge [sflag:s10], $0x50  }
0x30: {  	[sflag:s10] =	ssyncset.done $0x0  }
0x31: {  	[sflag:s10] =	ssyncadd.s32 $0xFFFFFFB0  }
0x32: {  	_ =	sfence.sel $0x180000  }
0x33: {  	[bflag:$0x0] =	sbarrier.arrive $0xFFFF  }
0x34: {  	p0 =	sne.s32 s1, $0x0;
	_ =	strace $0x90000047  }
0x35: {  	s0 =	sadd.s32 @!p0 $0x100000, s0;
	[bflag:$0x2] =	sbarrier.arrive $0xFFFF  }
0x36: {  	[sflag:s0] =	ssyncadd.tile.s32 @!p0 $0x1;
	_ =	shalt  }
.Lfunc_end2:
_tile_overlayer_lowered:
.L_overlay_start_2:
0x37: {  	(tag) =	ssettag $0x2  }
0x38: {  	s0 =	rddreg [dreg:$0x0];
	s2 =	stileid.u32  }
0x39: {  	s1 =	rddreg [dreg:$0x1];
	p0 =	sne.s32 s2, $0x0  }
0x3a: {  	s3 =	rddreg [dreg:$0x2];
	[bflag:$0x3] =	sbarrier.arrive $0xFFFF;
	s2 =	simm.s32 @!p0 $0x1C02  }
0x3b: {  	[timem:s3], [sflag:s2] =	dma.local @!p0 [hbm:s0], s1  }
0x3c: {  	s0 =	simm.s32 @!p0 $0x2  }
0x3d: {  	_ =	swait.ge @!p0 [sflag:s0], s1  }
0x3e: {  	s1 =	ssub.s32 @!p0 $0x0, s1;
	[sflag:s0] =	ssyncset.done @!p0 $0x0  }
0x3f: {  	[sflag:s0] =	ssyncadd.s32 @!p0 s1  }
0x40: {  	[bflag:$0x3] =	sbarrier.arrive $0xFFFF  }
0x41: {  	_ =	shalt  }

</sc_bundles>
